<compile_context>
chip_gen: v7x
topology: tpu7x:2x2x1
jax: 0.10.2.dev20260603
libtpu: 0.0.44.dev20260713+nightly
codegen_flags: <defaults>
</compile_context>

<pallas_src>
import functools

import jax
import jax.numpy as jnp
from jax import lax
from jax.experimental import pallas as pl
from jax.experimental.pallas import tpu as pltpu
from jax.experimental.pallas import tpu_sc as plsc

N = 10000
E = 320000
D = 128
H1 = 32
H2 = 16

NC = 2
NS = 16
NW = NC * NS
K = 128
CH = E // K
C1 = -(-CH // NW)
C2 = CH - (NW - 1) * C1
NBUF = 4
RPT = 632
NP = NS * RPT
NA = NP

_MESH = dict(core_axis_name="c", subcore_axis_name="s")
_SC_PARAMS = pltpu.CompilerParams(use_tc_tiling_on_sc=False)
_MAGIC = 0x5F3759DF


def _rsqrt16(dv):
  ii = lax.bitcast_convert_type(dv, jnp.int32)
  ii = _MAGIC - lax.shift_right_logical(ii, 1)
  g = lax.bitcast_convert_type(ii, jnp.float32)
  g = g * (1.5 - 0.5 * dv * g * g)
  g = g * (1.5 - 0.5 * dv * g * g)
  g = g * (1.5 - 0.5 * dv * g * g)
  return g


@functools.partial(
    pl.kernel,
    out_type=[
        jax.ShapeDtypeStruct((NC, NP, H1), jnp.float32),
        jax.ShapeDtypeStruct((NP, 16), jnp.float32),
    ],
    mesh=plsc.VectorSubcoreMesh(**_MESH),
    scratch_types=[
        pltpu.VMEM((C1 * K,), jnp.int32),
        pltpu.VMEM((C1 * K,), jnp.int32),
        pltpu.VMEM((NBUF, K, H1), jnp.float32),
        pltpu.VMEM((RPT, H1), jnp.float32),
        pltpu.VMEM((RPT, 16), jnp.float32),
        pltpu.VMEM((RPT, 16), jnp.float32),
        pltpu.VMEM_SHARED((NA, H1), jnp.float32),
        pltpu.VMEM_SHARED((NA, H1), jnp.float32),
        pltpu.SemaphoreType.DMA,
        pltpu.SemaphoreType.DMA,
        pltpu.SemaphoreType.DMA,
    ],
    compiler_params=_SC_PARAMS,
)
def _agg32(u, degp, ei, zeros_h, out, dis_out,
           sidx, didx, rows, uloc, d0, d1, acc, ysp, gsem, ssem, isem):
  cid = lax.axis_index("c")
  sid = lax.axis_index("s")
  wid = sid * NC + cid
  ebase = wid * C1 * K
  is_last = wid == NW - 1
  n = jnp.where(is_last, C2, C1)
  slab = pl.ds(sid * RPT, RPT)

  @pl.when(jnp.logical_not(is_last))
  def _():
    pltpu.async_copy(ei.at[0, pl.ds(ebase, C1 * K)], sidx, isem)
    pltpu.async_copy(ei.at[1, pl.ds(ebase, C1 * K)], didx, isem)

  @pl.when(is_last)
  def _():
    pltpu.async_copy(ei.at[0, pl.ds(ebase, C2 * K)],
                     sidx.at[pl.ds(0, C2 * K)], isem)
    pltpu.async_copy(ei.at[1, pl.ds(ebase, C2 * K)],
                     didx.at[pl.ds(0, C2 * K)], isem)

  pltpu.sync_copy(u.at[slab], uloc)
  pltpu.sync_copy(degp.at[0, slab], d0)
  pltpu.sync_copy(degp.at[1, slab], d1)

  def prow(r, carry):
    g = _rsqrt16(d0[r] + d1[r] + 1.0)
    d0[r] = g
    for t in range(H1 // 16):
      uloc[r, pl.ds(16 * t, 16)] = uloc[r, pl.ds(16 * t, 16)] * g
    return carry

  lax.fori_loop(0, RPT, prow, 0)

  pltpu.sync_copy(uloc, ysp.at[slab])

  @pl.when(cid == 0)
  def _():
    pltpu.sync_copy(uloc, acc.at[slab])
    pltpu.sync_copy(d0, dis_out.at[slab])

  @pl.when(cid != 0)
  def _():
    pltpu.sync_copy(zeros_h.at[slab], acc.at[slab])

  @pl.when(jnp.logical_not(is_last))
  def _():
    pltpu.make_async_copy(ei.at[0, pl.ds(ebase, C1 * K)], sidx, isem).wait()
    pltpu.make_async_copy(ei.at[1, pl.ds(ebase, C1 * K)], didx, isem).wait()

  @pl.when(is_last)
  def _():
    pltpu.make_async_copy(ei.at[0, pl.ds(ebase, C2 * K)],
                          sidx.at[pl.ds(0, C2 * K)], isem).wait()
    pltpu.make_async_copy(ei.at[1, pl.ds(ebase, C2 * K)],
                          didx.at[pl.ds(0, C2 * K)], isem).wait()

  plsc.subcore_barrier()

  pltpu.async_copy(ysp.at[sidx.at[pl.ds(0, K)]], rows.at[0], gsem)
  pltpu.async_copy(ysp.at[sidx.at[pl.ds(K, K)]], rows.at[1], gsem)

  def body(j, carry):
    b = lax.rem(j, NBUF)

    @pl.when(j >= 2)
    def _():
      pltpu.make_async_copy(
          rows.at[lax.rem(j + 2, NBUF)],
          acc.at[didx.at[pl.ds((j - 2) * K, K)]], ssem).wait()

    @pl.when(j + 2 < n)
    def _():
      pltpu.async_copy(
          ysp.at[sidx.at[pl.ds((j + 2) * K, K)]],
          rows.at[lax.rem(j + 2, NBUF)], gsem)

    pltpu.make_async_copy(
        ysp.at[sidx.at[pl.ds(j * K, K)]], rows.at[b], gsem).wait()
    pltpu.async_copy(rows.at[b], acc.at[didx.at[pl.ds(j * K, K)]], ssem,
                     add=True)
    return carry

  lax.fori_loop(0, n, body, 0)
  pltpu.make_async_copy(
      rows.at[0], acc.at[didx.at[pl.ds(0, K)]], ssem).wait()
  pltpu.make_async_copy(
      rows.at[0], acc.at[didx.at[pl.ds(0, K)]], ssem).wait()
  plsc.subcore_barrier()
  pltpu.sync_copy(acc.at[slab], out.at[cid, slab])


@functools.partial(
    pl.kernel,
    out_type=jax.ShapeDtypeStruct((NC, NP, H2), jnp.float32),
    mesh=plsc.VectorSubcoreMesh(**_MESH),
    scratch_types=[
        pltpu.VMEM((C1 * K,), jnp.int32),
        pltpu.VMEM((C1 * K,), jnp.int32),
        pltpu.VMEM((NBUF, K, H2), jnp.float32),
        pltpu.VMEM((RPT, H2), jnp.float32),
        pltpu.VMEM((RPT, 16), jnp.float32),
        pltpu.VMEM_SHARED((NA, H2), jnp.float32),
        pltpu.VMEM_SHARED((NA, H2), jnp.float32),
        pltpu.SemaphoreType.DMA,
        pltpu.SemaphoreType.DMA,
        pltpu.SemaphoreType.DMA,
    ],
    compiler_params=_SC_PARAMS,
)
def _agg16(u, dis16, ei, zeros_h, out,
           sidx, didx, rows, uloc, dloc, acc, ysp, gsem, ssem, isem):
  cid = lax.axis_index("c")
  sid = lax.axis_index("s")
  wid = sid * NC + cid
  ebase = wid * C1 * K
  is_last = wid == NW - 1
  n = jnp.where(is_last, C2, C1)
  slab = pl.ds(sid * RPT, RPT)

  @pl.when(jnp.logical_not(is_last))
  def _():
    pltpu.async_copy(ei.at[0, pl.ds(ebase, C1 * K)], sidx, isem)
    pltpu.async_copy(ei.at[1, pl.ds(ebase, C1 * K)], didx, isem)

  @pl.when(is_last)
  def _():
    pltpu.async_copy(ei.at[0, pl.ds(ebase, C2 * K)],
                     sidx.at[pl.ds(0, C2 * K)], isem)
    pltpu.async_copy(ei.at[1, pl.ds(ebase, C2 * K)],
                     didx.at[pl.ds(0, C2 * K)], isem)

  pltpu.sync_copy(u.at[slab], uloc)
  pltpu.sync_copy(dis16.at[slab], dloc)

  def prow(r, carry):
    uloc[r] = uloc[r] * dloc[r]
    return carry

  lax.fori_loop(0, RPT, prow, 0)

  pltpu.sync_copy(uloc, ysp.at[slab])

  @pl.when(cid == 0)
  def _():
    pltpu.sync_copy(uloc, acc.at[slab])

  @pl.when(cid != 0)
  def _():
    pltpu.sync_copy(zeros_h.at[slab], acc.at[slab])

  @pl.when(jnp.logical_not(is_last))
  def _():
    pltpu.make_async_copy(ei.at[0, pl.ds(ebase, C1 * K)], sidx, isem).wait()
    pltpu.make_async_copy(ei.at[1, pl.ds(ebase, C1 * K)], didx, isem).wait()

  @pl.when(is_last)
  def _():
    pltpu.make_async_copy(ei.at[0, pl.ds(ebase, C2 * K)],
                          sidx.at[pl.ds(0, C2 * K)], isem).wait()
    pltpu.make_async_copy(ei.at[1, pl.ds(ebase, C2 * K)],
                          didx.at[pl.ds(0, C2 * K)], isem).wait()

  plsc.subcore_barrier()

  pltpu.async_copy(ysp.at[sidx.at[pl.ds(0, K)]], rows.at[0], gsem)
  pltpu.async_copy(ysp.at[sidx.at[pl.ds(K, K)]], rows.at[1], gsem)

  def body(j, carry):
    b = lax.rem(j, NBUF)

    @pl.when(j >= 2)
    def _():
      pltpu.make_async_copy(
          rows.at[lax.rem(j + 2, NBUF)],
          acc.at[didx.at[pl.ds((j - 2) * K, K)]], ssem).wait()

    @pl.when(j + 2 < n)
    def _():
      pltpu.async_copy(
          ysp.at[sidx.at[pl.ds((j + 2) * K, K)]],
          rows.at[lax.rem(j + 2, NBUF)], gsem)

    pltpu.make_async_copy(
        ysp.at[sidx.at[pl.ds(j * K, K)]], rows.at[b], gsem).wait()
    pltpu.async_copy(rows.at[b], acc.at[didx.at[pl.ds(j * K, K)]], ssem,
                     add=True)
    return carry

  lax.fori_loop(0, n, body, 0)
  pltpu.make_async_copy(
      rows.at[0], acc.at[didx.at[pl.ds(0, K)]], ssem).wait()
  pltpu.make_async_copy(
      rows.at[0], acc.at[didx.at[pl.ds(0, K)]], ssem).wait()
  plsc.subcore_barrier()
  pltpu.sync_copy(acc.at[slab], out.at[cid, slab])


@functools.partial(
    pl.kernel,
    out_type=jax.ShapeDtypeStruct((NC, NP, 16), jnp.float32),
    mesh=plsc.VectorSubcoreMesh(**_MESH),
    scratch_types=[
        pltpu.VMEM((C1 * K,), jnp.int32),
        pltpu.VMEM((K, 16), jnp.float32),
        pltpu.VMEM_SHARED((NA, 16), jnp.float32),
        pltpu.SemaphoreType.DMA,
        pltpu.SemaphoreType.DMA,
    ],
    compiler_params=_SC_PARAMS,
)
def _deg_sc(zeros_nh, ones_kh, ei, out, didx, ones_v, acc, ssem, isem):
  cid = lax.axis_index("c")
  sid = lax.axis_index("s")
  wid = sid * NC + cid
  ebase = wid * C1 * K
  is_last = wid == NW - 1
  n = jnp.where(is_last, C2, C1)

  @pl.when(jnp.logical_not(is_last))
  def _():
    pltpu.async_copy(ei.at[1, pl.ds(ebase, C1 * K)], didx, isem)

  @pl.when(is_last)
  def _():
    pltpu.async_copy(ei.at[1, pl.ds(ebase, C2 * K)],
                     didx.at[pl.ds(0, C2 * K)], isem)

  pltpu.sync_copy(ones_kh, ones_v)
  pltpu.sync_copy(zeros_nh.at[pl.ds(sid * RPT, RPT)],
                  acc.at[pl.ds(sid * RPT, RPT)])

  @pl.when(jnp.logical_not(is_last))
  def _():
    pltpu.make_async_copy(ei.at[1, pl.ds(ebase, C1 * K)], didx, isem).wait()

  @pl.when(is_last)
  def _():
    pltpu.make_async_copy(ei.at[1, pl.ds(ebase, C2 * K)],
                          didx.at[pl.ds(0, C2 * K)], isem).wait()

  plsc.subcore_barrier()

  def body(j, carry):
    @pl.when(j >= 4)
    def _():
      pltpu.make_async_copy(
          ones_v, acc.at[didx.at[pl.ds(0, K)]], ssem).wait()

    pltpu.async_copy(ones_v, acc.at[didx.at[pl.ds(j * K, K)]], ssem,
                     add=True)
    return carry

  lax.fori_loop(0, n, body, 0)
  for _ in range(4):
    pltpu.make_async_copy(ones_v, acc.at[didx.at[pl.ds(0, K)]], ssem).wait()
  plsc.subcore_barrier()
  pltpu.sync_copy(acc.at[pl.ds(sid * RPT, RPT)],
                  out.at[cid, pl.ds(sid * RPT, RPT)])


def _tc0_body(x, w1, u_ref):
  u_ref[0:N, :] = jnp.dot(x[...], w1[...],
                          preferred_element_type=jnp.float32)
  u_ref[N:NP, :] = jnp.zeros((NP - N, H1), jnp.float32)


def _tc2_body(zpr, disp, b1r, w2, u2_ref):
  d16 = disp[...]
  d32 = jnp.concatenate(
      [d16[:, 16 * c:16 * (c + 1)] for c in range(4) for _ in range(2)],
      axis=1)
  z4 = zpr[0, :, :] + zpr[1, :, :]
  h4 = jnp.maximum(z4 * d32 + b1r[...], 0.0)
  parts = [
      jnp.dot(h4[:, 32 * c:32 * (c + 1)], w2[...],
              preferred_element_type=jnp.float32)
      for c in range(4)
  ]
  u2_ref[...] = jnp.concatenate(parts, axis=1)


def _tc3_body(zpr, disp, b2r, wout, bout, embp_ref, logitp_ref):
  z8 = zpr[0, :, :] + zpr[1, :, :]
  emb8 = jnp.maximum(z8 * disp[...] + b2r[...], 0.0)
  embp_ref[...] = emb8
  parts = [
      jnp.dot(emb8[:, 16 * c:16 * (c + 1)], wout[...],
              preferred_element_type=jnp.float32)
      for c in range(8)
  ]
  logitp_ref[...] = jnp.concatenate(parts, axis=1) + bout[0, 0]


def kernel(x, edge_index, W1, b1, W2, b2, Wout, bout):
  zeros_16 = jnp.zeros((NP, 16), jnp.float32)
  zeros_32 = jnp.zeros((NP, H1), jnp.float32)
  ones_kh = jnp.ones((K, 16), jnp.float32)

  degp = _deg_sc(zeros_16, ones_kh, edge_index)

  u1 = pl.pallas_call(
      _tc0_body,
      out_shape=jax.ShapeDtypeStruct((NP, H1), jnp.float32),
  )(x, W1)

  zp1, dis16 = _agg32(u1, degp, edge_index, zeros_32)

  b1r = jnp.tile(b1, 4).reshape(1, 128)
  u2p = pl.pallas_call(
      _tc2_body,
      out_shape=jax.ShapeDtypeStruct((NP // 4, 64), jnp.float32),
  )(zp1.reshape(NC, NP // 4, 128), dis16.reshape(NP // 4, 64), b1r, W2)

  zp2 = _agg16(u2p.reshape(NP, H2), dis16, edge_index, zeros_16)

  b2r = jnp.tile(b2, 8).reshape(1, 128)
  embp, logitp = pl.pallas_call(
      _tc3_body,
      out_shape=[
          jax.ShapeDtypeStruct((NP // 8, 128), jnp.float32),
          jax.ShapeDtypeStruct((NP // 8, 8), jnp.float32),
      ],
  )(zp2.reshape(NC, NP // 8, 128), dis16.reshape(NP // 8, 128), b2r, Wout,
    bout.reshape(1, 1))

  return (logitp.reshape(NP)[:N], embp.reshape(NP, H2)[:N])

# --- scband reference (transcript-rebuilt; emitter-appended) ---
"""Pipeline reference for scband-graph-detector-85976655331447 (READ-ONLY COPY).

The authoritative reference and input builder live on the scoring server;
editing this copy changes nothing except your own understanding.
"""

import jax, jax.numpy as jnp
import numpy as np

N = 10000
E = 320000
D = 128
H1 = 32
H2 = 16


def gcn_conv(x, edge_index, W, b):
    n = x.shape[0]
    loop = jnp.arange(n, dtype=edge_index.dtype)
    src = jnp.concatenate([edge_index[0], loop])
    dst = jnp.concatenate([edge_index[1], loop])
    xw = x @ W
    deg = jnp.zeros((n,), dtype=xw.dtype).at[dst].add(1.0)
    dis = jnp.where(deg > 0, 1.0 / jnp.sqrt(deg), 0.0)
    norm = dis[src] * dis[dst]
    msg = xw[src] * norm[:, None]
    out = jnp.zeros((n, xw.shape[1]), dtype=xw.dtype).at[dst].add(msg)
    return out + b


def setup_inputs(seed: int = 0) -> dict:
    key = jax.random.key(seed)
    ks = jax.random.split(key, 8)
    x = jax.random.normal(ks[0], (N, D), dtype=jnp.float32)
    edge_index = jax.random.randint(ks[1], (2, E), 0, N, dtype=jnp.int32)
    W1 = jax.random.normal(ks[2], (D, H1), dtype=jnp.float32) * (1.0 / np.sqrt(D))
    b1 = jnp.zeros((H1,), dtype=jnp.float32)
    W2 = jax.random.normal(ks[3], (H1, H2), dtype=jnp.float32) * (1.0 / np.sqrt(H1))
    b2 = jnp.zeros((H2,), dtype=jnp.float32)
    Wout = jax.random.normal(ks[4], (H2, 1), dtype=jnp.float32) * (1.0 / np.sqrt(H2))
    bout = jnp.zeros((1,), dtype=jnp.float32)
    return {"x": x, "edge_index": edge_index, "W1": W1, "b1": b1, "W2": W2, "b2": b2, "Wout": Wout, "bout": bout}


def reference(x, edge_index, W1, b1, W2, b2, Wout, bout):
    h = jax.nn.relu(gcn_conv(x, edge_index, W1, b1))
    embedding = jax.nn.relu(gcn_conv(h, edge_index, W2, b2))
    logits = (embedding @ Wout + bout).squeeze(-1)
    return (logits, embedding)

if __name__ == "__main__":
    import jax
    _d = setup_inputs()
    print(jax.jit(kernel)(*tuple(_d.values())))

</pallas_src>

<mosaic_0001>
#map = affine_map<(d0, d1) -> (0, 0)>
#map1 = affine_map<(d0, d1) -> (0, 0, 0)>
module attributes {stable_mosaic.version = 14 : i64} {
  func.func @_deg_sc(%arg0: i32, %arg1: i32, %arg2: memref<10112x16xf32, #tpu.memory_space<hbm>>, %arg3: memref<128x16xf32, #tpu.memory_space<hbm>>, %arg4: memref<2x320000xi32, #tpu.memory_space<hbm>>, %arg5: memref<2x10112x16xf32, #tpu.memory_space<hbm>>, %arg6: memref<10112xi32, #tpu.memory_space<vmem>>, %arg7: memref<128x16xf32, #tpu.memory_space<vmem>>, %arg8: memref<10112x16xf32, #tpu.memory_space<vmem_shared>>, %arg9: memref<!tpu.dma_semaphore, #tpu.memory_space<semaphore_mem>>, %arg10: memref<!tpu.dma_semaphore, #tpu.memory_space<semaphore_mem>>) attributes {dimension_semantics = [#tpu.dimension_semantics<core_parallel>, #tpu.dimension_semantics<subcore_parallel>], iteration_bounds = array<i64: 2, 16>, scalar_prefetch = 0 : i64, scratch_operands = 5 : i64, tpu.core_type = #tpu.core_type<sc_vector_subcore>, window_params = [{transform_indices = #map}, {transform_indices = #map}, {transform_indices = #map}, {transform_indices = #map1}]} {
    %mul3A = arith.constant 2 : i32
    %mul3A_0 = arith.muli %arg1, %mul3A : i32
    %add3A = arith.addi %mul3A_0, %arg0 : i32
    %mul3A_1 = arith.constant 79 : i32
    %mul3A_2 = arith.muli %add3A, %mul3A_1 : i32
    %mul3A_3 = arith.constant 128 : i32
    %mul3A_4 = arith.muli %mul3A_2, %mul3A_3 : i32
    %eq3A = arith.constant 31 : i32
    %eq3A_5 = arith.cmpi eq, %add3A, %eq3A : i32
    %jit3A = arith.constant 51 : i32
    %jit3A_6 = arith.constant 79 : i32
    %select_n3A = arith.select %eq3A_5, %jit3A, %jit3A_6 : i32
    %not3A = arith.constant true
    %not3A_7 = arith.xori %eq3A_5, %not3A : i1
    %convert_element_type3A = arith.extui %not3A_7 : i1 to i32
    %cond3A = arith.constant 0 : i32
    %cond3A_8 = arith.cmpi ne, %convert_element_type3A, %cond3A : i32
    scf.if %cond3A_8 {
      %dma_start3A = arith.constant 1 : i32
      %dma_start3A_57 = tpu.memref_slice %arg4[%dma_start3A, %mul3A_4] : memref<2x320000xi32, #tpu.memory_space<hbm>> -> memref<1x10112xi32, #tpu.memory_space<hbm>>
      %dma_start3A_58 = tpu.memref_squeeze %dma_start3A_57 : memref<1x10112xi32, #tpu.memory_space<hbm>> -> memref<10112xi32, #tpu.memory_space<hbm>>
      %dma_start3A_59 = tpu.memref_slice %arg4[%dma_start3A, %mul3A_4] : memref<2x320000xi32, #tpu.memory_space<hbm>> -> memref<1x10112xi32, #tpu.memory_space<hbm>>
      %dma_start3A_60 = tpu.memref_squeeze %dma_start3A_59 : memref<1x10112xi32, #tpu.memory_space<hbm>> -> memref<10112xi32, #tpu.memory_space<hbm>>
      tpu.enqueue_dma source(%dma_start3A_60 : memref<10112xi32, #tpu.memory_space<hbm>>) target(%arg6 : memref<10112xi32, #tpu.memory_space<vmem>>) target_semaphore(%arg10 : memref<!tpu.dma_semaphore, #tpu.memory_space<semaphore_mem>>)
    } else {
    }
    %convert_element_type3A_9 = arith.extui %eq3A_5 : i1 to i32
    %cond3A_10 = arith.constant 0 : i32
    %cond3A_11 = arith.cmpi ne, %convert_element_type3A_9, %cond3A_10 : i32
    scf.if %cond3A_11 {
      %dma_start3A = arith.constant 1 : i32
      %dma_start3A_57 = arith.constant 0 : i32
      %dma_start3A_58 = tpu.memref_slice %arg6[%dma_start3A_57] : memref<10112xi32, #tpu.memory_space<vmem>> -> memref<6528xi32, #tpu.memory_space<vmem>>
      %dma_start3A_59 = tpu.memref_slice %arg4[%dma_start3A, %mul3A_4] : memref<2x320000xi32, #tpu.memory_space<hbm>> -> memref<1x6528xi32, #tpu.memory_space<hbm>>
      %dma_start3A_60 = tpu.memref_squeeze %dma_start3A_59 : memref<1x6528xi32, #tpu.memory_space<hbm>> -> memref<6528xi32, #tpu.memory_space<hbm>>
      %dma_start3A_61 = arith.constant 0 : i32
      %dma_start3A_62 = tpu.memref_slice %arg6[%dma_start3A_61] : memref<10112xi32, #tpu.memory_space<vmem>> -> memref<6528xi32, #tpu.memory_space<vmem>>
      %dma_start3A_63 = tpu.memref_slice %arg4[%dma_start3A, %mul3A_4] : memref<2x320000xi32, #tpu.memory_space<hbm>> -> memref<1x6528xi32, #tpu.memory_space<hbm>>
      %dma_start3A_64 = tpu.memref_squeeze %dma_start3A_63 : memref<1x6528xi32, #tpu.memory_space<hbm>> -> memref<6528xi32, #tpu.memory_space<hbm>>
      tpu.enqueue_dma source(%dma_start3A_64 : memref<6528xi32, #tpu.memory_space<hbm>>) target(%dma_start3A_62 : memref<6528xi32, #tpu.memory_space<vmem>>) target_semaphore(%arg10 : memref<!tpu.dma_semaphore, #tpu.memory_space<semaphore_mem>>)
    } else {
    }
    "tpu.region"() ({
      %run_scoped3A = tpu.sem_alloc : memref<!tpu.dma_semaphore, #tpu.memory_space<semaphore_mem>>
      tpu.enqueue_dma source(%arg3 : memref<128x16xf32, #tpu.memory_space<hbm>>) target(%arg7 : memref<128x16xf32, #tpu.memory_space<vmem>>) target_semaphore(%run_scoped3A : memref<!tpu.dma_semaphore, #tpu.memory_space<semaphore_mem>>)
      tpu.wait_dma2 semaphore(%run_scoped3A : memref<!tpu.dma_semaphore, #tpu.memory_space<semaphore_mem>>) src(%arg3 : memref<128x16xf32, #tpu.memory_space<hbm>>) dst(%arg7 : memref<128x16xf32, #tpu.memory_space<vmem>>)
      tpu.yield
    }) : () -> ()
    %mul3A_12 = arith.constant 632 : i32
    %mul3A_13 = arith.muli %arg1, %mul3A_12 : i32
    %mul3A_14 = arith.constant 632 : i32
    %mul3A_15 = arith.muli %arg1, %mul3A_14 : i32
    "tpu.region"() ({
      %run_scoped3A = tpu.sem_alloc : memref<!tpu.dma_semaphore, #tpu.memory_space<semaphore_mem>>
      %dma_start3A = arith.constant 0 : i32
      %dma_start3A_57 = tpu.memref_slice %arg8[%mul3A_15, %dma_start3A] : memref<10112x16xf32, #tpu.memory_space<vmem_shared>> -> memref<632x16xf32, #tpu.memory_space<vmem_shared>>
      %dma_start3A_58 = arith.constant 0 : i32
      %dma_start3A_59 = tpu.memref_slice %arg2[%mul3A_13, %dma_start3A_58] : memref<10112x16xf32, #tpu.memory_space<hbm>> -> memref<632x16xf32, #tpu.memory_space<hbm>>
      tpu.enqueue_dma source(%dma_start3A_59 : memref<632x16xf32, #tpu.memory_space<hbm>>) target(%dma_start3A_57 : memref<632x16xf32, #tpu.memory_space<vmem_shared>>) target_semaphore(%run_scoped3A : memref<!tpu.dma_semaphore, #tpu.memory_space<semaphore_mem>>)
      %dma_wait3A_60 = arith.constant 0 : i32
      %dma_wait3A_61 = tpu.memref_slice %arg8[%mul3A_15, %dma_wait3A_60] : memref<10112x16xf32, #tpu.memory_space<vmem_shared>> -> memref<632x16xf32, #tpu.memory_space<vmem_shared>>
      %dma_wait3A_62 = arith.constant 0 : i32
      %dma_wait3A_63 = tpu.memref_slice %arg2[%mul3A_13, %dma_wait3A_62] : memref<10112x16xf32, #tpu.memory_space<hbm>> -> memref<632x16xf32, #tpu.memory_space<hbm>>
      tpu.wait_dma2 semaphore(%run_scoped3A : memref<!tpu.dma_semaphore, #tpu.memory_space<semaphore_mem>>) src(%dma_wait3A_63 : memref<632x16xf32, #tpu.memory_space<hbm>>) dst(%dma_wait3A_61 : memref<632x16xf32, #tpu.memory_space<vmem_shared>>)
      tpu.yield
    }) : () -> ()
    %not3A_16 = arith.constant true
    %not3A_17 = arith.xori %eq3A_5, %not3A_16 : i1
    %convert_element_type3A_18 = arith.extui %not3A_17 : i1 to i32
    %cond3A_19 = arith.constant 0 : i32
    %cond3A_20 = arith.cmpi ne, %convert_element_type3A_18, %cond3A_19 : i32
    scf.if %cond3A_20 {
      %dma_wait3A_57 = arith.constant 1 : i32
      %dma_wait3A_58 = tpu.memref_slice %arg4[%dma_wait3A_57, %mul3A_4] : memref<2x320000xi32, #tpu.memory_space<hbm>> -> memref<1x10112xi32, #tpu.memory_space<hbm>>
      %dma_wait3A_59 = tpu.memref_squeeze %dma_wait3A_58 : memref<1x10112xi32, #tpu.memory_space<hbm>> -> memref<10112xi32, #tpu.memory_space<hbm>>
      %dma_wait3A_60 = tpu.memref_slice %arg4[%dma_wait3A_57, %mul3A_4] : memref<2x320000xi32, #tpu.memory_space<hbm>> -> memref<1x10112xi32, #tpu.memory_space<hbm>>
      %dma_wait3A_61 = tpu.memref_squeeze %dma_wait3A_60 : memref<1x10112xi32, #tpu.memory_space<hbm>> -> memref<10112xi32, #tpu.memory_space<hbm>>
      tpu.wait_dma2 semaphore(%arg10 : memref<!tpu.dma_semaphore, #tpu.memory_space<semaphore_mem>>) src(%dma_wait3A_61 : memref<10112xi32, #tpu.memory_space<hbm>>) dst(%arg6 : memref<10112xi32, #tpu.memory_space<vmem>>)
    } else {
    }
    %convert_element_type3A_21 = arith.extui %eq3A_5 : i1 to i32
    %cond3A_22 = arith.constant 0 : i32
    %cond3A_23 = arith.cmpi ne, %convert_element_type3A_21, %cond3A_22 : i32
    scf.if %cond3A_23 {
      %dma_wait3A_57 = arith.constant 1 : i32
      %dma_wait3A_58 = arith.constant 0 : i32
      %dma_wait3A_59 = tpu.memref_slice %arg6[%dma_wait3A_58] : memref<10112xi32, #tpu.memory_space<vmem>> -> memref<6528xi32, #tpu.memory_space<vmem>>
      %dma_wait3A_60 = tpu.memref_slice %arg4[%dma_wait3A_57, %mul3A_4] : memref<2x320000xi32, #tpu.memory_space<hbm>> -> memref<1x6528xi32, #tpu.memory_space<hbm>>
      %dma_wait3A_61 = tpu.memref_squeeze %dma_wait3A_60 : memref<1x6528xi32, #tpu.memory_space<hbm>> -> memref<6528xi32, #tpu.memory_space<hbm>>
      %dma_wait3A_62 = arith.constant 0 : i32
      %dma_wait3A_63 = tpu.memref_slice %arg6[%dma_wait3A_62] : memref<10112xi32, #tpu.memory_space<vmem>> -> memref<6528xi32, #tpu.memory_space<vmem>>
      %dma_wait3A_64 = tpu.memref_slice %arg4[%dma_wait3A_57, %mul3A_4] : memref<2x320000xi32, #tpu.memory_space<hbm>> -> memref<1x6528xi32, #tpu.memory_space<hbm>>
      %dma_wait3A_65 = tpu.memref_squeeze %dma_wait3A_64 : memref<1x6528xi32, #tpu.memory_space<hbm>> -> memref<6528xi32, #tpu.memory_space<hbm>>
      tpu.wait_dma2 semaphore(%arg10 : memref<!tpu.dma_semaphore, #tpu.memory_space<semaphore_mem>>) src(%dma_wait3A_65 : memref<6528xi32, #tpu.memory_space<hbm>>) dst(%dma_wait3A_63 : memref<6528xi32, #tpu.memory_space<vmem>>)
    } else {
    }
    %barrier3A = arith.constant 0 : index
    tpu.barrier barrier_id(%barrier3A)
    %while3A = arith.constant 0 : i32
    %while3A_24 = arith.constant 0 : i32
    %while3A_25 = arith.subi %select_n3A, %while3A_24 : i32
    %while3A_26 = arith.addi %while3A_24, %while3A_25 : i32
    %while3A_27 = arith.constant 1 : i32
    %while3A_28 = arith.divsi %while3A_25, %while3A_27 : i32
    %while3A_29 = arith.muli %while3A_28, %while3A_27 : i32
    %while3A_30 = arith.addi %while3A_24, %while3A_29 : i32
    %while3A_31 = arith.constant 1 : i32
    scf.for %while3A_57 = %while3A_24 to %while3A_30 step %while3A_31  : i32 {
      %ge3A = arith.constant 4 : i32
      %ge3A_58 = arith.cmpi sge, %while3A_57, %ge3A : i32
      %convert_element_type3A_59 = arith.extui %ge3A_58 : i1 to i32
      %cond3A_60 = arith.constant 0 : i32
      %cond3A_61 = arith.cmpi ne, %convert_element_type3A_59, %cond3A_60 : i32
      scf.if %cond3A_61 {
        %dma_wait3A_67 = arith.constant 0 : i32
        %dma_wait3A_68 = tpu.memref_slice %arg6[%dma_wait3A_67] : memref<10112xi32, #tpu.memory_space<vmem>> -> memref<128xi32, #tpu.memory_space<vmem>>
        %dma_wait3A_69 = arith.constant 0 : i32
        %dma_wait3A_70 = arith.constant 0 : i32
        %dma_wait3A_71 = tpu.memref_slice %arg8[%dma_wait3A_69, %dma_wait3A_70] : memref<10112x16xf32, #tpu.memory_space<vmem_shared>> -> memref<10112x16xf32, #tpu.memory_space<vmem_shared>>
        tpu.wait_indirect_dma semaphore(%arg9 : memref<!tpu.dma_semaphore, #tpu.memory_space<semaphore_mem>>) src(%arg7 : memref<128x16xf32, #tpu.memory_space<vmem>>) dst(%dma_wait3A_71 : memref<10112x16xf32, #tpu.memory_space<vmem_shared>>)
      } else {
      }
      %mul3A_62 = arith.constant 128 : i32
      %mul3A_63 = arith.muli %while3A_57, %mul3A_62 : i32
      %dma_start3A = tpu.memref_slice %arg6[%mul3A_63] : memref<10112xi32, #tpu.memory_space<vmem>> -> memref<128xi32, #tpu.memory_space<vmem>>
      %dma_start3A_64 = arith.constant 0 : i32
      %dma_start3A_65 = arith.constant 0 : i32
      %dma_start3A_66 = tpu.memref_slice %arg8[%dma_start3A_64, %dma_start3A_65] : memref<10112x16xf32, #tpu.memory_space<vmem_shared>> -> memref<10112x16xf32, #tpu.memory_space<vmem_shared>>
      tpu.enqueue_indirect_dma source(%arg7 : memref<128x16xf32, #tpu.memory_space<vmem>>) target(%dma_start3A_66 : memref<10112x16xf32, #tpu.memory_space<vmem_shared>>) offsets(%dma_start3A : memref<128xi32, #tpu.memory_space<vmem>>) semaphore(%arg9 : memref<!tpu.dma_semaphore, #tpu.memory_space<semaphore_mem>>) {add = true}
    }
    %while3A_32 = arith.constant 1 : i32
    scf.for %while3A_57 = %while3A_30 to %while3A_26 step %while3A_32  : i32 {
      %ge3A = arith.constant 4 : i32
      %ge3A_58 = arith.cmpi sge, %while3A_57, %ge3A : i32
      %convert_element_type3A_59 = arith.extui %ge3A_58 : i1 to i32
      %cond3A_60 = arith.constant 0 : i32
      %cond3A_61 = arith.cmpi ne, %convert_element_type3A_59, %cond3A_60 : i32
      scf.if %cond3A_61 {
        %dma_wait3A_67 = arith.constant 0 : i32
        %dma_wait3A_68 = tpu.memref_slice %arg6[%dma_wait3A_67] : memref<10112xi32, #tpu.memory_space<vmem>> -> memref<128xi32, #tpu.memory_space<vmem>>
        %dma_wait3A_69 = arith.constant 0 : i32
        %dma_wait3A_70 = arith.constant 0 : i32
        %dma_wait3A_71 = tpu.memref_slice %arg8[%dma_wait3A_69, %dma_wait3A_70] : memref<10112x16xf32, #tpu.memory_space<vmem_shared>> -> memref<10112x16xf32, #tpu.memory_space<vmem_shared>>
        tpu.wait_indirect_dma semaphore(%arg9 : memref<!tpu.dma_semaphore, #tpu.memory_space<semaphore_mem>>) src(%arg7 : memref<128x16xf32, #tpu.memory_space<vmem>>) dst(%dma_wait3A_71 : memref<10112x16xf32, #tpu.memory_space<vmem_shared>>)
      } else {
      }
      %mul3A_62 = arith.constant 128 : i32
      %mul3A_63 = arith.muli %while3A_57, %mul3A_62 : i32
      %dma_start3A = tpu.memref_slice %arg6[%mul3A_63] : memref<10112xi32, #tpu.memory_space<vmem>> -> memref<128xi32, #tpu.memory_space<vmem>>
      %dma_start3A_64 = arith.constant 0 : i32
      %dma_start3A_65 = arith.constant 0 : i32
      %dma_start3A_66 = tpu.memref_slice %arg8[%dma_start3A_64, %dma_start3A_65] : memref<10112x16xf32, #tpu.memory_space<vmem_shared>> -> memref<10112x16xf32, #tpu.memory_space<vmem_shared>>
      tpu.enqueue_indirect_dma source(%arg7 : memref<128x16xf32, #tpu.memory_space<vmem>>) target(%dma_start3A_66 : memref<10112x16xf32, #tpu.memory_space<vmem_shared>>) offsets(%dma_start3A : memref<128xi32, #tpu.memory_space<vmem>>) semaphore(%arg9 : memref<!tpu.dma_semaphore, #tpu.memory_space<semaphore_mem>>) {add = true}
    }
    %dma_wait3A = arith.constant 0 : i32
    %dma_wait3A_33 = tpu.memref_slice %arg6[%dma_wait3A] : memref<10112xi32, #tpu.memory_space<vmem>> -> memref<128xi32, #tpu.memory_space<vmem>>
    %dma_wait3A_34 = arith.constant 0 : i32
    %dma_wait3A_35 = arith.constant 0 : i32
    %dma_wait3A_36 = tpu.memref_slice %arg8[%dma_wait3A_34, %dma_wait3A_35] : memref<10112x16xf32, #tpu.memory_space<vmem_shared>> -> memref<10112x16xf32, #tpu.memory_space<vmem_shared>>
    tpu.wait_indirect_dma semaphore(%arg9 : memref<!tpu.dma_semaphore, #tpu.memory_space<semaphore_mem>>) src(%arg7 : memref<128x16xf32, #tpu.memory_space<vmem>>) dst(%dma_wait3A_36 : memref<10112x16xf32, #tpu.memory_space<vmem_shared>>)
    %dma_wait3A_37 = arith.constant 0 : i32
    %dma_wait3A_38 = tpu.memref_slice %arg6[%dma_wait3A_37] : memref<10112xi32, #tpu.memory_space<vmem>> -> memref<128xi32, #tpu.memory_space<vmem>>
    %dma_wait3A_39 = arith.constant 0 : i32
    %dma_wait3A_40 = arith.constant 0 : i32
    %dma_wait3A_41 = tpu.memref_slice %arg8[%dma_wait3A_39, %dma_wait3A_40] : memref<10112x16xf32, #tpu.memory_space<vmem_shared>> -> memref<10112x16xf32, #tpu.memory_space<vmem_shared>>
    tpu.wait_indirect_dma semaphore(%arg9 : memref<!tpu.dma_semaphore, #tpu.memory_space<semaphore_mem>>) src(%arg7 : memref<128x16xf32, #tpu.memory_space<vmem>>) dst(%dma_wait3A_41 : memref<10112x16xf32, #tpu.memory_space<vmem_shared>>)
    %dma_wait3A_42 = arith.constant 0 : i32
    %dma_wait3A_43 = tpu.memref_slice %arg6[%dma_wait3A_42] : memref<10112xi32, #tpu.memory_space<vmem>> -> memref<128xi32, #tpu.memory_space<vmem>>
    %dma_wait3A_44 = arith.constant 0 : i32
    %dma_wait3A_45 = arith.constant 0 : i32
    %dma_wait3A_46 = tpu.memref_slice %arg8[%dma_wait3A_44, %dma_wait3A_45] : memref<10112x16xf32, #tpu.memory_space<vmem_shared>> -> memref<10112x16xf32, #tpu.memory_space<vmem_shared>>
    tpu.wait_indirect_dma semaphore(%arg9 : memref<!tpu.dma_semaphore, #tpu.memory_space<semaphore_mem>>) src(%arg7 : memref<128x16xf32, #tpu.memory_space<vmem>>) dst(%dma_wait3A_46 : memref<10112x16xf32, #tpu.memory_space<vmem_shared>>)
    %dma_wait3A_47 = arith.constant 0 : i32
    %dma_wait3A_48 = tpu.memref_slice %arg6[%dma_wait3A_47] : memref<10112xi32, #tpu.memory_space<vmem>> -> memref<128xi32, #tpu.memory_space<vmem>>
    %dma_wait3A_49 = arith.constant 0 : i32
    %dma_wait3A_50 = arith.constant 0 : i32
    %dma_wait3A_51 = tpu.memref_slice %arg8[%dma_wait3A_49, %dma_wait3A_50] : memref<10112x16xf32, #tpu.memory_space<vmem_shared>> -> memref<10112x16xf32, #tpu.memory_space<vmem_shared>>
    tpu.wait_indirect_dma semaphore(%arg9 : memref<!tpu.dma_semaphore, #tpu.memory_space<semaphore_mem>>) src(%arg7 : memref<128x16xf32, #tpu.memory_space<vmem>>) dst(%dma_wait3A_51 : memref<10112x16xf32, #tpu.memory_space<vmem_shared>>)
    %barrier3A_52 = arith.constant 0 : index
    tpu.barrier barrier_id(%barrier3A_52)
    %mul3A_53 = arith.constant 632 : i32
    %mul3A_54 = arith.muli %arg1, %mul3A_53 : i32
    %mul3A_55 = arith.constant 632 : i32
    %mul3A_56 = arith.muli %arg1, %mul3A_55 : i32
    "tpu.region"() ({
      %run_scoped3A = tpu.sem_alloc : memref<!tpu.dma_semaphore, #tpu.memory_space<semaphore_mem>>
      %dma_start3A = arith.constant 0 : i32
      %dma_start3A_57 = tpu.memref_slice %arg5[%arg0, %mul3A_56, %dma_start3A] : memref<2x10112x16xf32, #tpu.memory_space<hbm>> -> memref<1x632x16xf32, #tpu.memory_space<hbm>>
      %dma_start3A_58 = tpu.memref_squeeze %dma_start3A_57 : memref<1x632x16xf32, #tpu.memory_space<hbm>> -> memref<632x16xf32, #tpu.memory_space<hbm>>
      %dma_start3A_59 = arith.constant 0 : i32
      %dma_start3A_60 = tpu.memref_slice %arg8[%mul3A_54, %dma_start3A_59] : memref<10112x16xf32, #tpu.memory_space<vmem_shared>> -> memref<632x16xf32, #tpu.memory_space<vmem_shared>>
      tpu.enqueue_dma source(%dma_start3A_60 : memref<632x16xf32, #tpu.memory_space<vmem_shared>>) target(%dma_start3A_58 : memref<632x16xf32, #tpu.memory_space<hbm>>) target_semaphore(%run_scoped3A : memref<!tpu.dma_semaphore, #tpu.memory_space<semaphore_mem>>)
      %dma_wait3A_61 = arith.constant 0 : i32
      %dma_wait3A_62 = tpu.memref_slice %arg5[%arg0, %mul3A_56, %dma_wait3A_61] : memref<2x10112x16xf32, #tpu.memory_space<hbm>> -> memref<1x632x16xf32, #tpu.memory_space<hbm>>
      %dma_wait3A_63 = tpu.memref_squeeze %dma_wait3A_62 : memref<1x632x16xf32, #tpu.memory_space<hbm>> -> memref<632x16xf32, #tpu.memory_space<hbm>>
      %dma_wait3A_64 = arith.constant 0 : i32
      %dma_wait3A_65 = tpu.memref_slice %arg8[%mul3A_54, %dma_wait3A_64] : memref<10112x16xf32, #tpu.memory_space<vmem_shared>> -> memref<632x16xf32, #tpu.memory_space<vmem_shared>>
      tpu.wait_dma2 semaphore(%run_scoped3A : memref<!tpu.dma_semaphore, #tpu.memory_space<semaphore_mem>>) src(%dma_wait3A_65 : memref<632x16xf32, #tpu.memory_space<vmem_shared>>) dst(%dma_wait3A_63 : memref<632x16xf32, #tpu.memory_space<hbm>>)
      tpu.yield
    }) : () -> ()
    return
  }
}

#map = affine_map<(d0, d1) -> (0, 0)>
#map1 = affine_map<(d0, d1) -> (0, 0, 0)>
module attributes {stable_mosaic.version = 14 : i64} {
  func.func @_agg32(%arg0: i32, %arg1: i32, %arg2: memref<10112x32xf32, #tpu.memory_space<hbm>>, %arg3: memref<2x10112x16xf32, #tpu.memory_space<hbm>>, %arg4: memref<2x320000xi32, #tpu.memory_space<hbm>>, %arg5: memref<10112x32xf32, #tpu.memory_space<hbm>>, %arg6: memref<2x10112x32xf32, #tpu.memory_space<hbm>>, %arg7: memref<10112x16xf32, #tpu.memory_space<hbm>>, %arg8: memref<10112xi32, #tpu.memory_space<vmem>>, %arg9: memref<10112xi32, #tpu.memory_space<vmem>>, %arg10: memref<4x128x32xf32, #tpu.memory_space<vmem>>, %arg11: memref<632x32xf32, #tpu.memory_space<vmem>>, %arg12: memref<632x16xf32, #tpu.memory_space<vmem>>, %arg13: memref<632x16xf32, #tpu.memory_space<vmem>>, %arg14: memref<10112x32xf32, #tpu.memory_space<vmem_shared>>, %arg15: memref<10112x32xf32, #tpu.memory_space<vmem_shared>>, %arg16: memref<!tpu.dma_semaphore, #tpu.memory_space<semaphore_mem>>, %arg17: memref<!tpu.dma_semaphore, #tpu.memory_space<semaphore_mem>>, %arg18: memref<!tpu.dma_semaphore, #tpu.memory_space<semaphore_mem>>) attributes {dimension_semantics = [#tpu.dimension_semantics<core_parallel>, #tpu.dimension_semantics<subcore_parallel>], iteration_bounds = array<i64: 2, 16>, scalar_prefetch = 0 : i64, scratch_operands = 11 : i64, tpu.core_type = #tpu.core_type<sc_vector_subcore>, window_params = [{transform_indices = #map}, {transform_indices = #map1}, {transform_indices = #map}, {transform_indices = #map}, {transform_indices = #map1}, {transform_indices = #map}]} {
    %mul3A = arith.constant 2 : i32
    %mul3A_0 = arith.muli %arg1, %mul3A : i32
    %add3A = arith.addi %mul3A_0, %arg0 : i32
    %mul3A_1 = arith.constant 79 : i32
    %mul3A_2 = arith.muli %add3A, %mul3A_1 : i32
    %mul3A_3 = arith.constant 128 : i32
    %mul3A_4 = arith.muli %mul3A_2, %mul3A_3 : i32
    %eq3A = arith.constant 31 : i32
    %eq3A_5 = arith.cmpi eq, %add3A, %eq3A : i32
    %jit3A = arith.constant 51 : i32
    %jit3A_6 = arith.constant 79 : i32
    %select_n3A = arith.select %eq3A_5, %jit3A, %jit3A_6 : i32
    %mul3A_7 = arith.constant 632 : i32
    %mul3A_8 = arith.muli %arg1, %mul3A_7 : i32
    %not3A = arith.constant true
    %not3A_9 = arith.xori %eq3A_5, %not3A : i1
    %convert_element_type3A = arith.extui %not3A_9 : i1 to i32
    %cond3A = arith.constant 0 : i32
    %cond3A_10 = arith.cmpi ne, %convert_element_type3A, %cond3A : i32
    scf.if %cond3A_10 {
      %dma_start3A_85 = arith.constant 0 : i32
      %dma_start3A_86 = tpu.memref_slice %arg4[%dma_start3A_85, %mul3A_4] : memref<2x320000xi32, #tpu.memory_space<hbm>> -> memref<1x10112xi32, #tpu.memory_space<hbm>>
      %dma_start3A_87 = tpu.memref_squeeze %dma_start3A_86 : memref<1x10112xi32, #tpu.memory_space<hbm>> -> memref<10112xi32, #tpu.memory_space<hbm>>
      %dma_start3A_88 = tpu.memref_slice %arg4[%dma_start3A_85, %mul3A_4] : memref<2x320000xi32, #tpu.memory_space<hbm>> -> memref<1x10112xi32, #tpu.memory_space<hbm>>
      %dma_start3A_89 = tpu.memref_squeeze %dma_start3A_88 : memref<1x10112xi32, #tpu.memory_space<hbm>> -> memref<10112xi32, #tpu.memory_space<hbm>>
      tpu.enqueue_dma source(%dma_start3A_89 : memref<10112xi32, #tpu.memory_space<hbm>>) target(%arg8 : memref<10112xi32, #tpu.memory_space<vmem>>) target_semaphore(%arg18 : memref<!tpu.dma_semaphore, #tpu.memory_space<semaphore_mem>>)
      %dma_start3A_90 = arith.constant 1 : i32
      %dma_start3A_91 = tpu.memref_slice %arg4[%dma_start3A_90, %mul3A_4] : memref<2x320000xi32, #tpu.memory_space<hbm>> -> memref<1x10112xi32, #tpu.memory_space<hbm>>
      %dma_start3A_92 = tpu.memref_squeeze %dma_start3A_91 : memref<1x10112xi32, #tpu.memory_space<hbm>> -> memref<10112xi32, #tpu.memory_space<hbm>>
      %dma_start3A_93 = tpu.memref_slice %arg4[%dma_start3A_90, %mul3A_4] : memref<2x320000xi32, #tpu.memory_space<hbm>> -> memref<1x10112xi32, #tpu.memory_space<hbm>>
      %dma_start3A_94 = tpu.memref_squeeze %dma_start3A_93 : memref<1x10112xi32, #tpu.memory_space<hbm>> -> memref<10112xi32, #tpu.memory_space<hbm>>
      tpu.enqueue_dma source(%dma_start3A_94 : memref<10112xi32, #tpu.memory_space<hbm>>) target(%arg9 : memref<10112xi32, #tpu.memory_space<vmem>>) target_semaphore(%arg18 : memref<!tpu.dma_semaphore, #tpu.memory_space<semaphore_mem>>)
    } else {
    }
    %convert_element_type3A_11 = arith.extui %eq3A_5 : i1 to i32
    %cond3A_12 = arith.constant 0 : i32
    %cond3A_13 = arith.cmpi ne, %convert_element_type3A_11, %cond3A_12 : i32
    scf.if %cond3A_13 {
      %dma_start3A_85 = arith.constant 0 : i32
      %dma_start3A_86 = arith.constant 0 : i32
      %dma_start3A_87 = tpu.memref_slice %arg8[%dma_start3A_86] : memref<10112xi32, #tpu.memory_space<vmem>> -> memref<6528xi32, #tpu.memory_space<vmem>>
      %dma_start3A_88 = tpu.memref_slice %arg4[%dma_start3A_85, %mul3A_4] : memref<2x320000xi32, #tpu.memory_space<hbm>> -> memref<1x6528xi32, #tpu.memory_space<hbm>>
      %dma_start3A_89 = tpu.memref_squeeze %dma_start3A_88 : memref<1x6528xi32, #tpu.memory_space<hbm>> -> memref<6528xi32, #tpu.memory_space<hbm>>
      %dma_start3A_90 = arith.constant 0 : i32
      %dma_start3A_91 = tpu.memref_slice %arg8[%dma_start3A_90] : memref<10112xi32, #tpu.memory_space<vmem>> -> memref<6528xi32, #tpu.memory_space<vmem>>
      %dma_start3A_92 = tpu.memref_slice %arg4[%dma_start3A_85, %mul3A_4] : memref<2x320000xi32, #tpu.memory_space<hbm>> -> memref<1x6528xi32, #tpu.memory_space<hbm>>
      %dma_start3A_93 = tpu.memref_squeeze %dma_start3A_92 : memref<1x6528xi32, #tpu.memory_space<hbm>> -> memref<6528xi32, #tpu.memory_space<hbm>>
      tpu.enqueue_dma source(%dma_start3A_93 : memref<6528xi32, #tpu.memory_space<hbm>>) target(%dma_start3A_91 : memref<6528xi32, #tpu.memory_space<vmem>>) target_semaphore(%arg18 : memref<!tpu.dma_semaphore, #tpu.memory_space<semaphore_mem>>)
      %dma_start3A_94 = arith.constant 1 : i32
      %dma_start3A_95 = arith.constant 0 : i32
      %dma_start3A_96 = tpu.memref_slice %arg9[%dma_start3A_95] : memref<10112xi32, #tpu.memory_space<vmem>> -> memref<6528xi32, #tpu.memory_space<vmem>>
      %dma_start3A_97 = tpu.memref_slice %arg4[%dma_start3A_94, %mul3A_4] : memref<2x320000xi32, #tpu.memory_space<hbm>> -> memref<1x6528xi32, #tpu.memory_space<hbm>>
      %dma_start3A_98 = tpu.memref_squeeze %dma_start3A_97 : memref<1x6528xi32, #tpu.memory_space<hbm>> -> memref<6528xi32, #tpu.memory_space<hbm>>
      %dma_start3A_99 = arith.constant 0 : i32
      %dma_start3A_100 = tpu.memref_slice %arg9[%dma_start3A_99] : memref<10112xi32, #tpu.memory_space<vmem>> -> memref<6528xi32, #tpu.memory_space<vmem>>
      %dma_start3A_101 = tpu.memref_slice %arg4[%dma_start3A_94, %mul3A_4] : memref<2x320000xi32, #tpu.memory_space<hbm>> -> memref<1x6528xi32, #tpu.memory_space<hbm>>
      %dma_start3A_102 = tpu.memref_squeeze %dma_start3A_101 : memref<1x6528xi32, #tpu.memory_space<hbm>> -> memref<6528xi32, #tpu.memory_space<hbm>>
      tpu.enqueue_dma source(%dma_start3A_102 : memref<6528xi32, #tpu.memory_space<hbm>>) target(%dma_start3A_100 : memref<6528xi32, #tpu.memory_space<vmem>>) target_semaphore(%arg18 : memref<!tpu.dma_semaphore, #tpu.memory_space<semaphore_mem>>)
    } else {
    }
    "tpu.region"() ({
      %run_scoped3A_85 = tpu.sem_alloc : memref<!tpu.dma_semaphore, #tpu.memory_space<semaphore_mem>>
      %dma_start3A_86 = arith.constant 0 : i32
      %dma_start3A_87 = tpu.memref_slice %arg2[%mul3A_8, %dma_start3A_86] : memref<10112x32xf32, #tpu.memory_space<hbm>> -> memref<632x32xf32, #tpu.memory_space<hbm>>
      %dma_start3A_88 = arith.constant 0 : i32
      %dma_start3A_89 = tpu.memref_slice %arg2[%mul3A_8, %dma_start3A_88] : memref<10112x32xf32, #tpu.memory_space<hbm>> -> memref<632x32xf32, #tpu.memory_space<hbm>>
      tpu.enqueue_dma source(%dma_start3A_89 : memref<632x32xf32, #tpu.memory_space<hbm>>) target(%arg11 : memref<632x32xf32, #tpu.memory_space<vmem>>) target_semaphore(%run_scoped3A_85 : memref<!tpu.dma_semaphore, #tpu.memory_space<semaphore_mem>>)
      %dma_wait3A_90 = arith.constant 0 : i32
      %dma_wait3A_91 = tpu.memref_slice %arg2[%mul3A_8, %dma_wait3A_90] : memref<10112x32xf32, #tpu.memory_space<hbm>> -> memref<632x32xf32, #tpu.memory_space<hbm>>
      %dma_wait3A_92 = arith.constant 0 : i32
      %dma_wait3A_93 = tpu.memref_slice %arg2[%mul3A_8, %dma_wait3A_92] : memref<10112x32xf32, #tpu.memory_space<hbm>> -> memref<632x32xf32, #tpu.memory_space<hbm>>
      tpu.wait_dma2 semaphore(%run_scoped3A_85 : memref<!tpu.dma_semaphore, #tpu.memory_space<semaphore_mem>>) src(%dma_wait3A_93 : memref<632x32xf32, #tpu.memory_space<hbm>>) dst(%arg11 : memref<632x32xf32, #tpu.memory_space<vmem>>)
      tpu.yield
    }) : () -> ()
    %run_scoped3A = arith.constant 0 : i32
    "tpu.region"() ({
      %run_scoped3A_85 = tpu.sem_alloc : memref<!tpu.dma_semaphore, #tpu.memory_space<semaphore_mem>>
      %dma_start3A_86 = arith.constant 0 : i32
      %dma_start3A_87 = tpu.memref_slice %arg3[%run_scoped3A, %mul3A_8, %dma_start3A_86] : memref<2x10112x16xf32, #tpu.memory_space<hbm>> -> memref<1x632x16xf32, #tpu.memory_space<hbm>>
      %dma_start3A_88 = tpu.memref_squeeze %dma_start3A_87 : memref<1x632x16xf32, #tpu.memory_space<hbm>> -> memref<632x16xf32, #tpu.memory_space<hbm>>
      %dma_start3A_89 = arith.constant 0 : i32
      %dma_start3A_90 = tpu.memref_slice %arg3[%run_scoped3A, %mul3A_8, %dma_start3A_89] : memref<2x10112x16xf32, #tpu.memory_space<hbm>> -> memref<1x632x16xf32, #tpu.memory_space<hbm>>
      %dma_start3A_91 = tpu.memref_squeeze %dma_start3A_90 : memref<1x632x16xf32, #tpu.memory_space<hbm>> -> memref<632x16xf32, #tpu.memory_space<hbm>>
      tpu.enqueue_dma source(%dma_start3A_91 : memref<632x16xf32, #tpu.memory_space<hbm>>) target(%arg12 : memref<632x16xf32, #tpu.memory_space<vmem>>) target_semaphore(%run_scoped3A_85 : memref<!tpu.dma_semaphore, #tpu.memory_space<semaphore_mem>>)
      %dma_wait3A_92 = arith.constant 0 : i32
      %dma_wait3A_93 = tpu.memref_slice %arg3[%run_scoped3A, %mul3A_8, %dma_wait3A_92] : memref<2x10112x16xf32, #tpu.memory_space<hbm>> -> memref<1x632x16xf32, #tpu.memory_space<hbm>>
      %dma_wait3A_94 = tpu.memref_squeeze %dma_wait3A_93 : memref<1x632x16xf32, #tpu.memory_space<hbm>> -> memref<632x16xf32, #tpu.memory_space<hbm>>
      %dma_wait3A_95 = arith.constant 0 : i32
      %dma_wait3A_96 = tpu.memref_slice %arg3[%run_scoped3A, %mul3A_8, %dma_wait3A_95] : memref<2x10112x16xf32, #tpu.memory_space<hbm>> -> memref<1x632x16xf32, #tpu.memory_space<hbm>>
      %dma_wait3A_97 = tpu.memref_squeeze %dma_wait3A_96 : memref<1x632x16xf32, #tpu.memory_space<hbm>> -> memref<632x16xf32, #tpu.memory_space<hbm>>
      tpu.wait_dma2 semaphore(%run_scoped3A_85 : memref<!tpu.dma_semaphore, #tpu.memory_space<semaphore_mem>>) src(%dma_wait3A_97 : memref<632x16xf32, #tpu.memory_space<hbm>>) dst(%arg12 : memref<632x16xf32, #tpu.memory_space<vmem>>)
      tpu.yield
    }) : () -> ()
    %run_scoped3A_14 = arith.constant 1 : i32
    "tpu.region"() ({
      %run_scoped3A_85 = tpu.sem_alloc : memref<!tpu.dma_semaphore, #tpu.memory_space<semaphore_mem>>
      %dma_start3A_86 = arith.constant 0 : i32
      %dma_start3A_87 = tpu.memref_slice %arg3[%run_scoped3A_14, %mul3A_8, %dma_start3A_86] : memref<2x10112x16xf32, #tpu.memory_space<hbm>> -> memref<1x632x16xf32, #tpu.memory_space<hbm>>
      %dma_start3A_88 = tpu.memref_squeeze %dma_start3A_87 : memref<1x632x16xf32, #tpu.memory_space<hbm>> -> memref<632x16xf32, #tpu.memory_space<hbm>>
      %dma_start3A_89 = arith.constant 0 : i32
      %dma_start3A_90 = tpu.memref_slice %arg3[%run_scoped3A_14, %mul3A_8, %dma_start3A_89] : memref<2x10112x16xf32, #tpu.memory_space<hbm>> -> memref<1x632x16xf32, #tpu.memory_space<hbm>>
      %dma_start3A_91 = tpu.memref_squeeze %dma_start3A_90 : memref<1x632x16xf32, #tpu.memory_space<hbm>> -> memref<632x16xf32, #tpu.memory_space<hbm>>
      tpu.enqueue_dma source(%dma_start3A_91 : memref<632x16xf32, #tpu.memory_space<hbm>>) target(%arg13 : memref<632x16xf32, #tpu.memory_space<vmem>>) target_semaphore(%run_scoped3A_85 : memref<!tpu.dma_semaphore, #tpu.memory_space<semaphore_mem>>)
      %dma_wait3A_92 = arith.constant 0 : i32
      %dma_wait3A_93 = tpu.memref_slice %arg3[%run_scoped3A_14, %mul3A_8, %dma_wait3A_92] : memref<2x10112x16xf32, #tpu.memory_space<hbm>> -> memref<1x632x16xf32, #tpu.memory_space<hbm>>
      %dma_wait3A_94 = tpu.memref_squeeze %dma_wait3A_93 : memref<1x632x16xf32, #tpu.memory_space<hbm>> -> memref<632x16xf32, #tpu.memory_space<hbm>>
      %dma_wait3A_95 = arith.constant 0 : i32
      %dma_wait3A_96 = tpu.memref_slice %arg3[%run_scoped3A_14, %mul3A_8, %dma_wait3A_95] : memref<2x10112x16xf32, #tpu.memory_space<hbm>> -> memref<1x632x16xf32, #tpu.memory_space<hbm>>
      %dma_wait3A_97 = tpu.memref_squeeze %dma_wait3A_96 : memref<1x632x16xf32, #tpu.memory_space<hbm>> -> memref<632x16xf32, #tpu.memory_space<hbm>>
      tpu.wait_dma2 semaphore(%run_scoped3A_85 : memref<!tpu.dma_semaphore, #tpu.memory_space<semaphore_mem>>) src(%dma_wait3A_97 : memref<632x16xf32, #tpu.memory_space<hbm>>) dst(%arg13 : memref<632x16xf32, #tpu.memory_space<vmem>>)
      tpu.yield
    }) : () -> ()
    %scan3A = arith.constant 0 : i32
    %scan3A_15 = arith.constant 0 : i32
    %scan3A_16 = arith.constant 632 : i32
    %scan3A_17 = arith.addi %scan3A_15, %scan3A_16 : i32
    %scan3A_18 = arith.constant 1 : i32
    scf.for %scan3A_85 = %scan3A_15 to %scan3A_17 step %scan3A_18  : i32 {
      %get3A = arith.index_cast %scan3A_85 : i32 to index
      %get3A_86 = arith.constant 0 : index
      %get3A_87 = tpu.vector_load %arg12[%get3A, %get3A_86] {strides = array<i32>} : memref<632x16xf32, #tpu.memory_space<vmem>>, vector<1x16xf32>,
      %get3A_88 = vector.shape_cast %get3A_87 : vector<1x16xf32> to vector<16xf32>
      %get3A_89 = arith.index_cast %scan3A_85 : i32 to index
      %get3A_90 = arith.constant 0 : index
      %get3A_91 = tpu.vector_load %arg13[%get3A_89, %get3A_90] {strides = array<i32>} : memref<632x16xf32, #tpu.memory_space<vmem>>, vector<1x16xf32>,
      %get3A_92 = vector.shape_cast %get3A_91 : vector<1x16xf32> to vector<16xf32>
      %add3A_93 = arith.addf %get3A_88, %get3A_92 : vector<16xf32>
      %add3A_94 = arith.constant 1.000000e+00 : f32
      %add3A_95 = vector.broadcast %add3A_94 : f32 to vector<16xf32>
      %add3A_96 = arith.addf %add3A_93, %add3A_95 : vector<16xf32>
      %bitcast_convert_type3A = tpu.bitcast %add3A_96 : vector<16xf32> -> vector<16xi32>
      %shift_right_logical3A = arith.constant 1 : i32
      %shift_right_logical3A_97 = vector.broadcast %shift_right_logical3A : i32 to vector<16xi32>
      %shift_right_logical3A_98 = arith.shrui %bitcast_convert_type3A, %shift_right_logical3A_97 : vector<16xi32>
      %sub3A = arith.constant 1597463007 : i32
      %sub3A_99 = vector.broadcast %sub3A : i32 to vector<16xi32>
      %sub3A_100 = arith.subi %sub3A_99, %shift_right_logical3A_98 : vector<16xi32>
      %bitcast_convert_type3A_101 = tpu.bitcast %sub3A_100 : vector<16xi32> -> vector<16xf32>
      %mul3A_102 = arith.constant 5.000000e-01 : f32
      %mul3A_103 = vector.broadcast %mul3A_102 : f32 to vector<16xf32>
      %mul3A_104 = arith.mulf %mul3A_103, %add3A_96 : vector<16xf32>
      %mul3A_105 = arith.mulf %mul3A_104, %bitcast_convert_type3A_101 : vector<16xf32>
      %mul3A_106 = arith.mulf %mul3A_105, %bitcast_convert_type3A_101 : vector<16xf32>
      %sub3A_107 = arith.constant 1.500000e+00 : f32
      %sub3A_108 = vector.broadcast %sub3A_107 : f32 to vector<16xf32>
      %sub3A_109 = arith.subf %sub3A_108, %mul3A_106 : vector<16xf32>
      %mul3A_110 = arith.mulf %bitcast_convert_type3A_101, %sub3A_109 : vector<16xf32>
      %mul3A_111 = arith.constant 5.000000e-01 : f32
      %mul3A_112 = vector.broadcast %mul3A_111 : f32 to vector<16xf32>
      %mul3A_113 = arith.mulf %mul3A_112, %add3A_96 : vector<16xf32>
      %mul3A_114 = arith.mulf %mul3A_113, %mul3A_110 : vector<16xf32>
      %mul3A_115 = arith.mulf %mul3A_114, %mul3A_110 : vector<16xf32>
      %sub3A_116 = arith.constant 1.500000e+00 : f32
      %sub3A_117 = vector.broadcast %sub3A_116 : f32 to vector<16xf32>
      %sub3A_118 = arith.subf %sub3A_117, %mul3A_115 : vector<16xf32>
      %mul3A_119 = arith.mulf %mul3A_110, %sub3A_118 : vector<16xf32>
      %mul3A_120 = arith.constant 5.000000e-01 : f32
      %mul3A_121 = vector.broadcast %mul3A_120 : f32 to vector<16xf32>
      %mul3A_122 = arith.mulf %mul3A_121, %add3A_96 : vector<16xf32>
      %mul3A_123 = arith.mulf %mul3A_122, %mul3A_119 : vector<16xf32>
      %mul3A_124 = arith.mulf %mul3A_123, %mul3A_119 : vector<16xf32>
      %sub3A_125 = arith.constant 1.500000e+00 : f32
      %sub3A_126 = vector.broadcast %sub3A_125 : f32 to vector<16xf32>
      %sub3A_127 = arith.subf %sub3A_126, %mul3A_124 : vector<16xf32>
      %mul3A_128 = arith.mulf %mul3A_119, %sub3A_127 : vector<16xf32>
      %swap3A = arith.index_cast %scan3A_85 : i32 to index
      %swap3A_129 = arith.constant 0 : index
      %swap3A_130 = tpu.vector_load %arg12[%swap3A, %swap3A_129] {strides = array<i32>} : memref<632x16xf32, #tpu.memory_space<vmem>>, vector<1x16xf32>,
      %swap3A_131 = vector.shape_cast %swap3A_130 : vector<1x16xf32> to vector<16xf32>
      %swap3A_132 = vector.shape_cast %mul3A_128 : vector<16xf32> to vector<1x16xf32>
      tpu.vector_store %arg12[%swap3A, %swap3A_129], %swap3A_132 {strides = array<i32>} : memref<632x16xf32, #tpu.memory_space<vmem>>, vector<1x16xf32>,
      %get3A_133 = arith.index_cast %scan3A_85 : i32 to index
      %get3A_134 = arith.constant 0 : index
      %get3A_135 = tpu.vector_load %arg11[%get3A_133, %get3A_134] {strides = array<i32>} : memref<632x32xf32, #tpu.memory_space<vmem>>, vector<1x16xf32>,
      %get3A_136 = vector.shape_cast %get3A_135 : vector<1x16xf32> to vector<16xf32>
      %mul3A_137 = arith.mulf %get3A_136, %mul3A_128 : vector<16xf32>
      %swap3A_138 = arith.index_cast %scan3A_85 : i32 to index
      %swap3A_139 = arith.constant 0 : index
      %swap3A_140 = tpu.vector_load %arg11[%swap3A_138, %swap3A_139] {strides = array<i32>} : memref<632x32xf32, #tpu.memory_space<vmem>>, vector<1x16xf32>,
      %swap3A_141 = vector.shape_cast %swap3A_140 : vector<1x16xf32> to vector<16xf32>
      %swap3A_142 = vector.shape_cast %mul3A_137 : vector<16xf32> to vector<1x16xf32>
      tpu.vector_store %arg11[%swap3A_138, %swap3A_139], %swap3A_142 {strides = array<i32>} : memref<632x32xf32, #tpu.memory_space<vmem>>, vector<1x16xf32>,
      %get3A_143 = arith.index_cast %scan3A_85 : i32 to index
      %get3A_144 = arith.constant 16 : index
      %get3A_145 = tpu.vector_load %arg11[%get3A_143, %get3A_144] {strides = array<i32>} : memref<632x32xf32, #tpu.memory_space<vmem>>, vector<1x16xf32>,
      %get3A_146 = vector.shape_cast %get3A_145 : vector<1x16xf32> to vector<16xf32>
      %mul3A_147 = arith.mulf %get3A_146, %mul3A_128 : vector<16xf32>
      %swap3A_148 = arith.index_cast %scan3A_85 : i32 to index
      %swap3A_149 = arith.constant 16 : index
      %swap3A_150 = tpu.vector_load %arg11[%swap3A_148, %swap3A_149] {strides = array<i32>} : memref<632x32xf32, #tpu.memory_space<vmem>>, vector<1x16xf32>,
      %swap3A_151 = vector.shape_cast %swap3A_150 : vector<1x16xf32> to vector<16xf32>
      %swap3A_152 = vector.shape_cast %mul3A_147 : vector<16xf32> to vector<1x16xf32>
      tpu.vector_store %arg11[%swap3A_148, %swap3A_149], %swap3A_152 {strides = array<i32>} : memref<632x32xf32, #tpu.memory_space<vmem>>, vector<1x16xf32>,
    }
    %scan3A_19 = arith.constant 632 : i32
    "tpu.region"() ({
      %run_scoped3A_85 = tpu.sem_alloc : memref<!tpu.dma_semaphore, #tpu.memory_space<semaphore_mem>>
      %dma_start3A_86 = arith.constant 0 : i32
      %dma_start3A_87 = tpu.memref_slice %arg15[%mul3A_8, %dma_start3A_86] : memref<10112x32xf32, #tpu.memory_space<vmem_shared>> -> memref<632x32xf32, #tpu.memory_space<vmem_shared>>
      %dma_start3A_88 = arith.constant 0 : i32
      %dma_start3A_89 = tpu.memref_slice %arg15[%mul3A_8, %dma_start3A_88] : memref<10112x32xf32, #tpu.memory_space<vmem_shared>> -> memref<632x32xf32, #tpu.memory_space<vmem_shared>>
      tpu.enqueue_dma source(%arg11 : memref<632x32xf32, #tpu.memory_space<vmem>>) target(%dma_start3A_89 : memref<632x32xf32, #tpu.memory_space<vmem_shared>>) target_semaphore(%run_scoped3A_85 : memref<!tpu.dma_semaphore, #tpu.memory_space<semaphore_mem>>)
      %dma_wait3A_90 = arith.constant 0 : i32
      %dma_wait3A_91 = tpu.memref_slice %arg15[%mul3A_8, %dma_wait3A_90] : memref<10112x32xf32, #tpu.memory_space<vmem_shared>> -> memref<632x32xf32, #tpu.memory_space<vmem_shared>>
      %dma_wait3A_92 = arith.constant 0 : i32
      %dma_wait3A_93 = tpu.memref_slice %arg15[%mul3A_8, %dma_wait3A_92] : memref<10112x32xf32, #tpu.memory_space<vmem_shared>> -> memref<632x32xf32, #tpu.memory_space<vmem_shared>>
      tpu.wait_dma2 semaphore(%run_scoped3A_85 : memref<!tpu.dma_semaphore, #tpu.memory_space<semaphore_mem>>) src(%arg11 : memref<632x32xf32, #tpu.memory_space<vmem>>) dst(%dma_wait3A_93 : memref<632x32xf32, #tpu.memory_space<vmem_shared>>)
      tpu.yield
    }) : () -> ()
    %eq3A_20 = arith.constant 0 : i32
    %eq3A_21 = arith.cmpi eq, %arg0, %eq3A_20 : i32
    %convert_element_type3A_22 = arith.extui %eq3A_21 : i1 to i32
    %cond3A_23 = arith.constant 0 : i32
    %cond3A_24 = arith.cmpi ne, %convert_element_type3A_22, %cond3A_23 : i32
    scf.if %cond3A_24 {
      "tpu.region"() ({
        %run_scoped3A_85 = tpu.sem_alloc : memref<!tpu.dma_semaphore, #tpu.memory_space<semaphore_mem>>
        %dma_start3A_86 = arith.constant 0 : i32
        %dma_start3A_87 = tpu.memref_slice %arg14[%mul3A_8, %dma_start3A_86] : memref<10112x32xf32, #tpu.memory_space<vmem_shared>> -> memref<632x32xf32, #tpu.memory_space<vmem_shared>>
        %dma_start3A_88 = arith.constant 0 : i32
        %dma_start3A_89 = tpu.memref_slice %arg14[%mul3A_8, %dma_start3A_88] : memref<10112x32xf32, #tpu.memory_space<vmem_shared>> -> memref<632x32xf32, #tpu.memory_space<vmem_shared>>
        tpu.enqueue_dma source(%arg11 : memref<632x32xf32, #tpu.memory_space<vmem>>) target(%dma_start3A_89 : memref<632x32xf32, #tpu.memory_space<vmem_shared>>) target_semaphore(%run_scoped3A_85 : memref<!tpu.dma_semaphore, #tpu.memory_space<semaphore_mem>>)
        %dma_wait3A_90 = arith.constant 0 : i32
        %dma_wait3A_91 = tpu.memref_slice %arg14[%mul3A_8, %dma_wait3A_90] : memref<10112x32xf32, #tpu.memory_space<vmem_shared>> -> memref<632x32xf32, #tpu.memory_space<vmem_shared>>
        %dma_wait3A_92 = arith.constant 0 : i32
        %dma_wait3A_93 = tpu.memref_slice %arg14[%mul3A_8, %dma_wait3A_92] : memref<10112x32xf32, #tpu.memory_space<vmem_shared>> -> memref<632x32xf32, #tpu.memory_space<vmem_shared>>
        tpu.wait_dma2 semaphore(%run_scoped3A_85 : memref<!tpu.dma_semaphore, #tpu.memory_space<semaphore_mem>>) src(%arg11 : memref<632x32xf32, #tpu.memory_space<vmem>>) dst(%dma_wait3A_93 : memref<632x32xf32, #tpu.memory_space<vmem_shared>>)
        tpu.yield
      }) : () -> ()
      "tpu.region"() ({
        %run_scoped3A_85 = tpu.sem_alloc : memref<!tpu.dma_semaphore, #tpu.memory_space<semaphore_mem>>
        %dma_start3A_86 = arith.constant 0 : i32
        %dma_start3A_87 = tpu.memref_slice %arg7[%mul3A_8, %dma_start3A_86] : memref<10112x16xf32, #tpu.memory_space<hbm>> -> memref<632x16xf32, #tpu.memory_space<hbm>>
        %dma_start3A_88 = arith.constant 0 : i32
        %dma_start3A_89 = tpu.memref_slice %arg7[%mul3A_8, %dma_start3A_88] : memref<10112x16xf32, #tpu.memory_space<hbm>> -> memref<632x16xf32, #tpu.memory_space<hbm>>
        tpu.enqueue_dma source(%arg12 : memref<632x16xf32, #tpu.memory_space<vmem>>) target(%dma_start3A_89 : memref<632x16xf32, #tpu.memory_space<hbm>>) target_semaphore(%run_scoped3A_85 : memref<!tpu.dma_semaphore, #tpu.memory_space<semaphore_mem>>)
        %dma_wait3A_90 = arith.constant 0 : i32
        %dma_wait3A_91 = tpu.memref_slice %arg7[%mul3A_8, %dma_wait3A_90] : memref<10112x16xf32, #tpu.memory_space<hbm>> -> memref<632x16xf32, #tpu.memory_space<hbm>>
        %dma_wait3A_92 = arith.constant 0 : i32
        %dma_wait3A_93 = tpu.memref_slice %arg7[%mul3A_8, %dma_wait3A_92] : memref<10112x16xf32, #tpu.memory_space<hbm>> -> memref<632x16xf32, #tpu.memory_space<hbm>>
        tpu.wait_dma2 semaphore(%run_scoped3A_85 : memref<!tpu.dma_semaphore, #tpu.memory_space<semaphore_mem>>) src(%arg12 : memref<632x16xf32, #tpu.memory_space<vmem>>) dst(%dma_wait3A_93 : memref<632x16xf32, #tpu.memory_space<hbm>>)
        tpu.yield
      }) : () -> ()
    } else {
    }
    %ne3A = arith.constant 0 : i32
    %ne3A_25 = arith.cmpi ne, %arg0, %ne3A : i32
    %convert_element_type3A_26 = arith.extui %ne3A_25 : i1 to i32
    %cond3A_27 = arith.constant 0 : i32
    %cond3A_28 = arith.cmpi ne, %convert_element_type3A_26, %cond3A_27 : i32
    scf.if %cond3A_28 {
      "tpu.region"() ({
        %run_scoped3A_85 = tpu.sem_alloc : memref<!tpu.dma_semaphore, #tpu.memory_space<semaphore_mem>>
        %dma_start3A_86 = arith.constant 0 : i32
        %dma_start3A_87 = tpu.memref_slice %arg14[%mul3A_8, %dma_start3A_86] : memref<10112x32xf32, #tpu.memory_space<vmem_shared>> -> memref<632x32xf32, #tpu.memory_space<vmem_shared>>
        %dma_start3A_88 = arith.constant 0 : i32
        %dma_start3A_89 = tpu.memref_slice %arg5[%mul3A_8, %dma_start3A_88] : memref<10112x32xf32, #tpu.memory_space<hbm>> -> memref<632x32xf32, #tpu.memory_space<hbm>>
        tpu.enqueue_dma source(%dma_start3A_89 : memref<632x32xf32, #tpu.memory_space<hbm>>) target(%dma_start3A_87 : memref<632x32xf32, #tpu.memory_space<vmem_shared>>) target_semaphore(%run_scoped3A_85 : memref<!tpu.dma_semaphore, #tpu.memory_space<semaphore_mem>>)
        %dma_wait3A_90 = arith.constant 0 : i32
        %dma_wait3A_91 = tpu.memref_slice %arg14[%mul3A_8, %dma_wait3A_90] : memref<10112x32xf32, #tpu.memory_space<vmem_shared>> -> memref<632x32xf32, #tpu.memory_space<vmem_shared>>
        %dma_wait3A_92 = arith.constant 0 : i32
        %dma_wait3A_93 = tpu.memref_slice %arg5[%mul3A_8, %dma_wait3A_92] : memref<10112x32xf32, #tpu.memory_space<hbm>> -> memref<632x32xf32, #tpu.memory_space<hbm>>
        tpu.wait_dma2 semaphore(%run_scoped3A_85 : memref<!tpu.dma_semaphore, #tpu.memory_space<semaphore_mem>>) src(%dma_wait3A_93 : memref<632x32xf32, #tpu.memory_space<hbm>>) dst(%dma_wait3A_91 : memref<632x32xf32, #tpu.memory_space<vmem_shared>>)
        tpu.yield
      }) : () -> ()
    } else {
    }
    %not3A_29 = arith.constant true
    %not3A_30 = arith.xori %eq3A_5, %not3A_29 : i1
    %convert_element_type3A_31 = arith.extui %not3A_30 : i1 to i32
    %cond3A_32 = arith.constant 0 : i32
    %cond3A_33 = arith.cmpi ne, %convert_element_type3A_31, %cond3A_32 : i32
    scf.if %cond3A_33 {
      %dma_wait3A_85 = arith.constant 0 : i32
      %dma_wait3A_86 = tpu.memref_slice %arg4[%dma_wait3A_85, %mul3A_4] : memref<2x320000xi32, #tpu.memory_space<hbm>> -> memref<1x10112xi32, #tpu.memory_space<hbm>>
      %dma_wait3A_87 = tpu.memref_squeeze %dma_wait3A_86 : memref<1x10112xi32, #tpu.memory_space<hbm>> -> memref<10112xi32, #tpu.memory_space<hbm>>
      %dma_wait3A_88 = tpu.memref_slice %arg4[%dma_wait3A_85, %mul3A_4] : memref<2x320000xi32, #tpu.memory_space<hbm>> -> memref<1x10112xi32, #tpu.memory_space<hbm>>
      %dma_wait3A_89 = tpu.memref_squeeze %dma_wait3A_88 : memref<1x10112xi32, #tpu.memory_space<hbm>> -> memref<10112xi32, #tpu.memory_space<hbm>>
      tpu.wait_dma2 semaphore(%arg18 : memref<!tpu.dma_semaphore, #tpu.memory_space<semaphore_mem>>) src(%dma_wait3A_89 : memref<10112xi32, #tpu.memory_space<hbm>>) dst(%arg8 : memref<10112xi32, #tpu.memory_space<vmem>>)
      %dma_wait3A_90 = arith.constant 1 : i32
      %dma_wait3A_91 = tpu.memref_slice %arg4[%dma_wait3A_90, %mul3A_4] : memref<2x320000xi32, #tpu.memory_space<hbm>> -> memref<1x10112xi32, #tpu.memory_space<hbm>>
      %dma_wait3A_92 = tpu.memref_squeeze %dma_wait3A_91 : memref<1x10112xi32, #tpu.memory_space<hbm>> -> memref<10112xi32, #tpu.memory_space<hbm>>
      %dma_wait3A_93 = tpu.memref_slice %arg4[%dma_wait3A_90, %mul3A_4] : memref<2x320000xi32, #tpu.memory_space<hbm>> -> memref<1x10112xi32, #tpu.memory_space<hbm>>
      %dma_wait3A_94 = tpu.memref_squeeze %dma_wait3A_93 : memref<1x10112xi32, #tpu.memory_space<hbm>> -> memref<10112xi32, #tpu.memory_space<hbm>>
      tpu.wait_dma2 semaphore(%arg18 : memref<!tpu.dma_semaphore, #tpu.memory_space<semaphore_mem>>) src(%dma_wait3A_94 : memref<10112xi32, #tpu.memory_space<hbm>>) dst(%arg9 : memref<10112xi32, #tpu.memory_space<vmem>>)
    } else {
    }
    %convert_element_type3A_34 = arith.extui %eq3A_5 : i1 to i32
    %cond3A_35 = arith.constant 0 : i32
    %cond3A_36 = arith.cmpi ne, %convert_element_type3A_34, %cond3A_35 : i32
    scf.if %cond3A_36 {
      %dma_wait3A_85 = arith.constant 0 : i32
      %dma_wait3A_86 = arith.constant 0 : i32
      %dma_wait3A_87 = tpu.memref_slice %arg8[%dma_wait3A_86] : memref<10112xi32, #tpu.memory_space<vmem>> -> memref<6528xi32, #tpu.memory_space<vmem>>
      %dma_wait3A_88 = tpu.memref_slice %arg4[%dma_wait3A_85, %mul3A_4] : memref<2x320000xi32, #tpu.memory_space<hbm>> -> memref<1x6528xi32, #tpu.memory_space<hbm>>
      %dma_wait3A_89 = tpu.memref_squeeze %dma_wait3A_88 : memref<1x6528xi32, #tpu.memory_space<hbm>> -> memref<6528xi32, #tpu.memory_space<hbm>>
      %dma_wait3A_90 = arith.constant 0 : i32
      %dma_wait3A_91 = tpu.memref_slice %arg8[%dma_wait3A_90] : memref<10112xi32, #tpu.memory_space<vmem>> -> memref<6528xi32, #tpu.memory_space<vmem>>
      %dma_wait3A_92 = tpu.memref_slice %arg4[%dma_wait3A_85, %mul3A_4] : memref<2x320000xi32, #tpu.memory_space<hbm>> -> memref<1x6528xi32, #tpu.memory_space<hbm>>
      %dma_wait3A_93 = tpu.memref_squeeze %dma_wait3A_92 : memref<1x6528xi32, #tpu.memory_space<hbm>> -> memref<6528xi32, #tpu.memory_space<hbm>>
      tpu.wait_dma2 semaphore(%arg18 : memref<!tpu.dma_semaphore, #tpu.memory_space<semaphore_mem>>) src(%dma_wait3A_93 : memref<6528xi32, #tpu.memory_space<hbm>>) dst(%dma_wait3A_91 : memref<6528xi32, #tpu.memory_space<vmem>>)
      %dma_wait3A_94 = arith.constant 1 : i32
      %dma_wait3A_95 = arith.constant 0 : i32
      %dma_wait3A_96 = tpu.memref_slice %arg9[%dma_wait3A_95] : memref<10112xi32, #tpu.memory_space<vmem>> -> memref<6528xi32, #tpu.memory_space<vmem>>
      %dma_wait3A_97 = tpu.memref_slice %arg4[%dma_wait3A_94, %mul3A_4] : memref<2x320000xi32, #tpu.memory_space<hbm>> -> memref<1x6528xi32, #tpu.memory_space<hbm>>
      %dma_wait3A_98 = tpu.memref_squeeze %dma_wait3A_97 : memref<1x6528xi32, #tpu.memory_space<hbm>> -> memref<6528xi32, #tpu.memory_space<hbm>>
      %dma_wait3A_99 = arith.constant 0 : i32
      %dma_wait3A_100 = tpu.memref_slice %arg9[%dma_wait3A_99] : memref<10112xi32, #tpu.memory_space<vmem>> -> memref<6528xi32, #tpu.memory_space<vmem>>
      %dma_wait3A_101 = tpu.memref_slice %arg4[%dma_wait3A_94, %mul3A_4] : memref<2x320000xi32, #tpu.memory_space<hbm>> -> memref<1x6528xi32, #tpu.memory_space<hbm>>
      %dma_wait3A_102 = tpu.memref_squeeze %dma_wait3A_101 : memref<1x6528xi32, #tpu.memory_space<hbm>> -> memref<6528xi32, #tpu.memory_space<hbm>>
      tpu.wait_dma2 semaphore(%arg18 : memref<!tpu.dma_semaphore, #tpu.memory_space<semaphore_mem>>) src(%dma_wait3A_102 : memref<6528xi32, #tpu.memory_space<hbm>>) dst(%dma_wait3A_100 : memref<6528xi32, #tpu.memory_space<vmem>>)
    } else {
    }
    %barrier3A = arith.constant 0 : index
    tpu.barrier barrier_id(%barrier3A)
    %dma_start3A = arith.constant 0 : i32
    %dma_start3A_37 = arith.constant 0 : i32
    %dma_start3A_38 = arith.constant 0 : i32
    %dma_start3A_39 = tpu.memref_slice %arg10[%dma_start3A, %dma_start3A_37, %dma_start3A_38] : memref<4x128x32xf32, #tpu.memory_space<vmem>> -> memref<1x128x32xf32, #tpu.memory_space<vmem>>
    %dma_start3A_40 = tpu.memref_squeeze %dma_start3A_39 : memref<1x128x32xf32, #tpu.memory_space<vmem>> -> memref<128x32xf32, #tpu.memory_space<vmem>>
    %dma_start3A_41 = arith.constant 0 : i32
    %dma_start3A_42 = tpu.memref_slice %arg8[%dma_start3A_41] : memref<10112xi32, #tpu.memory_space<vmem>> -> memref<128xi32, #tpu.memory_space<vmem>>
    %dma_start3A_43 = arith.constant 0 : i32
    %dma_start3A_44 = arith.constant 0 : i32
    %dma_start3A_45 = tpu.memref_slice %arg15[%dma_start3A_43, %dma_start3A_44] : memref<10112x32xf32, #tpu.memory_space<vmem_shared>> -> memref<10112x32xf32, #tpu.memory_space<vmem_shared>>
    tpu.enqueue_indirect_dma source(%dma_start3A_45 : memref<10112x32xf32, #tpu.memory_space<vmem_shared>>) target(%dma_start3A_40 : memref<128x32xf32, #tpu.memory_space<vmem>>) offsets(%dma_start3A_42 : memref<128xi32, #tpu.memory_space<vmem>>) semaphore(%arg16 : memref<!tpu.dma_semaphore, #tpu.memory_space<semaphore_mem>>)
    %dma_start3A_46 = arith.constant 1 : i32
    %dma_start3A_47 = arith.constant 0 : i32
    %dma_start3A_48 = arith.constant 0 : i32
    %dma_start3A_49 = tpu.memref_slice %arg10[%dma_start3A_46, %dma_start3A_47, %dma_start3A_48] : memref<4x128x32xf32, #tpu.memory_space<vmem>> -> memref<1x128x32xf32, #tpu.memory_space<vmem>>
    %dma_start3A_50 = tpu.memref_squeeze %dma_start3A_49 : memref<1x128x32xf32, #tpu.memory_space<vmem>> -> memref<128x32xf32, #tpu.memory_space<vmem>>
    %dma_start3A_51 = arith.constant 128 : i32
    %dma_start3A_52 = tpu.memref_slice %arg8[%dma_start3A_51] : memref<10112xi32, #tpu.memory_space<vmem>> -> memref<128xi32, #tpu.memory_space<vmem>>
    %dma_start3A_53 = arith.constant 0 : i32
    %dma_start3A_54 = arith.constant 0 : i32
    %dma_start3A_55 = tpu.memref_slice %arg15[%dma_start3A_53, %dma_start3A_54] : memref<10112x32xf32, #tpu.memory_space<vmem_shared>> -> memref<10112x32xf32, #tpu.memory_space<vmem_shared>>
    tpu.enqueue_indirect_dma source(%dma_start3A_55 : memref<10112x32xf32, #tpu.memory_space<vmem_shared>>) target(%dma_start3A_50 : memref<128x32xf32, #tpu.memory_space<vmem>>) offsets(%dma_start3A_52 : memref<128xi32, #tpu.memory_space<vmem>>) semaphore(%arg16 : memref<!tpu.dma_semaphore, #tpu.memory_space<semaphore_mem>>)
    %while3A = arith.constant 0 : i32
    %while3A_56 = arith.constant 0 : i32
    %while3A_57 = arith.subi %select_n3A, %while3A_56 : i32
    %while3A_58 = arith.addi %while3A_56, %while3A_57 : i32
    %while3A_59 = arith.constant 1 : i32
    %while3A_60 = arith.divsi %while3A_57, %while3A_59 : i32
    %while3A_61 = arith.muli %while3A_60, %while3A_59 : i32
    %while3A_62 = arith.addi %while3A_56, %while3A_61 : i32
    %while3A_63 = arith.constant 1 : i32
    scf.for %while3A_85 = %while3A_56 to %while3A_62 step %while3A_63  : i32 {
      %rem3A = arith.constant 4 : i32
      %rem3A_86 = arith.remsi %while3A_85, %rem3A : i32
      %ge3A = arith.constant 2 : i32
      %ge3A_87 = arith.cmpi sge, %while3A_85, %ge3A : i32
      %convert_element_type3A_88 = arith.extui %ge3A_87 : i1 to i32
      %cond3A_89 = arith.constant 0 : i32
      %cond3A_90 = arith.cmpi ne, %convert_element_type3A_88, %cond3A_89 : i32
      scf.if %cond3A_90 {
        %add3A_116 = arith.constant 2 : i32
        %add3A_117 = arith.addi %while3A_85, %add3A_116 : i32
        %rem3A_118 = arith.constant 4 : i32
        %rem3A_119 = arith.remsi %add3A_117, %rem3A_118 : i32
        %sub3A = arith.constant 2 : i32
        %sub3A_120 = arith.subi %while3A_85, %sub3A : i32
        %mul3A_121 = arith.constant 128 : i32
        %mul3A_122 = arith.muli %sub3A_120, %mul3A_121 : i32
        %dma_wait3A_123 = arith.constant 0 : i32
        %dma_wait3A_124 = arith.constant 0 : i32
        %dma_wait3A_125 = tpu.memref_slice %arg10[%rem3A_119, %dma_wait3A_123, %dma_wait3A_124] : memref<4x128x32xf32, #tpu.memory_space<vmem>> -> memref<1x128x32xf32, #tpu.memory_space<vmem>>
        %dma_wait3A_126 = tpu.memref_squeeze %dma_wait3A_125 : memref<1x128x32xf32, #tpu.memory_space<vmem>> -> memref<128x32xf32, #tpu.memory_space<vmem>>
        %dma_wait3A_127 = tpu.memref_slice %arg9[%mul3A_122] : memref<10112xi32, #tpu.memory_space<vmem>> -> memref<128xi32, #tpu.memory_space<vmem>>
        %dma_wait3A_128 = arith.constant 0 : i32
        %dma_wait3A_129 = arith.constant 0 : i32
        %dma_wait3A_130 = tpu.memref_slice %arg14[%dma_wait3A_128, %dma_wait3A_129] : memref<10112x32xf32, #tpu.memory_space<vmem_shared>> -> memref<10112x32xf32, #tpu.memory_space<vmem_shared>>
        tpu.wait_indirect_dma semaphore(%arg17 : memref<!tpu.dma_semaphore, #tpu.memory_space<semaphore_mem>>) src(%dma_wait3A_126 : memref<128x32xf32, #tpu.memory_space<vmem>>) dst(%dma_wait3A_130 : memref<10112x32xf32, #tpu.memory_space<vmem_shared>>)
      } else {
      }
      %add3A_91 = arith.constant 2 : i32
      %add3A_92 = arith.addi %while3A_85, %add3A_91 : i32
      %lt3A = arith.cmpi slt, %add3A_92, %select_n3A : i32
      %convert_element_type3A_93 = arith.extui %lt3A : i1 to i32
      %cond3A_94 = arith.constant 0 : i32
      %cond3A_95 = arith.cmpi ne, %convert_element_type3A_93, %cond3A_94 : i32
      scf.if %cond3A_95 {
        %add3A_116 = arith.constant 2 : i32
        %add3A_117 = arith.addi %while3A_85, %add3A_116 : i32
        %mul3A_118 = arith.constant 128 : i32
        %mul3A_119 = arith.muli %add3A_117, %mul3A_118 : i32
        %add3A_120 = arith.constant 2 : i32
        %add3A_121 = arith.addi %while3A_85, %add3A_120 : i32
        %rem3A_122 = arith.constant 4 : i32
        %rem3A_123 = arith.remsi %add3A_121, %rem3A_122 : i32
        %dma_start3A_124 = arith.constant 0 : i32
        %dma_start3A_125 = arith.constant 0 : i32
        %dma_start3A_126 = tpu.memref_slice %arg10[%rem3A_123, %dma_start3A_124, %dma_start3A_125] : memref<4x128x32xf32, #tpu.memory_space<vmem>> -> memref<1x128x32xf32, #tpu.memory_space<vmem>>
        %dma_start3A_127 = tpu.memref_squeeze %dma_start3A_126 : memref<1x128x32xf32, #tpu.memory_space<vmem>> -> memref<128x32xf32, #tpu.memory_space<vmem>>
        %dma_start3A_128 = tpu.memref_slice %arg8[%mul3A_119] : memref<10112xi32, #tpu.memory_space<vmem>> -> memref<128xi32, #tpu.memory_space<vmem>>
        %dma_start3A_129 = arith.constant 0 : i32
        %dma_start3A_130 = arith.constant 0 : i32
        %dma_start3A_131 = tpu.memref_slice %arg15[%dma_start3A_129, %dma_start3A_130] : memref<10112x32xf32, #tpu.memory_space<vmem_shared>> -> memref<10112x32xf32, #tpu.memory_space<vmem_shared>>
        tpu.enqueue_indirect_dma source(%dma_start3A_131 : memref<10112x32xf32, #tpu.memory_space<vmem_shared>>) target(%dma_start3A_127 : memref<128x32xf32, #tpu.memory_space<vmem>>) offsets(%dma_start3A_128 : memref<128xi32, #tpu.memory_space<vmem>>) semaphore(%arg16 : memref<!tpu.dma_semaphore, #tpu.memory_space<semaphore_mem>>)
      } else {
      }
      %mul3A_96 = arith.constant 128 : i32
      %mul3A_97 = arith.muli %while3A_85, %mul3A_96 : i32
      %dma_wait3A_98 = arith.constant 0 : i32
      %dma_wait3A_99 = arith.constant 0 : i32
      %dma_wait3A_100 = tpu.memref_slice %arg10[%rem3A_86, %dma_wait3A_98, %dma_wait3A_99] : memref<4x128x32xf32, #tpu.memory_space<vmem>> -> memref<1x128x32xf32, #tpu.memory_space<vmem>>
      %dma_wait3A_101 = tpu.memref_squeeze %dma_wait3A_100 : memref<1x128x32xf32, #tpu.memory_space<vmem>> -> memref<128x32xf32, #tpu.memory_space<vmem>>
      %dma_wait3A_102 = tpu.memref_slice %arg8[%mul3A_97] : memref<10112xi32, #tpu.memory_space<vmem>> -> memref<128xi32, #tpu.memory_space<vmem>>
      %dma_wait3A_103 = arith.constant 0 : i32
      %dma_wait3A_104 = arith.constant 0 : i32
      %dma_wait3A_105 = tpu.memref_slice %arg15[%dma_wait3A_103, %dma_wait3A_104] : memref<10112x32xf32, #tpu.memory_space<vmem_shared>> -> memref<10112x32xf32, #tpu.memory_space<vmem_shared>>
      tpu.wait_indirect_dma semaphore(%arg16 : memref<!tpu.dma_semaphore, #tpu.memory_space<semaphore_mem>>) src(%dma_wait3A_105 : memref<10112x32xf32, #tpu.memory_space<vmem_shared>>) dst(%dma_wait3A_101 : memref<128x32xf32, #tpu.memory_space<vmem>>)
      %mul3A_106 = arith.constant 128 : i32
      %mul3A_107 = arith.muli %while3A_85, %mul3A_106 : i32
      %dma_start3A_108 = arith.constant 0 : i32
      %dma_start3A_109 = arith.constant 0 : i32
      %dma_start3A_110 = tpu.memref_slice %arg10[%rem3A_86, %dma_start3A_108, %dma_start3A_109] : memref<4x128x32xf32, #tpu.memory_space<vmem>> -> memref<1x128x32xf32, #tpu.memory_space<vmem>>
      %dma_start3A_111 = tpu.memref_squeeze %dma_start3A_110 : memref<1x128x32xf32, #tpu.memory_space<vmem>> -> memref<128x32xf32, #tpu.memory_space<vmem>>
      %dma_start3A_112 = tpu.memref_slice %arg9[%mul3A_107] : memref<10112xi32, #tpu.memory_space<vmem>> -> memref<128xi32, #tpu.memory_space<vmem>>
      %dma_start3A_113 = arith.constant 0 : i32
      %dma_start3A_114 = arith.constant 0 : i32
      %dma_start3A_115 = tpu.memref_slice %arg14[%dma_start3A_113, %dma_start3A_114] : memref<10112x32xf32, #tpu.memory_space<vmem_shared>> -> memref<10112x32xf32, #tpu.memory_space<vmem_shared>>
      tpu.enqueue_indirect_dma source(%dma_start3A_111 : memref<128x32xf32, #tpu.memory_space<vmem>>) target(%dma_start3A_115 : memref<10112x32xf32, #tpu.memory_space<vmem_shared>>) offsets(%dma_start3A_112 : memref<128xi32, #tpu.memory_space<vmem>>) semaphore(%arg17 : memref<!tpu.dma_semaphore, #tpu.memory_space<semaphore_mem>>) {add = true}
    }
    %while3A_64 = arith.constant 1 : i32
    scf.for %while3A_85 = %while3A_62 to %while3A_58 step %while3A_64  : i32 {
      %rem3A = arith.constant 4 : i32
      %rem3A_86 = arith.remsi %while3A_85, %rem3A : i32
      %ge3A = arith.constant 2 : i32
      %ge3A_87 = arith.cmpi sge, %while3A_85, %ge3A : i32
      %convert_element_type3A_88 = arith.extui %ge3A_87 : i1 to i32
      %cond3A_89 = arith.constant 0 : i32
      %cond3A_90 = arith.cmpi ne, %convert_element_type3A_88, %cond3A_89 : i32
      scf.if %cond3A_90 {
        %add3A_116 = arith.constant 2 : i32
        %add3A_117 = arith.addi %while3A_85, %add3A_116 : i32
        %rem3A_118 = arith.constant 4 : i32
        %rem3A_119 = arith.remsi %add3A_117, %rem3A_118 : i32
        %sub3A = arith.constant 2 : i32
        %sub3A_120 = arith.subi %while3A_85, %sub3A : i32
        %mul3A_121 = arith.constant 128 : i32
        %mul3A_122 = arith.muli %sub3A_120, %mul3A_121 : i32
        %dma_wait3A_123 = arith.constant 0 : i32
        %dma_wait3A_124 = arith.constant 0 : i32
        %dma_wait3A_125 = tpu.memref_slice %arg10[%rem3A_119, %dma_wait3A_123, %dma_wait3A_124] : memref<4x128x32xf32, #tpu.memory_space<vmem>> -> memref<1x128x32xf32, #tpu.memory_space<vmem>>
        %dma_wait3A_126 = tpu.memref_squeeze %dma_wait3A_125 : memref<1x128x32xf32, #tpu.memory_space<vmem>> -> memref<128x32xf32, #tpu.memory_space<vmem>>
        %dma_wait3A_127 = tpu.memref_slice %arg9[%mul3A_122] : memref<10112xi32, #tpu.memory_space<vmem>> -> memref<128xi32, #tpu.memory_space<vmem>>
        %dma_wait3A_128 = arith.constant 0 : i32
        %dma_wait3A_129 = arith.constant 0 : i32
        %dma_wait3A_130 = tpu.memref_slice %arg14[%dma_wait3A_128, %dma_wait3A_129] : memref<10112x32xf32, #tpu.memory_space<vmem_shared>> -> memref<10112x32xf32, #tpu.memory_space<vmem_shared>>
        tpu.wait_indirect_dma semaphore(%arg17 : memref<!tpu.dma_semaphore, #tpu.memory_space<semaphore_mem>>) src(%dma_wait3A_126 : memref<128x32xf32, #tpu.memory_space<vmem>>) dst(%dma_wait3A_130 : memref<10112x32xf32, #tpu.memory_space<vmem_shared>>)
      } else {
      }
      %add3A_91 = arith.constant 2 : i32
      %add3A_92 = arith.addi %while3A_85, %add3A_91 : i32
      %lt3A = arith.cmpi slt, %add3A_92, %select_n3A : i32
      %convert_element_type3A_93 = arith.extui %lt3A : i1 to i32
      %cond3A_94 = arith.constant 0 : i32
      %cond3A_95 = arith.cmpi ne, %convert_element_type3A_93, %cond3A_94 : i32
      scf.if %cond3A_95 {
        %add3A_116 = arith.constant 2 : i32
        %add3A_117 = arith.addi %while3A_85, %add3A_116 : i32
        %mul3A_118 = arith.constant 128 : i32
        %mul3A_119 = arith.muli %add3A_117, %mul3A_118 : i32
        %add3A_120 = arith.constant 2 : i32
        %add3A_121 = arith.addi %while3A_85, %add3A_120 : i32
        %rem3A_122 = arith.constant 4 : i32
        %rem3A_123 = arith.remsi %add3A_121, %rem3A_122 : i32
        %dma_start3A_124 = arith.constant 0 : i32
        %dma_start3A_125 = arith.constant 0 : i32
        %dma_start3A_126 = tpu.memref_slice %arg10[%rem3A_123, %dma_start3A_124, %dma_start3A_125] : memref<4x128x32xf32, #tpu.memory_space<vmem>> -> memref<1x128x32xf32, #tpu.memory_space<vmem>>
        %dma_start3A_127 = tpu.memref_squeeze %dma_start3A_126 : memref<1x128x32xf32, #tpu.memory_space<vmem>> -> memref<128x32xf32, #tpu.memory_space<vmem>>
        %dma_start3A_128 = tpu.memref_slice %arg8[%mul3A_119] : memref<10112xi32, #tpu.memory_space<vmem>> -> memref<128xi32, #tpu.memory_space<vmem>>
        %dma_start3A_129 = arith.constant 0 : i32
        %dma_start3A_130 = arith.constant 0 : i32
        %dma_start3A_131 = tpu.memref_slice %arg15[%dma_start3A_129, %dma_start3A_130] : memref<10112x32xf32, #tpu.memory_space<vmem_shared>> -> memref<10112x32xf32, #tpu.memory_space<vmem_shared>>
        tpu.enqueue_indirect_dma source(%dma_start3A_131 : memref<10112x32xf32, #tpu.memory_space<vmem_shared>>) target(%dma_start3A_127 : memref<128x32xf32, #tpu.memory_space<vmem>>) offsets(%dma_start3A_128 : memref<128xi32, #tpu.memory_space<vmem>>) semaphore(%arg16 : memref<!tpu.dma_semaphore, #tpu.memory_space<semaphore_mem>>)
      } else {
      }
      %mul3A_96 = arith.constant 128 : i32
      %mul3A_97 = arith.muli %while3A_85, %mul3A_96 : i32
      %dma_wait3A_98 = arith.constant 0 : i32
      %dma_wait3A_99 = arith.constant 0 : i32
      %dma_wait3A_100 = tpu.memref_slice %arg10[%rem3A_86, %dma_wait3A_98, %dma_wait3A_99] : memref<4x128x32xf32, #tpu.memory_space<vmem>> -> memref<1x128x32xf32, #tpu.memory_space<vmem>>
      %dma_wait3A_101 = tpu.memref_squeeze %dma_wait3A_100 : memref<1x128x32xf32, #tpu.memory_space<vmem>> -> memref<128x32xf32, #tpu.memory_space<vmem>>
      %dma_wait3A_102 = tpu.memref_slice %arg8[%mul3A_97] : memref<10112xi32, #tpu.memory_space<vmem>> -> memref<128xi32, #tpu.memory_space<vmem>>
      %dma_wait3A_103 = arith.constant 0 : i32
      %dma_wait3A_104 = arith.constant 0 : i32
      %dma_wait3A_105 = tpu.memref_slice %arg15[%dma_wait3A_103, %dma_wait3A_104] : memref<10112x32xf32, #tpu.memory_space<vmem_shared>> -> memref<10112x32xf32, #tpu.memory_space<vmem_shared>>
      tpu.wait_indirect_dma semaphore(%arg16 : memref<!tpu.dma_semaphore, #tpu.memory_space<semaphore_mem>>) src(%dma_wait3A_105 : memref<10112x32xf32, #tpu.memory_space<vmem_shared>>) dst(%dma_wait3A_101 : memref<128x32xf32, #tpu.memory_space<vmem>>)
      %mul3A_106 = arith.constant 128 : i32
      %mul3A_107 = arith.muli %while3A_85, %mul3A_106 : i32
      %dma_start3A_108 = arith.constant 0 : i32
      %dma_start3A_109 = arith.constant 0 : i32
      %dma_start3A_110 = tpu.memref_slice %arg10[%rem3A_86, %dma_start3A_108, %dma_start3A_109] : memref<4x128x32xf32, #tpu.memory_space<vmem>> -> memref<1x128x32xf32, #tpu.memory_space<vmem>>
      %dma_start3A_111 = tpu.memref_squeeze %dma_start3A_110 : memref<1x128x32xf32, #tpu.memory_space<vmem>> -> memref<128x32xf32, #tpu.memory_space<vmem>>
      %dma_start3A_112 = tpu.memref_slice %arg9[%mul3A_107] : memref<10112xi32, #tpu.memory_space<vmem>> -> memref<128xi32, #tpu.memory_space<vmem>>
      %dma_start3A_113 = arith.constant 0 : i32
      %dma_start3A_114 = arith.constant 0 : i32
      %dma_start3A_115 = tpu.memref_slice %arg14[%dma_start3A_113, %dma_start3A_114] : memref<10112x32xf32, #tpu.memory_space<vmem_shared>> -> memref<10112x32xf32, #tpu.memory_space<vmem_shared>>
      tpu.enqueue_indirect_dma source(%dma_start3A_111 : memref<128x32xf32, #tpu.memory_space<vmem>>) target(%dma_start3A_115 : memref<10112x32xf32, #tpu.memory_space<vmem_shared>>) offsets(%dma_start3A_112 : memref<128xi32, #tpu.memory_space<vmem>>) semaphore(%arg17 : memref<!tpu.dma_semaphore, #tpu.memory_space<semaphore_mem>>) {add = true}
    }
    %dma_wait3A = arith.constant 0 : i32
    %dma_wait3A_65 = arith.constant 0 : i32
    %dma_wait3A_66 = arith.constant 0 : i32
    %dma_wait3A_67 = tpu.memref_slice %arg10[%dma_wait3A, %dma_wait3A_65, %dma_wait3A_66] : memref<4x128x32xf32, #tpu.memory_space<vmem>> -> memref<1x128x32xf32, #tpu.memory_space<vmem>>
    %dma_wait3A_68 = tpu.memref_squeeze %dma_wait3A_67 : memref<1x128x32xf32, #tpu.memory_space<vmem>> -> memref<128x32xf32, #tpu.memory_space<vmem>>
    %dma_wait3A_69 = arith.constant 0 : i32
    %dma_wait3A_70 = tpu.memref_slice %arg9[%dma_wait3A_69] : memref<10112xi32, #tpu.memory_space<vmem>> -> memref<128xi32, #tpu.memory_space<vmem>>
    %dma_wait3A_71 = arith.constant 0 : i32
    %dma_wait3A_72 = arith.constant 0 : i32
    %dma_wait3A_73 = tpu.memref_slice %arg14[%dma_wait3A_71, %dma_wait3A_72] : memref<10112x32xf32, #tpu.memory_space<vmem_shared>> -> memref<10112x32xf32, #tpu.memory_space<vmem_shared>>
    tpu.wait_indirect_dma semaphore(%arg17 : memref<!tpu.dma_semaphore, #tpu.memory_space<semaphore_mem>>) src(%dma_wait3A_68 : memref<128x32xf32, #tpu.memory_space<vmem>>) dst(%dma_wait3A_73 : memref<10112x32xf32, #tpu.memory_space<vmem_shared>>)
    %dma_wait3A_74 = arith.constant 0 : i32
    %dma_wait3A_75 = arith.constant 0 : i32
    %dma_wait3A_76 = arith.constant 0 : i32
    %dma_wait3A_77 = tpu.memref_slice %arg10[%dma_wait3A_74, %dma_wait3A_75, %dma_wait3A_76] : memref<4x128x32xf32, #tpu.memory_space<vmem>> -> memref<1x128x32xf32, #tpu.memory_space<vmem>>
    %dma_wait3A_78 = tpu.memref_squeeze %dma_wait3A_77 : memref<1x128x32xf32, #tpu.memory_space<vmem>> -> memref<128x32xf32, #tpu.memory_space<vmem>>
    %dma_wait3A_79 = arith.constant 0 : i32
    %dma_wait3A_80 = tpu.memref_slice %arg9[%dma_wait3A_79] : memref<10112xi32, #tpu.memory_space<vmem>> -> memref<128xi32, #tpu.memory_space<vmem>>
    %dma_wait3A_81 = arith.constant 0 : i32
    %dma_wait3A_82 = arith.constant 0 : i32
    %dma_wait3A_83 = tpu.memref_slice %arg14[%dma_wait3A_81, %dma_wait3A_82] : memref<10112x32xf32, #tpu.memory_space<vmem_shared>> -> memref<10112x32xf32, #tpu.memory_space<vmem_shared>>
    tpu.wait_indirect_dma semaphore(%arg17 : memref<!tpu.dma_semaphore, #tpu.memory_space<semaphore_mem>>) src(%dma_wait3A_78 : memref<128x32xf32, #tpu.memory_space<vmem>>) dst(%dma_wait3A_83 : memref<10112x32xf32, #tpu.memory_space<vmem_shared>>)
    %barrier3A_84 = arith.constant 0 : index
    tpu.barrier barrier_id(%barrier3A_84)
    "tpu.region"() ({
      %run_scoped3A_85 = tpu.sem_alloc : memref<!tpu.dma_semaphore, #tpu.memory_space<semaphore_mem>>
      %dma_start3A_86 = arith.constant 0 : i32
      %dma_start3A_87 = tpu.memref_slice %arg6[%arg0, %mul3A_8, %dma_start3A_86] : memref<2x10112x32xf32, #tpu.memory_space<hbm>> -> memref<1x632x32xf32, #tpu.memory_space<hbm>>
      %dma_start3A_88 = tpu.memref_squeeze %dma_start3A_87 : memref<1x632x32xf32, #tpu.memory_space<hbm>> -> memref<632x32xf32, #tpu.memory_space<hbm>>
      %dma_start3A_89 = arith.constant 0 : i32
      %dma_start3A_90 = tpu.memref_slice %arg14[%mul3A_8, %dma_start3A_89] : memref<10112x32xf32, #tpu.memory_space<vmem_shared>> -> memref<632x32xf32, #tpu.memory_space<vmem_shared>>
      tpu.enqueue_dma source(%dma_start3A_90 : memref<632x32xf32, #tpu.memory_space<vmem_shared>>) target(%dma_start3A_88 : memref<632x32xf32, #tpu.memory_space<hbm>>) target_semaphore(%run_scoped3A_85 : memref<!tpu.dma_semaphore, #tpu.memory_space<semaphore_mem>>)
      %dma_wait3A_91 = arith.constant 0 : i32
      %dma_wait3A_92 = tpu.memref_slice %arg6[%arg0, %mul3A_8, %dma_wait3A_91] : memref<2x10112x32xf32, #tpu.memory_space<hbm>> -> memref<1x632x32xf32, #tpu.memory_space<hbm>>
      %dma_wait3A_93 = tpu.memref_squeeze %dma_wait3A_92 : memref<1x632x32xf32, #tpu.memory_space<hbm>> -> memref<632x32xf32, #tpu.memory_space<hbm>>
      %dma_wait3A_94 = arith.constant 0 : i32
      %dma_wait3A_95 = tpu.memref_slice %arg14[%mul3A_8, %dma_wait3A_94] : memref<10112x32xf32, #tpu.memory_space<vmem_shared>> -> memref<632x32xf32, #tpu.memory_space<vmem_shared>>
      tpu.wait_dma2 semaphore(%run_scoped3A_85 : memref<!tpu.dma_semaphore, #tpu.memory_space<semaphore_mem>>) src(%dma_wait3A_95 : memref<632x32xf32, #tpu.memory_space<vmem_shared>>) dst(%dma_wait3A_93 : memref<632x32xf32, #tpu.memory_space<hbm>>)
      tpu.yield
    }) : () -> ()
    return
  }
}

#map = affine_map<(d0, d1) -> (0, 0)>
#map1 = affine_map<(d0, d1) -> (0, 0, 0)>
module attributes {stable_mosaic.version = 14 : i64} {
  func.func @_agg16(%arg0: i32, %arg1: i32, %arg2: memref<10112x16xf32, #tpu.memory_space<hbm>>, %arg3: memref<10112x16xf32, #tpu.memory_space<hbm>>, %arg4: memref<2x320000xi32, #tpu.memory_space<hbm>>, %arg5: memref<10112x16xf32, #tpu.memory_space<hbm>>, %arg6: memref<2x10112x16xf32, #tpu.memory_space<hbm>>, %arg7: memref<10112xi32, #tpu.memory_space<vmem>>, %arg8: memref<10112xi32, #tpu.memory_space<vmem>>, %arg9: memref<4x128x16xf32, #tpu.memory_space<vmem>>, %arg10: memref<632x16xf32, #tpu.memory_space<vmem>>, %arg11: memref<632x16xf32, #tpu.memory_space<vmem>>, %arg12: memref<10112x16xf32, #tpu.memory_space<vmem_shared>>, %arg13: memref<10112x16xf32, #tpu.memory_space<vmem_shared>>, %arg14: memref<!tpu.dma_semaphore, #tpu.memory_space<semaphore_mem>>, %arg15: memref<!tpu.dma_semaphore, #tpu.memory_space<semaphore_mem>>, %arg16: memref<!tpu.dma_semaphore, #tpu.memory_space<semaphore_mem>>) attributes {dimension_semantics = [#tpu.dimension_semantics<core_parallel>, #tpu.dimension_semantics<subcore_parallel>], iteration_bounds = array<i64: 2, 16>, scalar_prefetch = 0 : i64, scratch_operands = 10 : i64, tpu.core_type = #tpu.core_type<sc_vector_subcore>, window_params = [{transform_indices = #map}, {transform_indices = #map}, {transform_indices = #map}, {transform_indices = #map}, {transform_indices = #map1}]} {
    %mul3A = arith.constant 2 : i32
    %mul3A_0 = arith.muli %arg1, %mul3A : i32
    %add3A = arith.addi %mul3A_0, %arg0 : i32
    %mul3A_1 = arith.constant 79 : i32
    %mul3A_2 = arith.muli %add3A, %mul3A_1 : i32
    %mul3A_3 = arith.constant 128 : i32
    %mul3A_4 = arith.muli %mul3A_2, %mul3A_3 : i32
    %eq3A = arith.constant 31 : i32
    %eq3A_5 = arith.cmpi eq, %add3A, %eq3A : i32
    %jit3A = arith.constant 51 : i32
    %jit3A_6 = arith.constant 79 : i32
    %select_n3A = arith.select %eq3A_5, %jit3A, %jit3A_6 : i32
    %mul3A_7 = arith.constant 632 : i32
    %mul3A_8 = arith.muli %arg1, %mul3A_7 : i32
    %not3A = arith.constant true
    %not3A_9 = arith.xori %eq3A_5, %not3A : i1
    %convert_element_type3A = arith.extui %not3A_9 : i1 to i32
    %cond3A = arith.constant 0 : i32
    %cond3A_10 = arith.cmpi ne, %convert_element_type3A, %cond3A : i32
    scf.if %cond3A_10 {
      %dma_start3A_84 = arith.constant 0 : i32
      %dma_start3A_85 = tpu.memref_slice %arg4[%dma_start3A_84, %mul3A_4] : memref<2x320000xi32, #tpu.memory_space<hbm>> -> memref<1x10112xi32, #tpu.memory_space<hbm>>
      %dma_start3A_86 = tpu.memref_squeeze %dma_start3A_85 : memref<1x10112xi32, #tpu.memory_space<hbm>> -> memref<10112xi32, #tpu.memory_space<hbm>>
      %dma_start3A_87 = tpu.memref_slice %arg4[%dma_start3A_84, %mul3A_4] : memref<2x320000xi32, #tpu.memory_space<hbm>> -> memref<1x10112xi32, #tpu.memory_space<hbm>>
      %dma_start3A_88 = tpu.memref_squeeze %dma_start3A_87 : memref<1x10112xi32, #tpu.memory_space<hbm>> -> memref<10112xi32, #tpu.memory_space<hbm>>
      tpu.enqueue_dma source(%dma_start3A_88 : memref<10112xi32, #tpu.memory_space<hbm>>) target(%arg7 : memref<10112xi32, #tpu.memory_space<vmem>>) target_semaphore(%arg16 : memref<!tpu.dma_semaphore, #tpu.memory_space<semaphore_mem>>)
      %dma_start3A_89 = arith.constant 1 : i32
      %dma_start3A_90 = tpu.memref_slice %arg4[%dma_start3A_89, %mul3A_4] : memref<2x320000xi32, #tpu.memory_space<hbm>> -> memref<1x10112xi32, #tpu.memory_space<hbm>>
      %dma_start3A_91 = tpu.memref_squeeze %dma_start3A_90 : memref<1x10112xi32, #tpu.memory_space<hbm>> -> memref<10112xi32, #tpu.memory_space<hbm>>
      %dma_start3A_92 = tpu.memref_slice %arg4[%dma_start3A_89, %mul3A_4] : memref<2x320000xi32, #tpu.memory_space<hbm>> -> memref<1x10112xi32, #tpu.memory_space<hbm>>
      %dma_start3A_93 = tpu.memref_squeeze %dma_start3A_92 : memref<1x10112xi32, #tpu.memory_space<hbm>> -> memref<10112xi32, #tpu.memory_space<hbm>>
      tpu.enqueue_dma source(%dma_start3A_93 : memref<10112xi32, #tpu.memory_space<hbm>>) target(%arg8 : memref<10112xi32, #tpu.memory_space<vmem>>) target_semaphore(%arg16 : memref<!tpu.dma_semaphore, #tpu.memory_space<semaphore_mem>>)
    } else {
    }
    %convert_element_type3A_11 = arith.extui %eq3A_5 : i1 to i32
    %cond3A_12 = arith.constant 0 : i32
    %cond3A_13 = arith.cmpi ne, %convert_element_type3A_11, %cond3A_12 : i32
    scf.if %cond3A_13 {
      %dma_start3A_84 = arith.constant 0 : i32
      %dma_start3A_85 = arith.constant 0 : i32
      %dma_start3A_86 = tpu.memref_slice %arg7[%dma_start3A_85] : memref<10112xi32, #tpu.memory_space<vmem>> -> memref<6528xi32, #tpu.memory_space<vmem>>
      %dma_start3A_87 = tpu.memref_slice %arg4[%dma_start3A_84, %mul3A_4] : memref<2x320000xi32, #tpu.memory_space<hbm>> -> memref<1x6528xi32, #tpu.memory_space<hbm>>
      %dma_start3A_88 = tpu.memref_squeeze %dma_start3A_87 : memref<1x6528xi32, #tpu.memory_space<hbm>> -> memref<6528xi32, #tpu.memory_space<hbm>>
      %dma_start3A_89 = arith.constant 0 : i32
      %dma_start3A_90 = tpu.memref_slice %arg7[%dma_start3A_89] : memref<10112xi32, #tpu.memory_space<vmem>> -> memref<6528xi32, #tpu.memory_space<vmem>>
      %dma_start3A_91 = tpu.memref_slice %arg4[%dma_start3A_84, %mul3A_4] : memref<2x320000xi32, #tpu.memory_space<hbm>> -> memref<1x6528xi32, #tpu.memory_space<hbm>>
      %dma_start3A_92 = tpu.memref_squeeze %dma_start3A_91 : memref<1x6528xi32, #tpu.memory_space<hbm>> -> memref<6528xi32, #tpu.memory_space<hbm>>
      tpu.enqueue_dma source(%dma_start3A_92 : memref<6528xi32, #tpu.memory_space<hbm>>) target(%dma_start3A_90 : memref<6528xi32, #tpu.memory_space<vmem>>) target_semaphore(%arg16 : memref<!tpu.dma_semaphore, #tpu.memory_space<semaphore_mem>>)
      %dma_start3A_93 = arith.constant 1 : i32
      %dma_start3A_94 = arith.constant 0 : i32
      %dma_start3A_95 = tpu.memref_slice %arg8[%dma_start3A_94] : memref<10112xi32, #tpu.memory_space<vmem>> -> memref<6528xi32, #tpu.memory_space<vmem>>
      %dma_start3A_96 = tpu.memref_slice %arg4[%dma_start3A_93, %mul3A_4] : memref<2x320000xi32, #tpu.memory_space<hbm>> -> memref<1x6528xi32, #tpu.memory_space<hbm>>
      %dma_start3A_97 = tpu.memref_squeeze %dma_start3A_96 : memref<1x6528xi32, #tpu.memory_space<hbm>> -> memref<6528xi32, #tpu.memory_space<hbm>>
      %dma_start3A_98 = arith.constant 0 : i32
      %dma_start3A_99 = tpu.memref_slice %arg8[%dma_start3A_98] : memref<10112xi32, #tpu.memory_space<vmem>> -> memref<6528xi32, #tpu.memory_space<vmem>>
      %dma_start3A_100 = tpu.memref_slice %arg4[%dma_start3A_93, %mul3A_4] : memref<2x320000xi32, #tpu.memory_space<hbm>> -> memref<1x6528xi32, #tpu.memory_space<hbm>>
      %dma_start3A_101 = tpu.memref_squeeze %dma_start3A_100 : memref<1x6528xi32, #tpu.memory_space<hbm>> -> memref<6528xi32, #tpu.memory_space<hbm>>
      tpu.enqueue_dma source(%dma_start3A_101 : memref<6528xi32, #tpu.memory_space<hbm>>) target(%dma_start3A_99 : memref<6528xi32, #tpu.memory_space<vmem>>) target_semaphore(%arg16 : memref<!tpu.dma_semaphore, #tpu.memory_space<semaphore_mem>>)
    } else {
    }
    "tpu.region"() ({
      %run_scoped3A = tpu.sem_alloc : memref<!tpu.dma_semaphore, #tpu.memory_space<semaphore_mem>>
      %dma_start3A_84 = arith.constant 0 : i32
      %dma_start3A_85 = tpu.memref_slice %arg2[%mul3A_8, %dma_start3A_84] : memref<10112x16xf32, #tpu.memory_space<hbm>> -> memref<632x16xf32, #tpu.memory_space<hbm>>
      %dma_start3A_86 = arith.constant 0 : i32
      %dma_start3A_87 = tpu.memref_slice %arg2[%mul3A_8, %dma_start3A_86] : memref<10112x16xf32, #tpu.memory_space<hbm>> -> memref<632x16xf32, #tpu.memory_space<hbm>>
      tpu.enqueue_dma source(%dma_start3A_87 : memref<632x16xf32, #tpu.memory_space<hbm>>) target(%arg10 : memref<632x16xf32, #tpu.memory_space<vmem>>) target_semaphore(%run_scoped3A : memref<!tpu.dma_semaphore, #tpu.memory_space<semaphore_mem>>)
      %dma_wait3A_88 = arith.constant 0 : i32
      %dma_wait3A_89 = tpu.memref_slice %arg2[%mul3A_8, %dma_wait3A_88] : memref<10112x16xf32, #tpu.memory_space<hbm>> -> memref<632x16xf32, #tpu.memory_space<hbm>>
      %dma_wait3A_90 = arith.constant 0 : i32
      %dma_wait3A_91 = tpu.memref_slice %arg2[%mul3A_8, %dma_wait3A_90] : memref<10112x16xf32, #tpu.memory_space<hbm>> -> memref<632x16xf32, #tpu.memory_space<hbm>>
      tpu.wait_dma2 semaphore(%run_scoped3A : memref<!tpu.dma_semaphore, #tpu.memory_space<semaphore_mem>>) src(%dma_wait3A_91 : memref<632x16xf32, #tpu.memory_space<hbm>>) dst(%arg10 : memref<632x16xf32, #tpu.memory_space<vmem>>)
      tpu.yield
    }) : () -> ()
    "tpu.region"() ({
      %run_scoped3A = tpu.sem_alloc : memref<!tpu.dma_semaphore, #tpu.memory_space<semaphore_mem>>
      %dma_start3A_84 = arith.constant 0 : i32
      %dma_start3A_85 = tpu.memref_slice %arg3[%mul3A_8, %dma_start3A_84] : memref<10112x16xf32, #tpu.memory_space<hbm>> -> memref<632x16xf32, #tpu.memory_space<hbm>>
      %dma_start3A_86 = arith.constant 0 : i32
      %dma_start3A_87 = tpu.memref_slice %arg3[%mul3A_8, %dma_start3A_86] : memref<10112x16xf32, #tpu.memory_space<hbm>> -> memref<632x16xf32, #tpu.memory_space<hbm>>
      tpu.enqueue_dma source(%dma_start3A_87 : memref<632x16xf32, #tpu.memory_space<hbm>>) target(%arg11 : memref<632x16xf32, #tpu.memory_space<vmem>>) target_semaphore(%run_scoped3A : memref<!tpu.dma_semaphore, #tpu.memory_space<semaphore_mem>>)
      %dma_wait3A_88 = arith.constant 0 : i32
      %dma_wait3A_89 = tpu.memref_slice %arg3[%mul3A_8, %dma_wait3A_88] : memref<10112x16xf32, #tpu.memory_space<hbm>> -> memref<632x16xf32, #tpu.memory_space<hbm>>
      %dma_wait3A_90 = arith.constant 0 : i32
      %dma_wait3A_91 = tpu.memref_slice %arg3[%mul3A_8, %dma_wait3A_90] : memref<10112x16xf32, #tpu.memory_space<hbm>> -> memref<632x16xf32, #tpu.memory_space<hbm>>
      tpu.wait_dma2 semaphore(%run_scoped3A : memref<!tpu.dma_semaphore, #tpu.memory_space<semaphore_mem>>) src(%dma_wait3A_91 : memref<632x16xf32, #tpu.memory_space<hbm>>) dst(%arg11 : memref<632x16xf32, #tpu.memory_space<vmem>>)
      tpu.yield
    }) : () -> ()
    %scan3A = arith.constant 0 : i32
    %scan3A_14 = arith.constant 0 : i32
    %scan3A_15 = arith.constant 632 : i32
    %scan3A_16 = arith.addi %scan3A_14, %scan3A_15 : i32
    %scan3A_17 = arith.constant 1 : i32
    scf.for %scan3A_84 = %scan3A_14 to %scan3A_16 step %scan3A_17  : i32 {
      %get3A = arith.index_cast %scan3A_84 : i32 to index
      %get3A_85 = arith.constant 0 : index
      %get3A_86 = tpu.vector_load %arg10[%get3A, %get3A_85] {strides = array<i32>} : memref<632x16xf32, #tpu.memory_space<vmem>>, vector<1x16xf32>,
      %get3A_87 = vector.shape_cast %get3A_86 : vector<1x16xf32> to vector<16xf32>
      %get3A_88 = arith.index_cast %scan3A_84 : i32 to index
      %get3A_89 = arith.constant 0 : index
      %get3A_90 = tpu.vector_load %arg11[%get3A_88, %get3A_89] {strides = array<i32>} : memref<632x16xf32, #tpu.memory_space<vmem>>, vector<1x16xf32>,
      %get3A_91 = vector.shape_cast %get3A_90 : vector<1x16xf32> to vector<16xf32>
      %mul3A_92 = arith.mulf %get3A_87, %get3A_91 : vector<16xf32>
      %swap3A = arith.index_cast %scan3A_84 : i32 to index
      %swap3A_93 = arith.constant 0 : index
      %swap3A_94 = tpu.vector_load %arg10[%swap3A, %swap3A_93] {strides = array<i32>} : memref<632x16xf32, #tpu.memory_space<vmem>>, vector<1x16xf32>,
      %swap3A_95 = vector.shape_cast %swap3A_94 : vector<1x16xf32> to vector<16xf32>
      %swap3A_96 = vector.shape_cast %mul3A_92 : vector<16xf32> to vector<1x16xf32>
      tpu.vector_store %arg10[%swap3A, %swap3A_93], %swap3A_96 {strides = array<i32>} : memref<632x16xf32, #tpu.memory_space<vmem>>, vector<1x16xf32>,
    }
    %scan3A_18 = arith.constant 632 : i32
    "tpu.region"() ({
      %run_scoped3A = tpu.sem_alloc : memref<!tpu.dma_semaphore, #tpu.memory_space<semaphore_mem>>
      %dma_start3A_84 = arith.constant 0 : i32
      %dma_start3A_85 = tpu.memref_slice %arg13[%mul3A_8, %dma_start3A_84] : memref<10112x16xf32, #tpu.memory_space<vmem_shared>> -> memref<632x16xf32, #tpu.memory_space<vmem_shared>>
      %dma_start3A_86 = arith.constant 0 : i32
      %dma_start3A_87 = tpu.memref_slice %arg13[%mul3A_8, %dma_start3A_86] : memref<10112x16xf32, #tpu.memory_space<vmem_shared>> -> memref<632x16xf32, #tpu.memory_space<vmem_shared>>
      tpu.enqueue_dma source(%arg10 : memref<632x16xf32, #tpu.memory_space<vmem>>) target(%dma_start3A_87 : memref<632x16xf32, #tpu.memory_space<vmem_shared>>) target_semaphore(%run_scoped3A : memref<!tpu.dma_semaphore, #tpu.memory_space<semaphore_mem>>)
      %dma_wait3A_88 = arith.constant 0 : i32
      %dma_wait3A_89 = tpu.memref_slice %arg13[%mul3A_8, %dma_wait3A_88] : memref<10112x16xf32, #tpu.memory_space<vmem_shared>> -> memref<632x16xf32, #tpu.memory_space<vmem_shared>>
      %dma_wait3A_90 = arith.constant 0 : i32
      %dma_wait3A_91 = tpu.memref_slice %arg13[%mul3A_8, %dma_wait3A_90] : memref<10112x16xf32, #tpu.memory_space<vmem_shared>> -> memref<632x16xf32, #tpu.memory_space<vmem_shared>>
      tpu.wait_dma2 semaphore(%run_scoped3A : memref<!tpu.dma_semaphore, #tpu.memory_space<semaphore_mem>>) src(%arg10 : memref<632x16xf32, #tpu.memory_space<vmem>>) dst(%dma_wait3A_91 : memref<632x16xf32, #tpu.memory_space<vmem_shared>>)
      tpu.yield
    }) : () -> ()
    %eq3A_19 = arith.constant 0 : i32
    %eq3A_20 = arith.cmpi eq, %arg0, %eq3A_19 : i32
    %convert_element_type3A_21 = arith.extui %eq3A_20 : i1 to i32
    %cond3A_22 = arith.constant 0 : i32
    %cond3A_23 = arith.cmpi ne, %convert_element_type3A_21, %cond3A_22 : i32
    scf.if %cond3A_23 {
      "tpu.region"() ({
        %run_scoped3A = tpu.sem_alloc : memref<!tpu.dma_semaphore, #tpu.memory_space<semaphore_mem>>
        %dma_start3A_84 = arith.constant 0 : i32
        %dma_start3A_85 = tpu.memref_slice %arg12[%mul3A_8, %dma_start3A_84] : memref<10112x16xf32, #tpu.memory_space<vmem_shared>> -> memref<632x16xf32, #tpu.memory_space<vmem_shared>>
        %dma_start3A_86 = arith.constant 0 : i32
        %dma_start3A_87 = tpu.memref_slice %arg12[%mul3A_8, %dma_start3A_86] : memref<10112x16xf32, #tpu.memory_space<vmem_shared>> -> memref<632x16xf32, #tpu.memory_space<vmem_shared>>
        tpu.enqueue_dma source(%arg10 : memref<632x16xf32, #tpu.memory_space<vmem>>) target(%dma_start3A_87 : memref<632x16xf32, #tpu.memory_space<vmem_shared>>) target_semaphore(%run_scoped3A : memref<!tpu.dma_semaphore, #tpu.memory_space<semaphore_mem>>)
        %dma_wait3A_88 = arith.constant 0 : i32
        %dma_wait3A_89 = tpu.memref_slice %arg12[%mul3A_8, %dma_wait3A_88] : memref<10112x16xf32, #tpu.memory_space<vmem_shared>> -> memref<632x16xf32, #tpu.memory_space<vmem_shared>>
        %dma_wait3A_90 = arith.constant 0 : i32
        %dma_wait3A_91 = tpu.memref_slice %arg12[%mul3A_8, %dma_wait3A_90] : memref<10112x16xf32, #tpu.memory_space<vmem_shared>> -> memref<632x16xf32, #tpu.memory_space<vmem_shared>>
        tpu.wait_dma2 semaphore(%run_scoped3A : memref<!tpu.dma_semaphore, #tpu.memory_space<semaphore_mem>>) src(%arg10 : memref<632x16xf32, #tpu.memory_space<vmem>>) dst(%dma_wait3A_91 : memref<632x16xf32, #tpu.memory_space<vmem_shared>>)
        tpu.yield
      }) : () -> ()
    } else {
    }
    %ne3A = arith.constant 0 : i32
    %ne3A_24 = arith.cmpi ne, %arg0, %ne3A : i32
    %convert_element_type3A_25 = arith.extui %ne3A_24 : i1 to i32
    %cond3A_26 = arith.constant 0 : i32
    %cond3A_27 = arith.cmpi ne, %convert_element_type3A_25, %cond3A_26 : i32
    scf.if %cond3A_27 {
      "tpu.region"() ({
        %run_scoped3A = tpu.sem_alloc : memref<!tpu.dma_semaphore, #tpu.memory_space<semaphore_mem>>
        %dma_start3A_84 = arith.constant 0 : i32
        %dma_start3A_85 = tpu.memref_slice %arg12[%mul3A_8, %dma_start3A_84] : memref<10112x16xf32, #tpu.memory_space<vmem_shared>> -> memref<632x16xf32, #tpu.memory_space<vmem_shared>>
        %dma_start3A_86 = arith.constant 0 : i32
        %dma_start3A_87 = tpu.memref_slice %arg5[%mul3A_8, %dma_start3A_86] : memref<10112x16xf32, #tpu.memory_space<hbm>> -> memref<632x16xf32, #tpu.memory_space<hbm>>
        tpu.enqueue_dma source(%dma_start3A_87 : memref<632x16xf32, #tpu.memory_space<hbm>>) target(%dma_start3A_85 : memref<632x16xf32, #tpu.memory_space<vmem_shared>>) target_semaphore(%run_scoped3A : memref<!tpu.dma_semaphore, #tpu.memory_space<semaphore_mem>>)
        %dma_wait3A_88 = arith.constant 0 : i32
        %dma_wait3A_89 = tpu.memref_slice %arg12[%mul3A_8, %dma_wait3A_88] : memref<10112x16xf32, #tpu.memory_space<vmem_shared>> -> memref<632x16xf32, #tpu.memory_space<vmem_shared>>
        %dma_wait3A_90 = arith.constant 0 : i32
        %dma_wait3A_91 = tpu.memref_slice %arg5[%mul3A_8, %dma_wait3A_90] : memref<10112x16xf32, #tpu.memory_space<hbm>> -> memref<632x16xf32, #tpu.memory_space<hbm>>
        tpu.wait_dma2 semaphore(%run_scoped3A : memref<!tpu.dma_semaphore, #tpu.memory_space<semaphore_mem>>) src(%dma_wait3A_91 : memref<632x16xf32, #tpu.memory_space<hbm>>) dst(%dma_wait3A_89 : memref<632x16xf32, #tpu.memory_space<vmem_shared>>)
        tpu.yield
      }) : () -> ()
    } else {
    }
    %not3A_28 = arith.constant true
    %not3A_29 = arith.xori %eq3A_5, %not3A_28 : i1
    %convert_element_type3A_30 = arith.extui %not3A_29 : i1 to i32
    %cond3A_31 = arith.constant 0 : i32
    %cond3A_32 = arith.cmpi ne, %convert_element_type3A_30, %cond3A_31 : i32
    scf.if %cond3A_32 {
      %dma_wait3A_84 = arith.constant 0 : i32
      %dma_wait3A_85 = tpu.memref_slice %arg4[%dma_wait3A_84, %mul3A_4] : memref<2x320000xi32, #tpu.memory_space<hbm>> -> memref<1x10112xi32, #tpu.memory_space<hbm>>
      %dma_wait3A_86 = tpu.memref_squeeze %dma_wait3A_85 : memref<1x10112xi32, #tpu.memory_space<hbm>> -> memref<10112xi32, #tpu.memory_space<hbm>>
      %dma_wait3A_87 = tpu.memref_slice %arg4[%dma_wait3A_84, %mul3A_4] : memref<2x320000xi32, #tpu.memory_space<hbm>> -> memref<1x10112xi32, #tpu.memory_space<hbm>>
      %dma_wait3A_88 = tpu.memref_squeeze %dma_wait3A_87 : memref<1x10112xi32, #tpu.memory_space<hbm>> -> memref<10112xi32, #tpu.memory_space<hbm>>
      tpu.wait_dma2 semaphore(%arg16 : memref<!tpu.dma_semaphore, #tpu.memory_space<semaphore_mem>>) src(%dma_wait3A_88 : memref<10112xi32, #tpu.memory_space<hbm>>) dst(%arg7 : memref<10112xi32, #tpu.memory_space<vmem>>)
      %dma_wait3A_89 = arith.constant 1 : i32
      %dma_wait3A_90 = tpu.memref_slice %arg4[%dma_wait3A_89, %mul3A_4] : memref<2x320000xi32, #tpu.memory_space<hbm>> -> memref<1x10112xi32, #tpu.memory_space<hbm>>
      %dma_wait3A_91 = tpu.memref_squeeze %dma_wait3A_90 : memref<1x10112xi32, #tpu.memory_space<hbm>> -> memref<10112xi32, #tpu.memory_space<hbm>>
      %dma_wait3A_92 = tpu.memref_slice %arg4[%dma_wait3A_89, %mul3A_4] : memref<2x320000xi32, #tpu.memory_space<hbm>> -> memref<1x10112xi32, #tpu.memory_space<hbm>>
      %dma_wait3A_93 = tpu.memref_squeeze %dma_wait3A_92 : memref<1x10112xi32, #tpu.memory_space<hbm>> -> memref<10112xi32, #tpu.memory_space<hbm>>
      tpu.wait_dma2 semaphore(%arg16 : memref<!tpu.dma_semaphore, #tpu.memory_space<semaphore_mem>>) src(%dma_wait3A_93 : memref<10112xi32, #tpu.memory_space<hbm>>) dst(%arg8 : memref<10112xi32, #tpu.memory_space<vmem>>)
    } else {
    }
    %convert_element_type3A_33 = arith.extui %eq3A_5 : i1 to i32
    %cond3A_34 = arith.constant 0 : i32
    %cond3A_35 = arith.cmpi ne, %convert_element_type3A_33, %cond3A_34 : i32
    scf.if %cond3A_35 {
      %dma_wait3A_84 = arith.constant 0 : i32
      %dma_wait3A_85 = arith.constant 0 : i32
      %dma_wait3A_86 = tpu.memref_slice %arg7[%dma_wait3A_85] : memref<10112xi32, #tpu.memory_space<vmem>> -> memref<6528xi32, #tpu.memory_space<vmem>>
      %dma_wait3A_87 = tpu.memref_slice %arg4[%dma_wait3A_84, %mul3A_4] : memref<2x320000xi32, #tpu.memory_space<hbm>> -> memref<1x6528xi32, #tpu.memory_space<hbm>>
      %dma_wait3A_88 = tpu.memref_squeeze %dma_wait3A_87 : memref<1x6528xi32, #tpu.memory_space<hbm>> -> memref<6528xi32, #tpu.memory_space<hbm>>
      %dma_wait3A_89 = arith.constant 0 : i32
      %dma_wait3A_90 = tpu.memref_slice %arg7[%dma_wait3A_89] : memref<10112xi32, #tpu.memory_space<vmem>> -> memref<6528xi32, #tpu.memory_space<vmem>>
      %dma_wait3A_91 = tpu.memref_slice %arg4[%dma_wait3A_84, %mul3A_4] : memref<2x320000xi32, #tpu.memory_space<hbm>> -> memref<1x6528xi32, #tpu.memory_space<hbm>>
      %dma_wait3A_92 = tpu.memref_squeeze %dma_wait3A_91 : memref<1x6528xi32, #tpu.memory_space<hbm>> -> memref<6528xi32, #tpu.memory_space<hbm>>
      tpu.wait_dma2 semaphore(%arg16 : memref<!tpu.dma_semaphore, #tpu.memory_space<semaphore_mem>>) src(%dma_wait3A_92 : memref<6528xi32, #tpu.memory_space<hbm>>) dst(%dma_wait3A_90 : memref<6528xi32, #tpu.memory_space<vmem>>)
      %dma_wait3A_93 = arith.constant 1 : i32
      %dma_wait3A_94 = arith.constant 0 : i32
      %dma_wait3A_95 = tpu.memref_slice %arg8[%dma_wait3A_94] : memref<10112xi32, #tpu.memory_space<vmem>> -> memref<6528xi32, #tpu.memory_space<vmem>>
      %dma_wait3A_96 = tpu.memref_slice %arg4[%dma_wait3A_93, %mul3A_4] : memref<2x320000xi32, #tpu.memory_space<hbm>> -> memref<1x6528xi32, #tpu.memory_space<hbm>>
      %dma_wait3A_97 = tpu.memref_squeeze %dma_wait3A_96 : memref<1x6528xi32, #tpu.memory_space<hbm>> -> memref<6528xi32, #tpu.memory_space<hbm>>
      %dma_wait3A_98 = arith.constant 0 : i32
      %dma_wait3A_99 = tpu.memref_slice %arg8[%dma_wait3A_98] : memref<10112xi32, #tpu.memory_space<vmem>> -> memref<6528xi32, #tpu.memory_space<vmem>>
      %dma_wait3A_100 = tpu.memref_slice %arg4[%dma_wait3A_93, %mul3A_4] : memref<2x320000xi32, #tpu.memory_space<hbm>> -> memref<1x6528xi32, #tpu.memory_space<hbm>>
      %dma_wait3A_101 = tpu.memref_squeeze %dma_wait3A_100 : memref<1x6528xi32, #tpu.memory_space<hbm>> -> memref<6528xi32, #tpu.memory_space<hbm>>
      tpu.wait_dma2 semaphore(%arg16 : memref<!tpu.dma_semaphore, #tpu.memory_space<semaphore_mem>>) src(%dma_wait3A_101 : memref<6528xi32, #tpu.memory_space<hbm>>) dst(%dma_wait3A_99 : memref<6528xi32, #tpu.memory_space<vmem>>)
    } else {
    }
    %barrier3A = arith.constant 0 : index
    tpu.barrier barrier_id(%barrier3A)
    %dma_start3A = arith.constant 0 : i32
    %dma_start3A_36 = arith.constant 0 : i32
    %dma_start3A_37 = arith.constant 0 : i32
    %dma_start3A_38 = tpu.memref_slice %arg9[%dma_start3A, %dma_start3A_36, %dma_start3A_37] : memref<4x128x16xf32, #tpu.memory_space<vmem>> -> memref<1x128x16xf32, #tpu.memory_space<vmem>>
    %dma_start3A_39 = tpu.memref_squeeze %dma_start3A_38 : memref<1x128x16xf32, #tpu.memory_space<vmem>> -> memref<128x16xf32, #tpu.memory_space<vmem>>
    %dma_start3A_40 = arith.constant 0 : i32
    %dma_start3A_41 = tpu.memref_slice %arg7[%dma_start3A_40] : memref<10112xi32, #tpu.memory_space<vmem>> -> memref<128xi32, #tpu.memory_space<vmem>>
    %dma_start3A_42 = arith.constant 0 : i32
    %dma_start3A_43 = arith.constant 0 : i32
    %dma_start3A_44 = tpu.memref_slice %arg13[%dma_start3A_42, %dma_start3A_43] : memref<10112x16xf32, #tpu.memory_space<vmem_shared>> -> memref<10112x16xf32, #tpu.memory_space<vmem_shared>>
    tpu.enqueue_indirect_dma source(%dma_start3A_44 : memref<10112x16xf32, #tpu.memory_space<vmem_shared>>) target(%dma_start3A_39 : memref<128x16xf32, #tpu.memory_space<vmem>>) offsets(%dma_start3A_41 : memref<128xi32, #tpu.memory_space<vmem>>) semaphore(%arg14 : memref<!tpu.dma_semaphore, #tpu.memory_space<semaphore_mem>>)
    %dma_start3A_45 = arith.constant 1 : i32
    %dma_start3A_46 = arith.constant 0 : i32
    %dma_start3A_47 = arith.constant 0 : i32
    %dma_start3A_48 = tpu.memref_slice %arg9[%dma_start3A_45, %dma_start3A_46, %dma_start3A_47] : memref<4x128x16xf32, #tpu.memory_space<vmem>> -> memref<1x128x16xf32, #tpu.memory_space<vmem>>
    %dma_start3A_49 = tpu.memref_squeeze %dma_start3A_48 : memref<1x128x16xf32, #tpu.memory_space<vmem>> -> memref<128x16xf32, #tpu.memory_space<vmem>>
    %dma_start3A_50 = arith.constant 128 : i32
    %dma_start3A_51 = tpu.memref_slice %arg7[%dma_start3A_50] : memref<10112xi32, #tpu.memory_space<vmem>> -> memref<128xi32, #tpu.memory_space<vmem>>
    %dma_start3A_52 = arith.constant 0 : i32
    %dma_start3A_53 = arith.constant 0 : i32
    %dma_start3A_54 = tpu.memref_slice %arg13[%dma_start3A_52, %dma_start3A_53] : memref<10112x16xf32, #tpu.memory_space<vmem_shared>> -> memref<10112x16xf32, #tpu.memory_space<vmem_shared>>
    tpu.enqueue_indirect_dma source(%dma_start3A_54 : memref<10112x16xf32, #tpu.memory_space<vmem_shared>>) target(%dma_start3A_49 : memref<128x16xf32, #tpu.memory_space<vmem>>) offsets(%dma_start3A_51 : memref<128xi32, #tpu.memory_space<vmem>>) semaphore(%arg14 : memref<!tpu.dma_semaphore, #tpu.memory_space<semaphore_mem>>)
    %while3A = arith.constant 0 : i32
    %while3A_55 = arith.constant 0 : i32
    %while3A_56 = arith.subi %select_n3A, %while3A_55 : i32
    %while3A_57 = arith.addi %while3A_55, %while3A_56 : i32
    %while3A_58 = arith.constant 1 : i32
    %while3A_59 = arith.divsi %while3A_56, %while3A_58 : i32
    %while3A_60 = arith.muli %while3A_59, %while3A_58 : i32
    %while3A_61 = arith.addi %while3A_55, %while3A_60 : i32
    %while3A_62 = arith.constant 1 : i32
    scf.for %while3A_84 = %while3A_55 to %while3A_61 step %while3A_62  : i32 {
      %rem3A = arith.constant 4 : i32
      %rem3A_85 = arith.remsi %while3A_84, %rem3A : i32
      %ge3A = arith.constant 2 : i32
      %ge3A_86 = arith.cmpi sge, %while3A_84, %ge3A : i32
      %convert_element_type3A_87 = arith.extui %ge3A_86 : i1 to i32
      %cond3A_88 = arith.constant 0 : i32
      %cond3A_89 = arith.cmpi ne, %convert_element_type3A_87, %cond3A_88 : i32
      scf.if %cond3A_89 {
        %add3A_115 = arith.constant 2 : i32
        %add3A_116 = arith.addi %while3A_84, %add3A_115 : i32
        %rem3A_117 = arith.constant 4 : i32
        %rem3A_118 = arith.remsi %add3A_116, %rem3A_117 : i32
        %sub3A = arith.constant 2 : i32
        %sub3A_119 = arith.subi %while3A_84, %sub3A : i32
        %mul3A_120 = arith.constant 128 : i32
        %mul3A_121 = arith.muli %sub3A_119, %mul3A_120 : i32
        %dma_wait3A_122 = arith.constant 0 : i32
        %dma_wait3A_123 = arith.constant 0 : i32
        %dma_wait3A_124 = tpu.memref_slice %arg9[%rem3A_118, %dma_wait3A_122, %dma_wait3A_123] : memref<4x128x16xf32, #tpu.memory_space<vmem>> -> memref<1x128x16xf32, #tpu.memory_space<vmem>>
        %dma_wait3A_125 = tpu.memref_squeeze %dma_wait3A_124 : memref<1x128x16xf32, #tpu.memory_space<vmem>> -> memref<128x16xf32, #tpu.memory_space<vmem>>
        %dma_wait3A_126 = tpu.memref_slice %arg8[%mul3A_121] : memref<10112xi32, #tpu.memory_space<vmem>> -> memref<128xi32, #tpu.memory_space<vmem>>
        %dma_wait3A_127 = arith.constant 0 : i32
        %dma_wait3A_128 = arith.constant 0 : i32
        %dma_wait3A_129 = tpu.memref_slice %arg12[%dma_wait3A_127, %dma_wait3A_128] : memref<10112x16xf32, #tpu.memory_space<vmem_shared>> -> memref<10112x16xf32, #tpu.memory_space<vmem_shared>>
        tpu.wait_indirect_dma semaphore(%arg15 : memref<!tpu.dma_semaphore, #tpu.memory_space<semaphore_mem>>) src(%dma_wait3A_125 : memref<128x16xf32, #tpu.memory_space<vmem>>) dst(%dma_wait3A_129 : memref<10112x16xf32, #tpu.memory_space<vmem_shared>>)
      } else {
      }
      %add3A_90 = arith.constant 2 : i32
      %add3A_91 = arith.addi %while3A_84, %add3A_90 : i32
      %lt3A = arith.cmpi slt, %add3A_91, %select_n3A : i32
      %convert_element_type3A_92 = arith.extui %lt3A : i1 to i32
      %cond3A_93 = arith.constant 0 : i32
      %cond3A_94 = arith.cmpi ne, %convert_element_type3A_92, %cond3A_93 : i32
      scf.if %cond3A_94 {
        %add3A_115 = arith.constant 2 : i32
        %add3A_116 = arith.addi %while3A_84, %add3A_115 : i32
        %mul3A_117 = arith.constant 128 : i32
        %mul3A_118 = arith.muli %add3A_116, %mul3A_117 : i32
        %add3A_119 = arith.constant 2 : i32
        %add3A_120 = arith.addi %while3A_84, %add3A_119 : i32
        %rem3A_121 = arith.constant 4 : i32
        %rem3A_122 = arith.remsi %add3A_120, %rem3A_121 : i32
        %dma_start3A_123 = arith.constant 0 : i32
        %dma_start3A_124 = arith.constant 0 : i32
        %dma_start3A_125 = tpu.memref_slice %arg9[%rem3A_122, %dma_start3A_123, %dma_start3A_124] : memref<4x128x16xf32, #tpu.memory_space<vmem>> -> memref<1x128x16xf32, #tpu.memory_space<vmem>>
        %dma_start3A_126 = tpu.memref_squeeze %dma_start3A_125 : memref<1x128x16xf32, #tpu.memory_space<vmem>> -> memref<128x16xf32, #tpu.memory_space<vmem>>
        %dma_start3A_127 = tpu.memref_slice %arg7[%mul3A_118] : memref<10112xi32, #tpu.memory_space<vmem>> -> memref<128xi32, #tpu.memory_space<vmem>>
        %dma_start3A_128 = arith.constant 0 : i32
        %dma_start3A_129 = arith.constant 0 : i32
        %dma_start3A_130 = tpu.memref_slice %arg13[%dma_start3A_128, %dma_start3A_129] : memref<10112x16xf32, #tpu.memory_space<vmem_shared>> -> memref<10112x16xf32, #tpu.memory_space<vmem_shared>>
        tpu.enqueue_indirect_dma source(%dma_start3A_130 : memref<10112x16xf32, #tpu.memory_space<vmem_shared>>) target(%dma_start3A_126 : memref<128x16xf32, #tpu.memory_space<vmem>>) offsets(%dma_start3A_127 : memref<128xi32, #tpu.memory_space<vmem>>) semaphore(%arg14 : memref<!tpu.dma_semaphore, #tpu.memory_space<semaphore_mem>>)
      } else {
      }
      %mul3A_95 = arith.constant 128 : i32
      %mul3A_96 = arith.muli %while3A_84, %mul3A_95 : i32
      %dma_wait3A_97 = arith.constant 0 : i32
      %dma_wait3A_98 = arith.constant 0 : i32
      %dma_wait3A_99 = tpu.memref_slice %arg9[%rem3A_85, %dma_wait3A_97, %dma_wait3A_98] : memref<4x128x16xf32, #tpu.memory_space<vmem>> -> memref<1x128x16xf32, #tpu.memory_space<vmem>>
      %dma_wait3A_100 = tpu.memref_squeeze %dma_wait3A_99 : memref<1x128x16xf32, #tpu.memory_space<vmem>> -> memref<128x16xf32, #tpu.memory_space<vmem>>
      %dma_wait3A_101 = tpu.memref_slice %arg7[%mul3A_96] : memref<10112xi32, #tpu.memory_space<vmem>> -> memref<128xi32, #tpu.memory_space<vmem>>
      %dma_wait3A_102 = arith.constant 0 : i32
      %dma_wait3A_103 = arith.constant 0 : i32
      %dma_wait3A_104 = tpu.memref_slice %arg13[%dma_wait3A_102, %dma_wait3A_103] : memref<10112x16xf32, #tpu.memory_space<vmem_shared>> -> memref<10112x16xf32, #tpu.memory_space<vmem_shared>>
      tpu.wait_indirect_dma semaphore(%arg14 : memref<!tpu.dma_semaphore, #tpu.memory_space<semaphore_mem>>) src(%dma_wait3A_104 : memref<10112x16xf32, #tpu.memory_space<vmem_shared>>) dst(%dma_wait3A_100 : memref<128x16xf32, #tpu.memory_space<vmem>>)
      %mul3A_105 = arith.constant 128 : i32
      %mul3A_106 = arith.muli %while3A_84, %mul3A_105 : i32
      %dma_start3A_107 = arith.constant 0 : i32
      %dma_start3A_108 = arith.constant 0 : i32
      %dma_start3A_109 = tpu.memref_slice %arg9[%rem3A_85, %dma_start3A_107, %dma_start3A_108] : memref<4x128x16xf32, #tpu.memory_space<vmem>> -> memref<1x128x16xf32, #tpu.memory_space<vmem>>
      %dma_start3A_110 = tpu.memref_squeeze %dma_start3A_109 : memref<1x128x16xf32, #tpu.memory_space<vmem>> -> memref<128x16xf32, #tpu.memory_space<vmem>>
      %dma_start3A_111 = tpu.memref_slice %arg8[%mul3A_106] : memref<10112xi32, #tpu.memory_space<vmem>> -> memref<128xi32, #tpu.memory_space<vmem>>
      %dma_start3A_112 = arith.constant 0 : i32
      %dma_start3A_113 = arith.constant 0 : i32
      %dma_start3A_114 = tpu.memref_slice %arg12[%dma_start3A_112, %dma_start3A_113] : memref<10112x16xf32, #tpu.memory_space<vmem_shared>> -> memref<10112x16xf32, #tpu.memory_space<vmem_shared>>
      tpu.enqueue_indirect_dma source(%dma_start3A_110 : memref<128x16xf32, #tpu.memory_space<vmem>>) target(%dma_start3A_114 : memref<10112x16xf32, #tpu.memory_space<vmem_shared>>) offsets(%dma_start3A_111 : memref<128xi32, #tpu.memory_space<vmem>>) semaphore(%arg15 : memref<!tpu.dma_semaphore, #tpu.memory_space<semaphore_mem>>) {add = true}
    }
    %while3A_63 = arith.constant 1 : i32
    scf.for %while3A_84 = %while3A_61 to %while3A_57 step %while3A_63  : i32 {
      %rem3A = arith.constant 4 : i32
      %rem3A_85 = arith.remsi %while3A_84, %rem3A : i32
      %ge3A = arith.constant 2 : i32
      %ge3A_86 = arith.cmpi sge, %while3A_84, %ge3A : i32
      %convert_element_type3A_87 = arith.extui %ge3A_86 : i1 to i32
      %cond3A_88 = arith.constant 0 : i32
      %cond3A_89 = arith.cmpi ne, %convert_element_type3A_87, %cond3A_88 : i32
      scf.if %cond3A_89 {
        %add3A_115 = arith.constant 2 : i32
        %add3A_116 = arith.addi %while3A_84, %add3A_115 : i32
        %rem3A_117 = arith.constant 4 : i32
        %rem3A_118 = arith.remsi %add3A_116, %rem3A_117 : i32
        %sub3A = arith.constant 2 : i32
        %sub3A_119 = arith.subi %while3A_84, %sub3A : i32
        %mul3A_120 = arith.constant 128 : i32
        %mul3A_121 = arith.muli %sub3A_119, %mul3A_120 : i32
        %dma_wait3A_122 = arith.constant 0 : i32
        %dma_wait3A_123 = arith.constant 0 : i32
        %dma_wait3A_124 = tpu.memref_slice %arg9[%rem3A_118, %dma_wait3A_122, %dma_wait3A_123] : memref<4x128x16xf32, #tpu.memory_space<vmem>> -> memref<1x128x16xf32, #tpu.memory_space<vmem>>
        %dma_wait3A_125 = tpu.memref_squeeze %dma_wait3A_124 : memref<1x128x16xf32, #tpu.memory_space<vmem>> -> memref<128x16xf32, #tpu.memory_space<vmem>>
        %dma_wait3A_126 = tpu.memref_slice %arg8[%mul3A_121] : memref<10112xi32, #tpu.memory_space<vmem>> -> memref<128xi32, #tpu.memory_space<vmem>>
        %dma_wait3A_127 = arith.constant 0 : i32
        %dma_wait3A_128 = arith.constant 0 : i32
        %dma_wait3A_129 = tpu.memref_slice %arg12[%dma_wait3A_127, %dma_wait3A_128] : memref<10112x16xf32, #tpu.memory_space<vmem_shared>> -> memref<10112x16xf32, #tpu.memory_space<vmem_shared>>
        tpu.wait_indirect_dma semaphore(%arg15 : memref<!tpu.dma_semaphore, #tpu.memory_space<semaphore_mem>>) src(%dma_wait3A_125 : memref<128x16xf32, #tpu.memory_space<vmem>>) dst(%dma_wait3A_129 : memref<10112x16xf32, #tpu.memory_space<vmem_shared>>)
      } else {
      }
      %add3A_90 = arith.constant 2 : i32
      %add3A_91 = arith.addi %while3A_84, %add3A_90 : i32
      %lt3A = arith.cmpi slt, %add3A_91, %select_n3A : i32
      %convert_element_type3A_92 = arith.extui %lt3A : i1 to i32
      %cond3A_93 = arith.constant 0 : i32
      %cond3A_94 = arith.cmpi ne, %convert_element_type3A_92, %cond3A_93 : i32
      scf.if %cond3A_94 {
        %add3A_115 = arith.constant 2 : i32
        %add3A_116 = arith.addi %while3A_84, %add3A_115 : i32
        %mul3A_117 = arith.constant 128 : i32
        %mul3A_118 = arith.muli %add3A_116, %mul3A_117 : i32
        %add3A_119 = arith.constant 2 : i32
        %add3A_120 = arith.addi %while3A_84, %add3A_119 : i32
        %rem3A_121 = arith.constant 4 : i32
        %rem3A_122 = arith.remsi %add3A_120, %rem3A_121 : i32
        %dma_start3A_123 = arith.constant 0 : i32
        %dma_start3A_124 = arith.constant 0 : i32
        %dma_start3A_125 = tpu.memref_slice %arg9[%rem3A_122, %dma_start3A_123, %dma_start3A_124] : memref<4x128x16xf32, #tpu.memory_space<vmem>> -> memref<1x128x16xf32, #tpu.memory_space<vmem>>
        %dma_start3A_126 = tpu.memref_squeeze %dma_start3A_125 : memref<1x128x16xf32, #tpu.memory_space<vmem>> -> memref<128x16xf32, #tpu.memory_space<vmem>>
        %dma_start3A_127 = tpu.memref_slice %arg7[%mul3A_118] : memref<10112xi32, #tpu.memory_space<vmem>> -> memref<128xi32, #tpu.memory_space<vmem>>
        %dma_start3A_128 = arith.constant 0 : i32
        %dma_start3A_129 = arith.constant 0 : i32
        %dma_start3A_130 = tpu.memref_slice %arg13[%dma_start3A_128, %dma_start3A_129] : memref<10112x16xf32, #tpu.memory_space<vmem_shared>> -> memref<10112x16xf32, #tpu.memory_space<vmem_shared>>
        tpu.enqueue_indirect_dma source(%dma_start3A_130 : memref<10112x16xf32, #tpu.memory_space<vmem_shared>>) target(%dma_start3A_126 : memref<128x16xf32, #tpu.memory_space<vmem>>) offsets(%dma_start3A_127 : memref<128xi32, #tpu.memory_space<vmem>>) semaphore(%arg14 : memref<!tpu.dma_semaphore, #tpu.memory_space<semaphore_mem>>)
      } else {
      }
      %mul3A_95 = arith.constant 128 : i32
      %mul3A_96 = arith.muli %while3A_84, %mul3A_95 : i32
      %dma_wait3A_97 = arith.constant 0 : i32
      %dma_wait3A_98 = arith.constant 0 : i32
      %dma_wait3A_99 = tpu.memref_slice %arg9[%rem3A_85, %dma_wait3A_97, %dma_wait3A_98] : memref<4x128x16xf32, #tpu.memory_space<vmem>> -> memref<1x128x16xf32, #tpu.memory_space<vmem>>
      %dma_wait3A_100 = tpu.memref_squeeze %dma_wait3A_99 : memref<1x128x16xf32, #tpu.memory_space<vmem>> -> memref<128x16xf32, #tpu.memory_space<vmem>>
      %dma_wait3A_101 = tpu.memref_slice %arg7[%mul3A_96] : memref<10112xi32, #tpu.memory_space<vmem>> -> memref<128xi32, #tpu.memory_space<vmem>>
      %dma_wait3A_102 = arith.constant 0 : i32
      %dma_wait3A_103 = arith.constant 0 : i32
      %dma_wait3A_104 = tpu.memref_slice %arg13[%dma_wait3A_102, %dma_wait3A_103] : memref<10112x16xf32, #tpu.memory_space<vmem_shared>> -> memref<10112x16xf32, #tpu.memory_space<vmem_shared>>
      tpu.wait_indirect_dma semaphore(%arg14 : memref<!tpu.dma_semaphore, #tpu.memory_space<semaphore_mem>>) src(%dma_wait3A_104 : memref<10112x16xf32, #tpu.memory_space<vmem_shared>>) dst(%dma_wait3A_100 : memref<128x16xf32, #tpu.memory_space<vmem>>)
      %mul3A_105 = arith.constant 128 : i32
      %mul3A_106 = arith.muli %while3A_84, %mul3A_105 : i32
      %dma_start3A_107 = arith.constant 0 : i32
      %dma_start3A_108 = arith.constant 0 : i32
      %dma_start3A_109 = tpu.memref_slice %arg9[%rem3A_85, %dma_start3A_107, %dma_start3A_108] : memref<4x128x16xf32, #tpu.memory_space<vmem>> -> memref<1x128x16xf32, #tpu.memory_space<vmem>>
      %dma_start3A_110 = tpu.memref_squeeze %dma_start3A_109 : memref<1x128x16xf32, #tpu.memory_space<vmem>> -> memref<128x16xf32, #tpu.memory_space<vmem>>
      %dma_start3A_111 = tpu.memref_slice %arg8[%mul3A_106] : memref<10112xi32, #tpu.memory_space<vmem>> -> memref<128xi32, #tpu.memory_space<vmem>>
      %dma_start3A_112 = arith.constant 0 : i32
      %dma_start3A_113 = arith.constant 0 : i32
      %dma_start3A_114 = tpu.memref_slice %arg12[%dma_start3A_112, %dma_start3A_113] : memref<10112x16xf32, #tpu.memory_space<vmem_shared>> -> memref<10112x16xf32, #tpu.memory_space<vmem_shared>>
      tpu.enqueue_indirect_dma source(%dma_start3A_110 : memref<128x16xf32, #tpu.memory_space<vmem>>) target(%dma_start3A_114 : memref<10112x16xf32, #tpu.memory_space<vmem_shared>>) offsets(%dma_start3A_111 : memref<128xi32, #tpu.memory_space<vmem>>) semaphore(%arg15 : memref<!tpu.dma_semaphore, #tpu.memory_space<semaphore_mem>>) {add = true}
    }
    %dma_wait3A = arith.constant 0 : i32
    %dma_wait3A_64 = arith.constant 0 : i32
    %dma_wait3A_65 = arith.constant 0 : i32
    %dma_wait3A_66 = tpu.memref_slice %arg9[%dma_wait3A, %dma_wait3A_64, %dma_wait3A_65] : memref<4x128x16xf32, #tpu.memory_space<vmem>> -> memref<1x128x16xf32, #tpu.memory_space<vmem>>
    %dma_wait3A_67 = tpu.memref_squeeze %dma_wait3A_66 : memref<1x128x16xf32, #tpu.memory_space<vmem>> -> memref<128x16xf32, #tpu.memory_space<vmem>>
    %dma_wait3A_68 = arith.constant 0 : i32
    %dma_wait3A_69 = tpu.memref_slice %arg8[%dma_wait3A_68] : memref<10112xi32, #tpu.memory_space<vmem>> -> memref<128xi32, #tpu.memory_space<vmem>>
    %dma_wait3A_70 = arith.constant 0 : i32
    %dma_wait3A_71 = arith.constant 0 : i32
    %dma_wait3A_72 = tpu.memref_slice %arg12[%dma_wait3A_70, %dma_wait3A_71] : memref<10112x16xf32, #tpu.memory_space<vmem_shared>> -> memref<10112x16xf32, #tpu.memory_space<vmem_shared>>
    tpu.wait_indirect_dma semaphore(%arg15 : memref<!tpu.dma_semaphore, #tpu.memory_space<semaphore_mem>>) src(%dma_wait3A_67 : memref<128x16xf32, #tpu.memory_space<vmem>>) dst(%dma_wait3A_72 : memref<10112x16xf32, #tpu.memory_space<vmem_shared>>)
    %dma_wait3A_73 = arith.constant 0 : i32
    %dma_wait3A_74 = arith.constant 0 : i32
    %dma_wait3A_75 = arith.constant 0 : i32
    %dma_wait3A_76 = tpu.memref_slice %arg9[%dma_wait3A_73, %dma_wait3A_74, %dma_wait3A_75] : memref<4x128x16xf32, #tpu.memory_space<vmem>> -> memref<1x128x16xf32, #tpu.memory_space<vmem>>
    %dma_wait3A_77 = tpu.memref_squeeze %dma_wait3A_76 : memref<1x128x16xf32, #tpu.memory_space<vmem>> -> memref<128x16xf32, #tpu.memory_space<vmem>>
    %dma_wait3A_78 = arith.constant 0 : i32
    %dma_wait3A_79 = tpu.memref_slice %arg8[%dma_wait3A_78] : memref<10112xi32, #tpu.memory_space<vmem>> -> memref<128xi32, #tpu.memory_space<vmem>>
    %dma_wait3A_80 = arith.constant 0 : i32
    %dma_wait3A_81 = arith.constant 0 : i32
    %dma_wait3A_82 = tpu.memref_slice %arg12[%dma_wait3A_80, %dma_wait3A_81] : memref<10112x16xf32, #tpu.memory_space<vmem_shared>> -> memref<10112x16xf32, #tpu.memory_space<vmem_shared>>
    tpu.wait_indirect_dma semaphore(%arg15 : memref<!tpu.dma_semaphore, #tpu.memory_space<semaphore_mem>>) src(%dma_wait3A_77 : memref<128x16xf32, #tpu.memory_space<vmem>>) dst(%dma_wait3A_82 : memref<10112x16xf32, #tpu.memory_space<vmem_shared>>)
    %barrier3A_83 = arith.constant 0 : index
    tpu.barrier barrier_id(%barrier3A_83)
    "tpu.region"() ({
      %run_scoped3A = tpu.sem_alloc : memref<!tpu.dma_semaphore, #tpu.memory_space<semaphore_mem>>
      %dma_start3A_84 = arith.constant 0 : i32
      %dma_start3A_85 = tpu.memref_slice %arg6[%arg0, %mul3A_8, %dma_start3A_84] : memref<2x10112x16xf32, #tpu.memory_space<hbm>> -> memref<1x632x16xf32, #tpu.memory_space<hbm>>
      %dma_start3A_86 = tpu.memref_squeeze %dma_start3A_85 : memref<1x632x16xf32, #tpu.memory_space<hbm>> -> memref<632x16xf32, #tpu.memory_space<hbm>>
      %dma_start3A_87 = arith.constant 0 : i32
      %dma_start3A_88 = tpu.memref_slice %arg12[%mul3A_8, %dma_start3A_87] : memref<10112x16xf32, #tpu.memory_space<vmem_shared>> -> memref<632x16xf32, #tpu.memory_space<vmem_shared>>
      tpu.enqueue_dma source(%dma_start3A_88 : memref<632x16xf32, #tpu.memory_space<vmem_shared>>) target(%dma_start3A_86 : memref<632x16xf32, #tpu.memory_space<hbm>>) target_semaphore(%run_scoped3A : memref<!tpu.dma_semaphore, #tpu.memory_space<semaphore_mem>>)
      %dma_wait3A_89 = arith.constant 0 : i32
      %dma_wait3A_90 = tpu.memref_slice %arg6[%arg0, %mul3A_8, %dma_wait3A_89] : memref<2x10112x16xf32, #tpu.memory_space<hbm>> -> memref<1x632x16xf32, #tpu.memory_space<hbm>>
      %dma_wait3A_91 = tpu.memref_squeeze %dma_wait3A_90 : memref<1x632x16xf32, #tpu.memory_space<hbm>> -> memref<632x16xf32, #tpu.memory_space<hbm>>
      %dma_wait3A_92 = arith.constant 0 : i32
      %dma_wait3A_93 = tpu.memref_slice %arg12[%mul3A_8, %dma_wait3A_92] : memref<10112x16xf32, #tpu.memory_space<vmem_shared>> -> memref<632x16xf32, #tpu.memory_space<vmem_shared>>
      tpu.wait_dma2 semaphore(%run_scoped3A : memref<!tpu.dma_semaphore, #tpu.memory_space<semaphore_mem>>) src(%dma_wait3A_93 : memref<632x16xf32, #tpu.memory_space<vmem_shared>>) dst(%dma_wait3A_91 : memref<632x16xf32, #tpu.memory_space<hbm>>)
      tpu.yield
    }) : () -> ()
    return
  }
}

module attributes {stable_mosaic.version = 14 : i64} {
  func.func @_tc0_body(%arg0: memref<10000x128xf32, #tpu.memory_space<vmem>>, %arg1: memref<128x32xf32, #tpu.memory_space<vmem>>, %arg2: memref<10112x32xf32, #tpu.memory_space<vmem>>) attributes {dimension_semantics = [], scalar_prefetch = 0 : i64, scratch_operands = 0 : i64, tpu.core_type = #tpu.core_type<tc>} {
    %get3A = arith.constant 0 : index
    %get3A_0 = arith.constant 0 : index
    %get3A_1 = vector.load %arg0[%get3A, %get3A_0] : memref<10000x128xf32, #tpu.memory_space<vmem>>, vector<10000x128xf32>
    %get3A_2 = arith.constant 0 : index
    %get3A_3 = arith.constant 0 : index
    %get3A_4 = vector.load %arg1[%get3A_2, %get3A_3] : memref<128x32xf32, #tpu.memory_space<vmem>>, vector<128x32xf32>
    %dot_general3A = arith.constant dense<0.000000e+00> : vector<10000x32xf32>
    %dot_general3A_5 = tpu.matmul %get3A_1, %get3A_4, %dot_general3A {dimension_numbers = #tpu.dot_dimension_numbers<[1], [0], [0], [1], [0, 0, 1, 1], [], []>, transpose_lhs_hint = false} : vector<10000x128xf32>, vector<128x32xf32>, vector<10000x32xf32> -> vector<10000x32xf32>
    %swap3A = arith.constant 0 : index
    %swap3A_6 = arith.constant 0 : index
    %swap3A_7 = vector.load %arg2[%swap3A, %swap3A_6] : memref<10112x32xf32, #tpu.memory_space<vmem>>, vector<10000x32xf32>
    tpu.vector_store %arg2[%swap3A, %swap3A_6], %dot_general3A_5 {strides = array<i32>} : memref<10112x32xf32, #tpu.memory_space<vmem>>, vector<10000x32xf32>,
    %broadcast_in_dim3A = arith.constant 0.000000e+00 : f32
    %broadcast_in_dim3A_8 = vector.broadcast %broadcast_in_dim3A : f32 to vector<112x32xf32>
    %swap3A_9 = arith.constant 10000 : index
    %swap3A_10 = arith.constant 0 : index
    %swap3A_11 = vector.load %arg2[%swap3A_9, %swap3A_10] : memref<10112x32xf32, #tpu.memory_space<vmem>>, vector<112x32xf32>
    tpu.vector_store %arg2[%swap3A_9, %swap3A_10], %broadcast_in_dim3A_8 {strides = array<i32>} : memref<10112x32xf32, #tpu.memory_space<vmem>>, vector<112x32xf32>,
    return
  }
}

module attributes {stable_mosaic.version = 14 : i64} {
  func.func @_tc2_body(%arg0: memref<2x2528x128xf32, #tpu.memory_space<vmem>>, %arg1: memref<2528x64xf32, #tpu.memory_space<vmem>>, %arg2: memref<1x128xf32, #tpu.memory_space<vmem>>, %arg3: memref<32x16xf32, #tpu.memory_space<vmem>>, %arg4: memref<2528x64xf32, #tpu.memory_space<vmem>>) attributes {dimension_semantics = [], scalar_prefetch = 0 : i64, scratch_operands = 0 : i64, tpu.core_type = #tpu.core_type<tc>} {
    %get3A = arith.constant 0 : index
    %get3A_0 = arith.constant 0 : index
    %get3A_1 = vector.load %arg1[%get3A, %get3A_0] : memref<2528x64xf32, #tpu.memory_space<vmem>>, vector<2528x64xf32>
    %slice3A = vector.extract_strided_slice %get3A_1 {offsets = [0, 0], sizes = [2528, 16], strides = [1, 1]} : vector<2528x64xf32> to vector<2528x16xf32>
    %slice3A_2 = vector.extract_strided_slice %get3A_1 {offsets = [0, 0], sizes = [2528, 16], strides = [1, 1]} : vector<2528x64xf32> to vector<2528x16xf32>
    %slice3A_3 = vector.extract_strided_slice %get3A_1 {offsets = [0, 16], sizes = [2528, 16], strides = [1, 1]} : vector<2528x64xf32> to vector<2528x16xf32>
    %slice3A_4 = vector.extract_strided_slice %get3A_1 {offsets = [0, 16], sizes = [2528, 16], strides = [1, 1]} : vector<2528x64xf32> to vector<2528x16xf32>
    %slice3A_5 = vector.extract_strided_slice %get3A_1 {offsets = [0, 32], sizes = [2528, 16], strides = [1, 1]} : vector<2528x64xf32> to vector<2528x16xf32>
    %slice3A_6 = vector.extract_strided_slice %get3A_1 {offsets = [0, 32], sizes = [2528, 16], strides = [1, 1]} : vector<2528x64xf32> to vector<2528x16xf32>
    %slice3A_7 = vector.extract_strided_slice %get3A_1 {offsets = [0, 48], sizes = [2528, 16], strides = [1, 1]} : vector<2528x64xf32> to vector<2528x16xf32>
    %slice3A_8 = vector.extract_strided_slice %get3A_1 {offsets = [0, 48], sizes = [2528, 16], strides = [1, 1]} : vector<2528x64xf32> to vector<2528x16xf32>
    %concatenate3A = tpu.concatenate %slice3A, %slice3A_2, %slice3A_3, %slice3A_4, %slice3A_5, %slice3A_6, %slice3A_7, %slice3A_8 in 1 : vector<2528x16xf32>, vector<2528x16xf32>, vector<2528x16xf32>, vector<2528x16xf32>, vector<2528x16xf32>, vector<2528x16xf32>, vector<2528x16xf32>, vector<2528x16xf32> -> vector<2528x128xf32>
    %get3A_9 = arith.constant 0 : index
    %get3A_10 = arith.constant 0 : index
    %get3A_11 = arith.constant 0 : index
    %get3A_12 = vector.load %arg0[%get3A_9, %get3A_10, %get3A_11] : memref<2x2528x128xf32, #tpu.memory_space<vmem>>, vector<1x2528x128xf32>
    %get3A_13 = vector.shape_cast %get3A_12 : vector<1x2528x128xf32> to vector<2528x128xf32>
    %get3A_14 = arith.constant 1 : index
    %get3A_15 = arith.constant 0 : index
    %get3A_16 = arith.constant 0 : index
    %get3A_17 = vector.load %arg0[%get3A_14, %get3A_15, %get3A_16] : memref<2x2528x128xf32, #tpu.memory_space<vmem>>, vector<1x2528x128xf32>
    %get3A_18 = vector.shape_cast %get3A_17 : vector<1x2528x128xf32> to vector<2528x128xf32>
    %add3A = arith.addf %get3A_13, %get3A_18 : vector<2528x128xf32>
    %mul3A = arith.mulf %add3A, %concatenate3A : vector<2528x128xf32>
    %get3A_19 = arith.constant 0 : index
    %get3A_20 = arith.constant 0 : index
    %get3A_21 = vector.load %arg2[%get3A_19, %get3A_20] : memref<1x128xf32, #tpu.memory_space<vmem>>, vector<1x128xf32>
    %add3A_22 = vector.broadcast %get3A_21 : vector<1x128xf32> to vector<2528x128xf32>
    %add3A_23 = arith.addf %mul3A, %add3A_22 : vector<2528x128xf32>
    %max3A = arith.constant 0.000000e+00 : f32
    %max3A_24 = vector.broadcast %max3A : f32 to vector<2528x128xf32>
    %max3A_25 = arith.maximumf %add3A_23, %max3A_24 : vector<2528x128xf32>
    %slice3A_26 = vector.extract_strided_slice %max3A_25 {offsets = [0, 0], sizes = [2528, 32], strides = [1, 1]} : vector<2528x128xf32> to vector<2528x32xf32>
    %get3A_27 = arith.constant 0 : index
    %get3A_28 = arith.constant 0 : index
    %get3A_29 = vector.load %arg3[%get3A_27, %get3A_28] : memref<32x16xf32, #tpu.memory_space<vmem>>, vector<32x16xf32>
    %dot_general3A = arith.constant dense<0.000000e+00> : vector<2528x16xf32>
    %dot_general3A_30 = tpu.matmul %slice3A_26, %get3A_29, %dot_general3A {dimension_numbers = #tpu.dot_dimension_numbers<[1], [0], [0], [1], [0, 0, 1, 1], [], []>, transpose_lhs_hint = false} : vector<2528x32xf32>, vector<32x16xf32>, vector<2528x16xf32> -> vector<2528x16xf32>
    %slice3A_31 = vector.extract_strided_slice %max3A_25 {offsets = [0, 32], sizes = [2528, 32], strides = [1, 1]} : vector<2528x128xf32> to vector<2528x32xf32>
    %get3A_32 = arith.constant 0 : index
    %get3A_33 = arith.constant 0 : index
    %get3A_34 = vector.load %arg3[%get3A_32, %get3A_33] : memref<32x16xf32, #tpu.memory_space<vmem>>, vector<32x16xf32>
    %dot_general3A_35 = arith.constant dense<0.000000e+00> : vector<2528x16xf32>
    %dot_general3A_36 = tpu.matmul %slice3A_31, %get3A_34, %dot_general3A_35 {dimension_numbers = #tpu.dot_dimension_numbers<[1], [0], [0], [1], [0, 0, 1, 1], [], []>, transpose_lhs_hint = false} : vector<2528x32xf32>, vector<32x16xf32>, vector<2528x16xf32> -> vector<2528x16xf32>
    %slice3A_37 = vector.extract_strided_slice %max3A_25 {offsets = [0, 64], sizes = [2528, 32], strides = [1, 1]} : vector<2528x128xf32> to vector<2528x32xf32>
    %get3A_38 = arith.constant 0 : index
    %get3A_39 = arith.constant 0 : index
    %get3A_40 = vector.load %arg3[%get3A_38, %get3A_39] : memref<32x16xf32, #tpu.memory_space<vmem>>, vector<32x16xf32>
    %dot_general3A_41 = arith.constant dense<0.000000e+00> : vector<2528x16xf32>
    %dot_general3A_42 = tpu.matmul %slice3A_37, %get3A_40, %dot_general3A_41 {dimension_numbers = #tpu.dot_dimension_numbers<[1], [0], [0], [1], [0, 0, 1, 1], [], []>, transpose_lhs_hint = false} : vector<2528x32xf32>, vector<32x16xf32>, vector<2528x16xf32> -> vector<2528x16xf32>
    %slice3A_43 = vector.extract_strided_slice %max3A_25 {offsets = [0, 96], sizes = [2528, 32], strides = [1, 1]} : vector<2528x128xf32> to vector<2528x32xf32>
    %get3A_44 = arith.constant 0 : index
    %get3A_45 = arith.constant 0 : index
    %get3A_46 = vector.load %arg3[%get3A_44, %get3A_45] : memref<32x16xf32, #tpu.memory_space<vmem>>, vector<32x16xf32>
    %dot_general3A_47 = arith.constant dense<0.000000e+00> : vector<2528x16xf32>
    %dot_general3A_48 = tpu.matmul %slice3A_43, %get3A_46, %dot_general3A_47 {dimension_numbers = #tpu.dot_dimension_numbers<[1], [0], [0], [1], [0, 0, 1, 1], [], []>, transpose_lhs_hint = false} : vector<2528x32xf32>, vector<32x16xf32>, vector<2528x16xf32> -> vector<2528x16xf32>
    %concatenate3A_49 = tpu.concatenate %dot_general3A_30, %dot_general3A_36, %dot_general3A_42, %dot_general3A_48 in 1 : vector<2528x16xf32>, vector<2528x16xf32>, vector<2528x16xf32>, vector<2528x16xf32> -> vector<2528x64xf32>
    %swap3A = arith.constant 0 : index
    %swap3A_50 = arith.constant 0 : index
    %swap3A_51 = vector.load %arg4[%swap3A, %swap3A_50] : memref<2528x64xf32, #tpu.memory_space<vmem>>, vector<2528x64xf32>
    tpu.vector_store %arg4[%swap3A, %swap3A_50], %concatenate3A_49 {strides = array<i32>} : memref<2528x64xf32, #tpu.memory_space<vmem>>, vector<2528x64xf32>,
    return
  }
}

module attributes {stable_mosaic.version = 14 : i64} {
  func.func @_tc3_body(%arg0: memref<2x1264x128xf32, #tpu.memory_space<vmem>>, %arg1: memref<1264x128xf32, #tpu.memory_space<vmem>>, %arg2: memref<1x128xf32, #tpu.memory_space<vmem>>, %arg3: memref<16x1xf32, #tpu.memory_space<vmem>>, %arg4: memref<1x1xf32, #tpu.memory_space<vmem>>, %arg5: memref<1264x128xf32, #tpu.memory_space<vmem>>, %arg6: memref<1264x8xf32, #tpu.memory_space<vmem>>) attributes {dimension_semantics = [], scalar_prefetch = 0 : i64, scratch_operands = 0 : i64, tpu.core_type = #tpu.core_type<tc>} {
    %get3A = arith.constant 0 : index
    %get3A_0 = arith.constant 0 : index
    %get3A_1 = arith.constant 0 : index
    %get3A_2 = vector.load %arg0[%get3A, %get3A_0, %get3A_1] : memref<2x1264x128xf32, #tpu.memory_space<vmem>>, vector<1x1264x128xf32>
    %get3A_3 = vector.shape_cast %get3A_2 : vector<1x1264x128xf32> to vector<1264x128xf32>
    %get3A_4 = arith.constant 1 : index
    %get3A_5 = arith.constant 0 : index
    %get3A_6 = arith.constant 0 : index
    %get3A_7 = vector.load %arg0[%get3A_4, %get3A_5, %get3A_6] : memref<2x1264x128xf32, #tpu.memory_space<vmem>>, vector<1x1264x128xf32>
    %get3A_8 = vector.shape_cast %get3A_7 : vector<1x1264x128xf32> to vector<1264x128xf32>
    %add3A = arith.addf %get3A_3, %get3A_8 : vector<1264x128xf32>
    %get3A_9 = arith.constant 0 : index
    %get3A_10 = arith.constant 0 : index
    %get3A_11 = vector.load %arg1[%get3A_9, %get3A_10] : memref<1264x128xf32, #tpu.memory_space<vmem>>, vector<1264x128xf32>
    %mul3A = arith.mulf %add3A, %get3A_11 : vector<1264x128xf32>
    %get3A_12 = arith.constant 0 : index
    %get3A_13 = arith.constant 0 : index
    %get3A_14 = vector.load %arg2[%get3A_12, %get3A_13] : memref<1x128xf32, #tpu.memory_space<vmem>>, vector<1x128xf32>
    %add3A_15 = vector.broadcast %get3A_14 : vector<1x128xf32> to vector<1264x128xf32>
    %add3A_16 = arith.addf %mul3A, %add3A_15 : vector<1264x128xf32>
    %max3A = arith.constant 0.000000e+00 : f32
    %max3A_17 = vector.broadcast %max3A : f32 to vector<1264x128xf32>
    %max3A_18 = arith.maximumf %add3A_16, %max3A_17 : vector<1264x128xf32>
    %swap3A = arith.constant 0 : index
    %swap3A_19 = arith.constant 0 : index
    %swap3A_20 = vector.load %arg5[%swap3A, %swap3A_19] : memref<1264x128xf32, #tpu.memory_space<vmem>>, vector<1264x128xf32>
    tpu.vector_store %arg5[%swap3A, %swap3A_19], %max3A_18 {strides = array<i32>} : memref<1264x128xf32, #tpu.memory_space<vmem>>, vector<1264x128xf32>,
    %slice3A = vector.extract_strided_slice %max3A_18 {offsets = [0, 0], sizes = [1264, 16], strides = [1, 1]} : vector<1264x128xf32> to vector<1264x16xf32>
    %get3A_21 = arith.constant 0 : index
    %get3A_22 = arith.constant 0 : index
    %get3A_23 = vector.load %arg3[%get3A_21, %get3A_22] : memref<16x1xf32, #tpu.memory_space<vmem>>, vector<16x1xf32>
    %dot_general3A = arith.constant dense<0.000000e+00> : vector<1264x1xf32>
    %dot_general3A_24 = tpu.matmul %slice3A, %get3A_23, %dot_general3A {dimension_numbers = #tpu.dot_dimension_numbers<[1], [0], [0], [1], [0, 0, 1, 1], [], []>, transpose_lhs_hint = false} : vector<1264x16xf32>, vector<16x1xf32>, vector<1264x1xf32> -> vector<1264x1xf32>
    %slice3A_25 = vector.extract_strided_slice %max3A_18 {offsets = [0, 16], sizes = [1264, 16], strides = [1, 1]} : vector<1264x128xf32> to vector<1264x16xf32>
    %get3A_26 = arith.constant 0 : index
    %get3A_27 = arith.constant 0 : index
    %get3A_28 = vector.load %arg3[%get3A_26, %get3A_27] : memref<16x1xf32, #tpu.memory_space<vmem>>, vector<16x1xf32>
    %dot_general3A_29 = arith.constant dense<0.000000e+00> : vector<1264x1xf32>
    %dot_general3A_30 = tpu.matmul %slice3A_25, %get3A_28, %dot_general3A_29 {dimension_numbers = #tpu.dot_dimension_numbers<[1], [0], [0], [1], [0, 0, 1, 1], [], []>, transpose_lhs_hint = false} : vector<1264x16xf32>, vector<16x1xf32>, vector<1264x1xf32> -> vector<1264x1xf32>
    %slice3A_31 = vector.extract_strided_slice %max3A_18 {offsets = [0, 32], sizes = [1264, 16], strides = [1, 1]} : vector<1264x128xf32> to vector<1264x16xf32>
    %get3A_32 = arith.constant 0 : index
    %get3A_33 = arith.constant 0 : index
    %get3A_34 = vector.load %arg3[%get3A_32, %get3A_33] : memref<16x1xf32, #tpu.memory_space<vmem>>, vector<16x1xf32>
    %dot_general3A_35 = arith.constant dense<0.000000e+00> : vector<1264x1xf32>
    %dot_general3A_36 = tpu.matmul %slice3A_31, %get3A_34, %dot_general3A_35 {dimension_numbers = #tpu.dot_dimension_numbers<[1], [0], [0], [1], [0, 0, 1, 1], [], []>, transpose_lhs_hint = false} : vector<1264x16xf32>, vector<16x1xf32>, vector<1264x1xf32> -> vector<1264x1xf32>
    %slice3A_37 = vector.extract_strided_slice %max3A_18 {offsets = [0, 48], sizes = [1264, 16], strides = [1, 1]} : vector<1264x128xf32> to vector<1264x16xf32>
    %get3A_38 = arith.constant 0 : index
    %get3A_39 = arith.constant 0 : index
    %get3A_40 = vector.load %arg3[%get3A_38, %get3A_39] : memref<16x1xf32, #tpu.memory_space<vmem>>, vector<16x1xf32>
    %dot_general3A_41 = arith.constant dense<0.000000e+00> : vector<1264x1xf32>
    %dot_general3A_42 = tpu.matmul %slice3A_37, %get3A_40, %dot_general3A_41 {dimension_numbers = #tpu.dot_dimension_numbers<[1], [0], [0], [1], [0, 0, 1, 1], [], []>, transpose_lhs_hint = false} : vector<1264x16xf32>, vector<16x1xf32>, vector<1264x1xf32> -> vector<1264x1xf32>
    %slice3A_43 = vector.extract_strided_slice %max3A_18 {offsets = [0, 64], sizes = [1264, 16], strides = [1, 1]} : vector<1264x128xf32> to vector<1264x16xf32>
    %get3A_44 = arith.constant 0 : index
    %get3A_45 = arith.constant 0 : index
    %get3A_46 = vector.load %arg3[%get3A_44, %get3A_45] : memref<16x1xf32, #tpu.memory_space<vmem>>, vector<16x1xf32>
    %dot_general3A_47 = arith.constant dense<0.000000e+00> : vector<1264x1xf32>
    %dot_general3A_48 = tpu.matmul %slice3A_43, %get3A_46, %dot_general3A_47 {dimension_numbers = #tpu.dot_dimension_numbers<[1], [0], [0], [1], [0, 0, 1, 1], [], []>, transpose_lhs_hint = false} : vector<1264x16xf32>, vector<16x1xf32>, vector<1264x1xf32> -> vector<1264x1xf32>
    %slice3A_49 = vector.extract_strided_slice %max3A_18 {offsets = [0, 80], sizes = [1264, 16], strides = [1, 1]} : vector<1264x128xf32> to vector<1264x16xf32>
    %get3A_50 = arith.constant 0 : index
    %get3A_51 = arith.constant 0 : index
    %get3A_52 = vector.load %arg3[%get3A_50, %get3A_51] : memref<16x1xf32, #tpu.memory_space<vmem>>, vector<16x1xf32>
    %dot_general3A_53 = arith.constant dense<0.000000e+00> : vector<1264x1xf32>
    %dot_general3A_54 = tpu.matmul %slice3A_49, %get3A_52, %dot_general3A_53 {dimension_numbers = #tpu.dot_dimension_numbers<[1], [0], [0], [1], [0, 0, 1, 1], [], []>, transpose_lhs_hint = false} : vector<1264x16xf32>, vector<16x1xf32>, vector<1264x1xf32> -> vector<1264x1xf32>
    %slice3A_55 = vector.extract_strided_slice %max3A_18 {offsets = [0, 96], sizes = [1264, 16], strides = [1, 1]} : vector<1264x128xf32> to vector<1264x16xf32>
    %get3A_56 = arith.constant 0 : index
    %get3A_57 = arith.constant 0 : index
    %get3A_58 = vector.load %arg3[%get3A_56, %get3A_57] : memref<16x1xf32, #tpu.memory_space<vmem>>, vector<16x1xf32>
    %dot_general3A_59 = arith.constant dense<0.000000e+00> : vector<1264x1xf32>
    %dot_general3A_60 = tpu.matmul %slice3A_55, %get3A_58, %dot_general3A_59 {dimension_numbers = #tpu.dot_dimension_numbers<[1], [0], [0], [1], [0, 0, 1, 1], [], []>, transpose_lhs_hint = false} : vector<1264x16xf32>, vector<16x1xf32>, vector<1264x1xf32> -> vector<1264x1xf32>
    %slice3A_61 = vector.extract_strided_slice %max3A_18 {offsets = [0, 112], sizes = [1264, 16], strides = [1, 1]} : vector<1264x128xf32> to vector<1264x16xf32>
    %get3A_62 = arith.constant 0 : index
    %get3A_63 = arith.constant 0 : index
    %get3A_64 = vector.load %arg3[%get3A_62, %get3A_63] : memref<16x1xf32, #tpu.memory_space<vmem>>, vector<16x1xf32>
    %dot_general3A_65 = arith.constant dense<0.000000e+00> : vector<1264x1xf32>
    %dot_general3A_66 = tpu.matmul %slice3A_61, %get3A_64, %dot_general3A_65 {dimension_numbers = #tpu.dot_dimension_numbers<[1], [0], [0], [1], [0, 0, 1, 1], [], []>, transpose_lhs_hint = false} : vector<1264x16xf32>, vector<16x1xf32>, vector<1264x1xf32> -> vector<1264x1xf32>
    %concatenate3A = tpu.concatenate %dot_general3A_24, %dot_general3A_30, %dot_general3A_36, %dot_general3A_42, %dot_general3A_48, %dot_general3A_54, %dot_general3A_60, %dot_general3A_66 in 1 : vector<1264x1xf32>, vector<1264x1xf32>, vector<1264x1xf32>, vector<1264x1xf32>, vector<1264x1xf32>, vector<1264x1xf32>, vector<1264x1xf32>, vector<1264x1xf32> -> vector<1264x8xf32>
    %get3A_67 = arith.constant 0 : index
    %get3A_68 = arith.constant 0 : index
    %get3A_69 = vector.load %arg4[%get3A_67, %get3A_68] : memref<1x1xf32, #tpu.memory_space<vmem>>, vector<1x1xf32>
    %get3A_70 = vector.extract %get3A_69[0, 0] : f32 from vector<1x1xf32>
    %add3A_71 = vector.broadcast %get3A_70 : f32 to vector<1264x8xf32>
    %add3A_72 = arith.addf %concatenate3A, %add3A_71 : vector<1264x8xf32>
    %swap3A_73 = arith.constant 0 : index
    %swap3A_74 = arith.constant 0 : index
    %swap3A_75 = vector.load %arg6[%swap3A_73, %swap3A_74] : memref<1264x8xf32, #tpu.memory_space<vmem>>, vector<1264x8xf32>
    tpu.vector_store %arg6[%swap3A_73, %swap3A_74], %add3A_72 {strides = array<i32>} : memref<1264x8xf32, #tpu.memory_space<vmem>>, vector<1264x8xf32>,
    return
  }
}

</mosaic_0001>

<sc_bundles>
// kernel: kernel.11.cloned.1.call-start
scs
__scs_entry_jumppad:
0x0: {  	(pc) =	sbr.rel $0x88, $3  }
0x1: {  	(tag) =	ssettag $0x0;
	lr =	simm.s32 $0x1  }
0x2: {  	[smem:$0x3F99] =	sst lr;
	_ =	strace $0xD0000000  }
0x3: {  	_ = 	snop  }
0x4: {  	_ = 	snop  }
0x5: {  	_ = 	snop  }
0x6: {  	_ = 	snop  }
0x7: {  	_ = 	snop  }
__scs_overlays_trampoline_lowered:
0x8: {  	[smem:$0x3FA8] =	sst s0  }
0x9: {  	[smem:$0x3FA9] =	sst s1  }
0xa: {  	[smem:$0x3FAA] =	sst s2  }
0xb: {  	[smem:$0x3FAB] =	sst s3  }
0xc: {  	[smem:$0x3FAC] =	sst s4  }
0xd: {  	[smem:$0x3FAD] =	sst s5  }
0xe: {  	[smem:$0x3FAE] =	sst s6  }
0xf: {  	[smem:$0x3FAF] =	sst s7  }
0x10: {  	[smem:$0x3FB0] =	sst s8  }
0x11: {  	[smem:$0x3FB1] =	sst s9;
	s0 =	simm.s32 @!p0 $0x0  }
0x12: {  	s1 =	sld [smem:$0x3F97];
	s0 =	simm.s32 @p0 $0x1  }
0x13: {  	[smem:$0x3FB2] =	sst s0;
	s0 =	simm.s32 @!p1 $0x0  }
0x14: {  	s2 =	sld [smem:$0x3F96];
	s0 =	simm.s32 @p1 $0x1  }
0x15: {  	[smem:$0x3FB3] =	sst s0;
	s0 =	simm.s32 @!p2 $0x0  }
0x16: {  	s3 =	sld [smem:$0x3FDB];
	s0 =	simm.s32 @p2 $0x1  }
0x17: {  	s4 =	simm.s32 $0x1BF5;
	[smem:$0x3FB5] =	sst s0  }
0x18: {  	s0 =	sld [smem:$0x3F98];
	_ =	swait.ge [sflag:s4], $0x0  }
0x19: {  	s7 =	sld [smem:$0x3F99]  }
0x1a: {  	s8 =	sadd.s32 $0xFFFFE003, lr  }
0x1b: {  	s9 =	sadd.s32 $0xFFFFFEF7, lr;
	s5 =	simm.s32 $0xFFFFFFFF;
	p2 =	slt.u32 s8, $0xFFFFF086  }
0x1c: {  	p1 =	slt.u32 s9, $0xF7A;
	s5 =	simm.s32 @!p2 $0x0  }
0x1d: {  	s5 =	simm.s32 @p1 $0x1;
	p0 =	seq.s32 s7, s2  }
0x1e: {  	s7 =	smul.u32 @!p0 $0xF7A, s2;
	p2 =	seq.s32 @!p0 s5, $0x0  }
0x1f: {  	s9 =	smul.u32 $0xF7A, s1;
	s8 =	simm.s32 @!p0 $0x1BF5;
	p2 =	por !p2, p0  }
0x20: {  	[sflag:s8] =	ssyncset.s32 @!p0 $0xFFFFF086;
	s6 =	sadd.s32 @!p0 s3, s7;
	s7 =	simm.s32 @!p0 $0x108  }
0x21: {  	s3 =	sadd.s32 s3, s9;
	s6 =	sadd.s32 @!p0 $0x88, s6;
	s7 =	simm.s32 @p2 $0x1082  }
0x22: {  	[simem:s7], [sflag:s8] =	dma.local @!p0 [hbm:s6], $0xF7A  }
0x23: {  	s9 =	sor.u32 $0xD0000000, s2;
	s6 =	simm.s32 $0x108;
	_ =	swait.ge @!p0 [sflag:s8], $0x0  }
0x24: {  	s3 =	sadd.s32 $0x88, s3;
	s6 =	simm.s32 @!p1 $0x1082;
	[sflag:s4] =	ssyncset.s32 $0xFFFFF086  }
0x25: {  	[simem:s6], [sflag:s4] =	dma.local [hbm:s3], $0xF7A  }
0x26: {  	[smem:$0x3F99] =	sst s1;
	(tag) =	ssettag s2;
	_ =	strace s9  }
0x27: {  	s1 =	sld [smem:$0x3FA9]  }
0x28: {  	s2 =	sld [smem:$0x3FAA]  }
0x29: {  	s4 =	sld [smem:$0x3FAC]  }
0x2a: {  	p0 =	seq.s32 s5, $0x0;
	s5 =	sld [smem:$0x3FAD]  }
0x2b: {  	s6 =	sld [smem:$0x3FAE]  }
0x2c: {  	s7 =	sld [smem:$0x3FAF]  }
0x2d: {  	s3 =	simm.s32 $0x108;
	s8 =	sld [smem:$0x3FB0]  }
0x2e: {  	s3 =	simm.s32 @!p0 $0x1082;
	s9 =	sld [smem:$0x3FB1]  }
0x2f: {  	lr =	sadd.s32 s0, s3;
	s0 =	sld [smem:$0x3FA8]  }
0x30: {  	s3 =	sld [smem:$0x3FAB]  }
0x31: {  	[smem:$0x3FB4] =	sst s10  }
0x32: {  	s10 =	sld [smem:$0x3FB2];
	_ =	sdelay $0x3  }
0x33: {  	p0 =	seq.s32 s10, $0x1;
	s10 =	sld [smem:$0x3FB4];
	_ =	sdelay $0x3  }
0x34: {  	[smem:$0x3FB4] =	sst s10  }
0x35: {  	s10 =	sld [smem:$0x3FB3];
	_ =	sdelay $0x3  }
0x36: {  	p1 =	seq.s32 s10, $0x1;
	s10 =	sld [smem:$0x3FB4];
	_ =	sdelay $0x3  }
0x37: {  	[smem:$0x3FB4] =	sst s10  }
0x38: {  	s10 =	sld [smem:$0x3FB5]  }
0x39: {  	_ = 	snop;
	(pc) =	sbr.ind lr, $3  }
0x3a: {  	_ = 	snop  }
0x3b: {  	_ = 	snop  }
0x3c: {  	p2 =	seq.s32 s10, $0x1;
	s10 =	sld [smem:$0x3FB4]  }
0x3d: {  	_ =	shalt  }
0x3e: {  	_ =	shalt  }
0x3f: {  	_ =	shalt  }
0x40: {  	_ =	shalt  }
0x41: {  	_ =	shalt  }
0x42: {  	_ =	shalt  }
0x43: {  	_ =	shalt  }
0x44: {  	_ =	shalt  }
0x45: {  	_ =	shalt  }
0x46: {  	_ =	shalt  }
0x47: {  	_ =	shalt  }
0x48: {  	_ =	shalt  }
0x49: {  	_ =	shalt  }
0x4a: {  	_ =	shalt  }
0x4b: {  	_ =	shalt  }
0x4c: {  	_ =	shalt  }
0x4d: {  	_ =	shalt  }
0x4e: {  	_ =	shalt  }
0x4f: {  	_ =	shalt  }
0x50: {  	_ =	shalt  }
0x51: {  	_ =	shalt  }
0x52: {  	_ =	shalt  }
0x53: {  	_ =	shalt  }
0x54: {  	_ =	shalt  }
0x55: {  	_ =	shalt  }
0x56: {  	_ =	shalt  }
0x57: {  	_ =	shalt  }
0x58: {  	_ =	shalt  }
0x59: {  	_ =	shalt  }
0x5a: {  	_ =	shalt  }
0x5b: {  	_ =	shalt  }
0x5c: {  	_ =	shalt  }
0x5d: {  	_ =	shalt  }
0x5e: {  	_ =	shalt  }
0x5f: {  	_ =	shalt  }
0x60: {  	_ =	shalt  }
0x61: {  	_ =	shalt  }
0x62: {  	_ =	shalt  }
0x63: {  	_ =	shalt  }
0x64: {  	_ =	shalt  }
0x65: {  	_ =	shalt  }
0x66: {  	_ =	shalt  }
0x67: {  	_ =	shalt  }
0x68: {  	_ =	shalt  }
0x69: {  	_ =	shalt  }
0x6a: {  	_ =	shalt  }
0x6b: {  	_ =	shalt  }
0x6c: {  	_ =	shalt  }
0x6d: {  	_ =	shalt  }
0x6e: {  	_ =	shalt  }
0x6f: {  	_ =	shalt  }
0x70: {  	_ =	shalt  }
0x71: {  	_ =	shalt  }
0x72: {  	_ =	shalt  }
0x73: {  	_ =	shalt  }
0x74: {  	_ =	shalt  }
0x75: {  	_ =	shalt  }
0x76: {  	_ =	shalt  }
0x77: {  	_ =	shalt  }
0x78: {  	_ =	shalt  }
0x79: {  	_ =	shalt  }
0x7a: {  	_ =	shalt  }
0x7b: {  	_ =	shalt  }
0x7c: {  	_ =	shalt  }
0x7d: {  	_ =	shalt  }
0x7e: {  	_ =	shalt  }
0x7f: {  	_ =	shalt  }
0x80: {  	_ =	shalt  }
0x81: {  	_ =	shalt  }
0x82: {  	_ =	shalt  }
0x83: {  	_ =	shalt  }
0x84: {  	_ =	shalt  }
0x85: {  	_ =	shalt  }
0x86: {  	_ =	shalt  }
0x87: {  	_ =	shalt  }
.Lfunc_end0:
.L_simem_size_0:
called_computation.1_lowered:
.L_overlay_start_0:
0x88: {  	s2 =	sld [smem:$0x3FD9]  }
0x89: {  	s3 =	sld [smem:$0x3FFE];
	_ =	sdelay $0x1  }
0x8a: {  	s1 =	srdreg.scid  }
0x8b: {  	s0 =	sand.u32 $0x1, s1  }
0x8c: {  	s16 =	sshll.u32 s0, $0xA;
	s2 =	sadd.s32 s3, s2  }
0x8d: {  	s2 =	sadd.s32 s2, s16  }
0x8e: {  	[smem:$0x3FC0] =	sst s2  }
0x8f: {  	_ = 	snop  }
0x90: {  	(tm) =	ssettm $0x1  }
0x91: {  	s17 =	sld [smem:$0x3FFB];
	_ =	sdelay $0x3  }
0x92: {  	_ =	strace s17  }
0x93: {  	s2 =	sld [smem:$0x3FFC];
	_ =	sdelay $0x3  }
0x94: {  	_ =	strace s2  }
0x95: {  	s2 =	sld [smem:$0x3FFD];
	_ =	sdelay $0x3  }
0x96: {  	_ =	strace s2  }
0x97: {  	_ =	strace $0x8FFFFFFF  }
0x98: {  	s18 =	sld [smem:$0x3FDB];
	_ =	sdelay $0x1  }
0x99: {  	s19 =	simm.s32 $_scs_section_size  }
0x9a: {  	s4 =	simm.s32 $_size__tile_overlayer_lowered;
	s5 =	simm.s32 $_tile_overlayer_lowered  }
0x9b: {  	s22 =	simm.s32 $0x1BFF;
	s21 =	sshll.u32 s5, $0x1;
	s2 =	sadd.s32 s19, s18  }
0x9c: {  	s6 =	simm.s32 $0x0;
	s20 =	sshll.u32 s4, $0x1;
	s4 =	sadd.s32 s21, s2  }
0x9d: {  	[timem:s6], [sflag:s22] =	dma.local [hbm:s4], s20  }
0x9e: {  	_ =	swait.ge [sflag:s22], s20  }
0x9f: {  	s3 =	ssub.s32 $0x0, s20;
	[sflag:s22] =	ssyncset.done $0x0  }
0xa0: {  	[sflag:s22] =	ssyncadd.s32 s3;
	_ =	sdelay $0x1  }
0xa1: {  	s23 =	simm.s32 $0x1B8B  }
0xa2: {  	_ =	swait.ge [sflag:s23], $0x1  }
0xa3: {  	[sflag:s23] =	ssyncset.done $0x0  }
0xa4: {  	s25 =	simm.s32 $0x1B8E;
	s24 =	sld [smem:$0x3FFE];
	[sflag:s23] =	ssyncadd.s32 $0xFFFFFFFF  }
0xa5: {  	s26 =	simm.s32 $execute0_lowered;
	[smem:$0x3FD2] =	sst s25  }
0xa6: {  	s4 =	sshll.u32 s26, $0x1;
	_ =	strace $0x80000049;
	[dreg:$0x1] =	wrdreg $0xFFFFFFFF  }
0xa7: {  	s28 =	simm.s32 $_size_execute0_lowered;
	s2 =	sadd.s32 s2, s4;
	[dreg:$0x0] =	wrdreg $0x0  }
0xa8: {  	s4 =	sshll.u32 s28, $0x1;
	[dreg:$0x2] =	wrdreg s2  }
0xa9: {  	[dreg:$0x3] =	wrdreg s4  }
0xaa: {  	[dreg:$0x4] =	wrdreg $0xC0  }
0xab: {  	_ =	task [dreg:s6], $0x5FFFF  }
0xac: {  	[dreg:$0x1] =	wrdreg $0xFFFFFFFF  }
0xad: {  	[dreg:$0x0] =	wrdreg $0x60  }
0xae: {  	[dreg:$0x2] =	wrdreg s24  }
0xaf: {  	[dreg:$0x3] =	wrdreg $0x17C000  }
0xb0: {  	[dreg:$0x4] =	wrdreg $0x12D000  }
0xb1: {  	[dreg:$0x5] =	wrdreg $0x9  }
0xb2: {  	_ =	task.clear_ibuf [dreg:s6], $0x6FFFF;
	_ =	strace $0x90000049  }
0xb3: {  	s29 =	simm.s32 $0x9;
	_ =	strace $0x8000004B  }
0xb4: {  	_ =	swait.ge [sflag:s29], $0x1  }
0xb5: {  	[sflag:s29] =	ssyncadd.s32 $0xFFFFFFFF  }
0xb6: {  	_ =	strace $0x9000004B  }
0xb7: {  	_ =	sfence  }
0xb8: {  	s30 =	sld [smem:$0x0];
	_ =	sdelay $0x2  }
0xb9: {  	s31 =	sshll.u32 s1, $0xD;
	s1 =	sshrl.u32 s1, $0x2  }
0xba: {  	s3 =	sand.u32 $0x4000, s31;
	s1 =	sadd.s32 s1, s30  }
0xbb: {  	s0 =	sor.u32 s3, s0;
	s1 =	sshll.u32 s1, $0x11  }
0xbc: {  	s0 =	sor.u32 s1, s0  }
0xbd: {  	s0 =	sadd.s32 $0x8F2B, s0  }
0xbe: {  	[sflag:s0] =	ssyncadd.remote.s32 $0x1  }
0xbf: {  	_ =	sfence.sel $0xFFFF  }
0xc0: {  	[dreg:$0x0] =	wrdreg $0xFFFFFFFF;
	(pc) =	sbr.abs _section_cstart, $3  }
0xc1: {  	[dreg:$0x1] =	wrdreg $0xFFFFFFFF  }
0xc2: {  	_ =	task.clear_ibuf [dreg:s6], $0x2FFFF;
	_ =	strace $0x9FFFFFFF  }
0xc3: {  	(tm) =	ssettm $0x7FFFFFFF  }
tec
execute0_lowered:
.L_overlay_start_1:
0x0: {  	(tag) =	ssettag $0x1  }
0x1: {  	s0 =	srdreg.scid  }
0x2: {  	s23 =	stileid.u32;
	s1 =	rddreg [dreg:$0x0]  }
0x3: {  	s2 =	rddreg [dreg:$0x1];
	s4 =	simm.s32 $0x0;
	s20 =	simm.s32 $0x8F00  }
0x4: {  	s21 =	simm.s32 $0x4;
	s30 =	simm.s32 $0x1;
	s28 =	simm.s32 $0x2  }
0x5: {  	s29 =	simm.s32 $0x0;
	s0 =	sand.u32 $0x1, s0;
	s7 =	smul.u32 $0x4F00, s23  }
0x6: {  	s3 =	sshll.u32 s23, $0x1;
	[smem:$0x7FF] =	sst s4;
	s9 =	smul.u32 $0x2780, s23  }
0x7: {  	s31 =	sadd.s32 $0xC310, s1;
	s5 =	sor.u32 s0, s3;
	s3 =	rddreg [dreg:$0x2]  }
0x8: {  	s8 =	smul.u32 $0x4F000, s0;
	_ =	strace $0x8000004A;
	s24 =	ssub.s32 $0x2, s0  }
0x9: {  	[dreg:$0x6] =	wrdreg s31;
	p1 =	sne.s32 s0, $0x0;
	s6 =	smul.u32 $0x2780, s5  }
0xa: {  	s10 =	sshrl.u32 s7, $0x3;
	s9 =	sshrl.u32 s9, $0x3;
	s25 =	sshrl.u32 s24, $0x1  }
0xb: {  	p0 =	seq.s32 s5, $0x1F;
	s5 =	simm.s32 $0x33;
	s13 =	sadd.s32 s7, s2  }
0xc: {  	s14 =	sadd.s32 s7, s3;
	s8 =	sadd.s32 s7, s8;
	s15 =	sadd.s32 s10, s1  }
0xd: {  	s16 =	sadd.s32 s9, s1;
	s18 =	ssub.s32 s24, s25;
	s5 =	simm.s32 @!p0 $0x4F  }
0xe: {  	s24 =	simm.s32 $0x80;
	s25 =	simm.s32 $0x4F00;
	s6 =	sshrl.u32 s6, $0x3  }
0xf: {  	s8 =	sshrl.u32 s8, $0x3;
	s10 =	sadd.s32 $0x20200, s15;
	s11 =	sadd.s32 $0x16400, s16  }
0x10: {  	s12 =	sadd.s32 $0x1B300, s16;
	s15 =	sadd.s32 $0x2A000, s15;
	s16 =	sadd.s32 $0x47A00, s16  }
0x11: {  	s6 =	sadd.s32 s6, s1;
	s17 =	sadd.s32 s8, s1;
	s1 =	sadd.s32 $0x15F50, s1  }
0x12: {  	s18 =	smax.u32 s18, $0x1;
	s26 =	sadd.s32 $0x2A00, s6;
	[dreg:$0x7] =	wrdreg s1  }
0x13: {  	s19 =	sshll.u32 s5, $0xE;
	s6 =	sadd.s32 $0xC640, s6;
	[dreg:$0x4] =	wrdreg s26  }
0x14: {  	s17 =	sadd.s32 $0x33E00, s17;
	[dreg:$0x5] =	wrdreg s6;
	s26 =	simm.s32 $0x5F00  }
.LBB2_1:
0x15: {  	s0 =	simm.s32 @p0 $0x0;
	s1 =	rddreg [dreg:$0x6]  }
0x16: {  	[tilespmem:s0], [sflag:$0x3] =	stream.linear.gather @p0 [hbm4b:s1+s0], $0x1980, $0x38;
	[tilespmem:$0x1CB00] =	vst v63  }
0x17: {  	s6 =	rddreg [dreg:$0x7];
	s1 =	simm.s32 @p0 $0x2780  }
0x18: {  	[tilespmem:s1], [sflag:$0x3] =	stream.linear.gather @p0 [hbm4b:s6+s0], $0x1980, $0x38;
	[tilespmem:$0x1CB00] =	vst v63  }
0x19: {  	s0 =	simm.s32 @!p0 $0x0;
	s1 =	rddreg [dreg:$0x4]  }
0x1a: {  	[tilespmem:s0], [sflag:$0x3] =	stream.linear.gather @!p0 [hbm4b:s1+s0], $0x2780, $0x38;
	[tilespmem:$0x1CB00] =	vst v63  }
0x1b: {  	s6 =	rddreg [dreg:$0x5];
	s1 =	simm.s32 @!p0 $0x2780  }
0x1c: {  	[tilespmem:s1], [sflag:$0x3] =	stream.linear.gather @!p0 [hbm4b:s6+s0], $0x2780, $0x38;
	[tilespmem:$0x1CB00] =	vst v63  }
0x1d: {  	_ = 	snop  }
0x1e: {  	[tilespmem:s20], [sflag:$0x4] =	stream.linear.gather [hbm4b:s10+s4], $0x4F00, $0x38;
	[tilespmem:$0x1CB00] =	vst v63  }
0x1f: {  	_ =	swait.ge [sflag:s21], $0x4F00  }
0x20: {  	[sflag:s21] =	ssyncset.done $0x0  }
0x21: {  	s8 =	simm.s32 $0xDE00;
	[sflag:s21] =	ssyncadd.s32 $0xFFFFB100  }
0x22: {  	[tilespmem:s8], [sflag:$0x4] =	stream.linear.gather [hbm4b:s11+s4], $0x2780, $0x38;
	[tilespmem:$0x1CB00] =	vst v63  }
0x23: {  	_ =	swait.ge [sflag:s21], $0x2780  }
0x24: {  	[sflag:s21] =	ssyncset.done $0x0  }
0x25: {  	s9 =	simm.s32 $0x10580;
	[sflag:s21] =	ssyncadd.s32 $0xFFFFD880  }
0x26: {  	[tilespmem:s9], [sflag:$0x4] =	stream.linear.gather [hbm4b:s12+s4], $0x2780, $0x38;
	[tilespmem:$0x1CB00] =	vst v63  }
0x27: {  	_ =	swait.ge [sflag:s21], $0x2780  }
0x28: {  	[sflag:s21] =	ssyncset.done $0x0  }
0x29: {  	s22 =	simm.s32 $0x0;
	[sflag:s21] =	ssyncadd.s32 $0xFFFFD880  }
0x2a: {  	v0 =	vld [tilespmem:s22+$0x10580]  }
0x2b: {  	v1 =	vld [tilespmem:s22+$0xDE00];
	_ =	sdelay $0x4  }
0x2c: {  	v0 =	vadd.f32 v0, v1;
	_ =	sdelay $0x1  }
0x2d: {  	v0 =	vadd.f32 $1.000000000e+00, v0;
	_ =	sdelay $0x1  }
0x2e: {  	v1 =	vshrl.u32 v0, $0x1;
	v0 =	vmul.f32 $5.000000000e-01, v0  }
0x2f: {  	v1 =	vsub.s32 $0x5F3759DF, v1  }
0x30: {  	v2 =	vmul.f32 v1, v0;
	_ =	sdelay $0x1  }
0x31: {  	v2 =	vmul.f32 v1, v2;
	_ =	sdelay $0x1  }
0x32: {  	v2 =	vsub.f32 $1.500000000e+00, v2;
	_ =	sdelay $0x1  }
0x33: {  	v1 =	vmul.f32 v1, v2;
	_ =	sdelay $0x1  }
0x34: {  	v2 =	vmul.f32 v1, v0;
	_ =	sdelay $0x1  }
0x35: {  	v2 =	vmul.f32 v2, v1;
	_ =	sdelay $0x1  }
0x36: {  	v2 =	vsub.f32 $1.500000000e+00, v2;
	_ =	sdelay $0x1  }
0x37: {  	v1 =	vmul.f32 v2, v1;
	_ =	sdelay $0x1  }
0x38: {  	v0 =	vmul.f32 v1, v0;
	_ =	sdelay $0x1  }
0x39: {  	v0 =	vmul.f32 v0, v1;
	_ =	sdelay $0x1  }
0x3a: {  	v0 =	vsub.f32 $1.500000000e+00, v0;
	_ =	sdelay $0x1  }
0x3b: {  	v0 =	vmul.f32 v0, v1;
	_ =	sdelay $0x1  }
0x3c: {  	s31 =	simm.s32 $0x8F10;
	[tilespmem:s22+$0xDE00] =	vst v0  }
0x3d: {  	v1 =	vld [tilespmem:s31+$0x0]  }
0x3e: {  	v2 =	vld [tilespmem:s31+$0xFFFFFFF0];
	_ =	sdelay $0x3  }
0x3f: {  	v1 =	vmul.f32 v0, v1  }
0x40: {  	v0 =	vmul.f32 v0, v2  }
0x41: {  	[tilespmem:s31+$0x0] =	vst v1  }
0x42: {  	s1 =	simm.s32 $0x10;
	[tilespmem:s31+$0xFFFFFFF0] =	vst v0  }
0x43: {  	s22 =	simm.s32 $0x80;
	v0 =	vld [tilespmem:s1+$0x10580]  }
.LBB2_2:
0x44: {  	p2 =	sne.s32 s22, $0x9DC0;
	v1 =	vld [tilespmem:s1+$0xDE00];
	_ =	sdelay $0x4  }
0x45: {  	v0 =	vadd.f32 v0, v1;
	_ =	sdelay $0x1  }
0x46: {  	v0 =	vadd.f32 $1.000000000e+00, v0;
	_ =	sdelay $0x1  }
0x47: {  	v1 =	vshrl.u32 v0, $0x1;
	v0 =	vmul.f32 $5.000000000e-01, v0  }
0x48: {  	v1 =	vsub.s32 $0x5F3759DF, v1  }
0x49: {  	v2 =	vmul.f32 v1, v0;
	_ =	sdelay $0x1  }
0x4a: {  	v2 =	vmul.f32 v1, v2;
	_ =	sdelay $0x1  }
0x4b: {  	v2 =	vsub.f32 $1.500000000e+00, v2;
	_ =	sdelay $0x1  }
0x4c: {  	v1 =	vmul.f32 v1, v2;
	_ =	sdelay $0x1  }
0x4d: {  	v2 =	vmul.f32 v1, v0;
	_ =	sdelay $0x1  }
0x4e: {  	v2 =	vmul.f32 v2, v1;
	_ =	sdelay $0x1  }
0x4f: {  	v2 =	vsub.f32 $1.500000000e+00, v2;
	_ =	sdelay $0x1  }
0x50: {  	v1 =	vmul.f32 v2, v1;
	_ =	sdelay $0x1  }
0x51: {  	v0 =	vmul.f32 v1, v0;
	_ =	sdelay $0x1  }
0x52: {  	v0 =	vmul.f32 v0, v1;
	_ =	sdelay $0x1  }
0x53: {  	v0 =	vsub.f32 $1.500000000e+00, v0;
	_ =	sdelay $0x1  }
0x54: {  	v0 =	vmul.f32 v0, v1;
	_ =	sdelay $0x1  }
0x55: {  	s31 =	sadd.s32 $0x20, s31;
	[tilespmem:s1+$0xDE00] =	vst v0  }
0x56: {  	v1 =	vld [tilespmem:s31+$0x0]  }
0x57: {  	v2 =	vld [tilespmem:s31+$0xFFFFFFF0];
	_ =	sdelay $0x3  }
.Ltmp0:
0x58: {  	v1 =	vmul.f32 v0, v1;
	(pc) =	sbr.rel @p2 .LBB2_2-.Ltmp0, $4  }
0x59: {  	v0 =	vmul.f32 v0, v2  }
0x5a: {  	[tilespmem:s31+$0x0] =	vst v1  }
0x5b: {  	s1 =	sshra.s32 s22, $0x2;
	[tilespmem:s31+$0xFFFFFFF0] =	vst v0  }
0x5c: {  	s22 =	sadd.s32 $0x40, s22;
	v0 =	vld [tilespmem:s1+$0x10580]  }
0x5d: {  	v1 =	vld [tilespmem:s1+$0xDE00];
	_ =	sdelay $0x4  }
0x5e: {  	v0 =	vadd.f32 v0, v1;
	_ =	sdelay $0x1  }
0x5f: {  	v0 =	vadd.f32 $1.000000000e+00, v0;
	_ =	sdelay $0x1  }
0x60: {  	v61 =	vshrl.u32 v0, $0x1;
	v0 =	vmul.f32 $5.000000000e-01, v0  }
0x61: {  	v1 =	vsub.s32 $0x5F3759DF, v61  }
0x62: {  	v2 =	vmul.f32 v1, v0;
	_ =	sdelay $0x1  }
0x63: {  	v2 =	vmul.f32 v1, v2;
	_ =	sdelay $0x1  }
0x64: {  	v2 =	vsub.f32 $1.500000000e+00, v2;
	_ =	sdelay $0x1  }
0x65: {  	v1 =	vmul.f32 v1, v2;
	_ =	sdelay $0x1  }
0x66: {  	v2 =	vmul.f32 v1, v0;
	_ =	sdelay $0x1  }
0x67: {  	v2 =	vmul.f32 v2, v1;
	_ =	sdelay $0x1  }
0x68: {  	v2 =	vsub.f32 $1.500000000e+00, v2;
	_ =	sdelay $0x1  }
0x69: {  	v1 =	vmul.f32 v2, v1;
	_ =	sdelay $0x1  }
0x6a: {  	v0 =	vmul.f32 v1, v0;
	_ =	sdelay $0x1  }
0x6b: {  	v0 =	vmul.f32 v0, v1;
	_ =	sdelay $0x1  }
0x6c: {  	v0 =	vsub.f32 $1.500000000e+00, v0;
	_ =	sdelay $0x1  }
0x6d: {  	v0 =	vmul.f32 v0, v1;
	_ =	sdelay $0x1  }
0x6e: {  	s0 =	sadd.s32 $0x20, s31;
	[tilespmem:s1+$0xDE00] =	vst v0  }
0x6f: {  	v62 =	vld [tilespmem:s0+$0x0]  }
0x70: {  	v63 =	vld [tilespmem:s0+$0xFFFFFFF0];
	_ =	sdelay $0x3  }
0x71: {  	v1 =	vmul.f32 v0, v62  }
0x72: {  	v0 =	vmul.f32 v0, v63  }
0x73: {  	[tilespmem:s0+$0x0] =	vst v1  }
0x74: {  	[tilespmem:s0+$0xFFFFFFF0] =	vst v0  }
0x75: {  	[spmem:s13] =	stream.linear.scatter [tilespmem:s20], [sflag:$0x4], $0x4F00, $0x38;
	[tilespmem:$0x1CB00] =	vst v63  }
0x76: {  	_ =	swait.ge [sflag:s21], $0x4F00  }
0x77: {  	s0 =	sshll.u32 @p1 s23, $0x6;
	[sflag:s21] =	ssyncset.done $0x0  }
0x78: {  	s1 =	sshrl.u32 @p1 s14, $0x3;
	s0 =	sor.u32 @p1 $0x1C04, s0;
	[sflag:s21] =	ssyncadd.s32 $0xFFFFB100  }
0x79: {  	[spmem:s1], [sflag:s0] =	dma.local @p1 [hbm:s15], $0x9E0  }
0x7a: {  	s0 =	simm.s32 @p1 $0x4  }
0x7b: {  	_ =	swait.ge @p1 [sflag:s0], $0x9E0  }
0x7c: {  	[sflag:s0] =	ssyncset.done @p1 $0x0  }
0x7d: {  	[sflag:s0] =	ssyncadd.s32 @p1 $0xFFFFF620;
	s0 =	simm.s32 @!p1 $0x8F00  }
0x7e: {  	[spmem:s14] =	stream.linear.scatter @!p1 [tilespmem:s0], [sflag:$0x4], $0x4F00, $0x38;
	[tilespmem:$0x1CB00] =	vst v63  }
0x7f: {  	s0 =	simm.s32 @!p1 $0x4  }
0x80: {  	_ =	swait.ge @!p1 [sflag:s0], $0x4F00  }
0x81: {  	[sflag:s0] =	ssyncset.done @!p1 $0x0  }
0x82: {  	s6 =	simm.s32 @!p1 $0xDE00;
	s1 =	simm.s32 @!p1 $0x0;
	[sflag:s0] =	ssyncadd.s32 @!p1 $0xFFFFB100  }
0x83: {  	[hbm4b:s16+s1] =	stream.linear.scatter @!p1 [tilespmem:s6], [sflag:$0x4], $0x2780, $0x38;
	[tilespmem:$0x1CB00] =	vst v63  }
0x84: {  	_ =	swait.ge @!p1 [sflag:s0], $0x2780  }
0x85: {  	[sflag:s0] =	ssyncset.done @!p1 $0x0  }
0x86: {  	[sflag:s0] =	ssyncadd.s32 @!p1 $0xFFFFD880;
	s0 =	simm.s32 @p0 $0x3  }
0x87: {  	_ =	swait.ge @p0 [sflag:s0], $0x1980  }
0x88: {  	[sflag:s0] =	ssyncset.done @p0 $0x0  }
0x89: {  	[sflag:s0] =	ssyncadd.s32 @p0 $0xFFFFE680  }
0x8a: {  	_ =	swait.ge @p0 [sflag:s0], $0x1980  }
0x8b: {  	[sflag:s0] =	ssyncset.done @p0 $0x0  }
0x8c: {  	[sflag:s0] =	ssyncadd.s32 @p0 $0xFFFFE680;
	s0 =	simm.s32 @!p0 $0x3  }
0x8d: {  	_ =	swait.ge @!p0 [sflag:s0], $0x2780  }
0x8e: {  	[sflag:s0] =	ssyncset.done @!p0 $0x0  }
0x8f: {  	[sflag:s0] =	ssyncadd.s32 @!p0 $0xFFFFD880  }
0x90: {  	_ =	swait.ge @!p0 [sflag:s0], $0x2780  }
0x91: {  	[sflag:s0] =	ssyncset.done @!p0 $0x0  }
0x92: {  	[sflag:s0] =	ssyncadd.s32 @!p0 $0xFFFFD880  }
0x93: {  	[bflag:$0x0] =	sbarrier.arrive $0xFFFF  }
0x94: {  	[tilespmem:s25], [sflag:$0x1] =	stream.indirect.gather [spmem:s2], $0x20, s4, s24, $0xb8;
	[tilespmem:$0x1CB00] =	vst v63  }
0x95: {  	_ = 	snop  }
0x96: {  	[tilespmem:s26], [sflag:$0x1] =	stream.indirect.gather [spmem:s2], $0x20, s24, s24, $0xb8;
	[tilespmem:$0x1CB00] =	vst v63  }
0x97: {  	s7 =	simm.s32 $0x100;
	s8 =	simm.s32 $0x6F00  }
0x98: {  	[tilespmem:s8], [sflag:$0x1] =	stream.indirect.gather [spmem:s2], $0x20, s7, s24, $0xb8;
	[tilespmem:$0x1CB00] =	vst v63  }
0x99: {  	_ =	swait.ge [sflag:s30], $0x1000  }
0x9a: {  	[sflag:s30] =	ssyncset.done $0x0  }
0x9b: {  	s9 =	simm.s32 $0x2780;
	[sflag:s30] =	ssyncadd.s32 $0xFFFFF000  }
0x9c: {  	[spmem:s3] =	stream.indirect.scatter.add.f32 [tilespmem:s25], [sflag:$0x2], $0x20, s9, s24, $0xb8;
	[tilespmem:$0x1CB00] =	vst v63  }
0x9d: {  	s22 =	simm.s32 $0x180;
	p4 =	sne.s32 s19, $0xC000;
	s23 =	simm.s32 $0x7F00  }
0x9e: {  	[tilespmem:s23], [sflag:$0x1] =	stream.indirect.gather [spmem:s2], $0x20, s22, s24, $0xb8;
	[tilespmem:$0x1CB00] =	vst v63  }
.Ltmp1:
0x9f: {  	s31 =	simm.s32 $0x2800;
	(pc) =	sbr.rel @!p4 .LBB2_4-.Ltmp1, $4  }
0xa0: {  	p2 =	sle.u32 s5, $0x4;
	p3 =	por $0x0, $0x0;
	_ =	swait.ge [sflag:s30], $0x1000  }
0xa1: {  	s6 =	simm.s32 $0x8000;
	s1 =	simm.s32 $0x200;
	[sflag:s30] =	ssyncset.done $0x0  }
0xa2: {  	s0 =	simm.s32 $0x2880;
	s22 =	simm.s32 $0xC000;
	[sflag:s30] =	ssyncadd.s32 $0xFFFFF000  }
0xa3: {  	[spmem:s3] =	stream.indirect.scatter.add.f32 [tilespmem:s26], [sflag:$0x2], $0x20, s31, s24, $0xb8;
	[tilespmem:$0x1CB00] =	vst v63  }
0xa4: {  	p3 =	por p2, p2;
	_ =	swait.ge [sflag:s28], $0x1000  }
0xa5: {  	p2 =	sle.u32 s5, $0x5;
	p4 =	sne.s32 s19, $0x10000;
	s7 =	simm.s32 @!p3 $0x10000  }
0xa6: {  	s6 =	sand.u32 $0xC000, s6;
	s31 =	simm.s32 $0x2900;
	s7 =	sand.u32 @!p3 $0xC000, s7  }
0xa7: {  	[sflag:s28] =	ssyncset.done $0x0;
	s23 =	simm.s32 @!p3 $0x80;
	s7 =	sshrl.u32 @!p3 s7, $0x2  }
.Ltmp2:
0xa8: {  	[sflag:s28] =	ssyncadd.s32 $0xFFFFF000;
	s7 =	sor.u32 @!p3 $0x4F00, s7;
	(pc) =	sbr.rel @!p4 .LBB2_6-.Ltmp2, $4  }
0xa9: {  	[tilespmem:s7], [sflag:$0x1] =	stream.indirect.gather @!p3 [spmem:s2], $0x20, s1, s23, $0xb8;
	[tilespmem:$0x1CB00] =	vst v63  }
0xaa: {  	s9 =	sshrl.u32 s6, $0x2;
	s6 =	simm.s32 $0x6;
	_ =	swait.ge [sflag:s30], $0x1000  }
0xab: {  	s23 =	simm.s32 $0x10000;
	s1 =	simm.s32 $0x280;
	[sflag:s30] =	ssyncset.done $0x0  }
0xac: {  	s7 =	sor.u32 $0x4F00, s9;
	p3 =	por $0x1, $0x1;
	[sflag:s30] =	ssyncadd.s32 $0xFFFFF000  }
.LBB2_7:
0xad: {  	[spmem:s3] =	stream.indirect.scatter.add.f32 [tilespmem:s7], [sflag:$0x2], $0x20, s0, s24, $0xb8;
	[tilespmem:$0x1CB00] =	vst v63  }
0xae: {  	s7 =	smov.u32 s22  }
0xaf: {  	s22 =	smov.u32 s23;
	s0 =	smov.u32 s31;
	p5 =	por p2, p2  }
0xb0: {  	p2 =	sge.u32 s6, s5;
	_ =	swait.ge [sflag:s28], $0x1000;
	s8 =	sadd.s32 @!p5 $0x8000, s7  }
0xb1: {  	s23 =	sadd.s32 $0x4000, s23;
	[sflag:s28] =	ssyncset.done $0x0;
	s8 =	sand.u32 @!p5 $0xC000, s8  }
0xb2: {  	p4 =	sne.s32 s19, s23;
	[sflag:s28] =	ssyncadd.s32 $0xFFFFF000;
	s8 =	sshrl.u32 @!p5 s8, $0x2  }
.Ltmp3:
0xb3: {  	s9 =	simm.s32 @!p5 $0x80;
	s8 =	sor.u32 @!p5 $0x4F00, s8;
	(pc) =	sbr.rel @p4 .LBB2_7-.Ltmp3, $4  }
0xb4: {  	[tilespmem:s8], [sflag:$0x1] =	stream.indirect.gather @!p5 [spmem:s2], $0x20, s1, s9, $0xb8;
	[tilespmem:$0x1CB00] =	vst v63  }
0xb5: {  	s7 =	sand.u32 $0xC000, s7;
	s1 =	sadd.s32 $0x80, s1;
	_ =	swait.ge [sflag:s30], $0x1000  }
0xb6: {  	s31 =	sadd.s32 $0x80, s31;
	s7 =	sshrl.u32 s7, $0x2;
	[sflag:s30] =	ssyncset.done $0x0  }
0xb7: {  	s6 =	sadd.s32 $0x1, s6;
	s7 =	sor.u32 $0x4F00, s7;
	[sflag:s30] =	ssyncadd.s32 $0xFFFFF000  }
0xb8: {  	s23 =	smov.u32 s0;
	s6 =	smov.u32 s22;
	s0 =	smov.u32 s31  }
.LBB2_9:
0xb9: {  	[spmem:s3] =	stream.indirect.scatter.add.f32 @p3 [tilespmem:s7], [sflag:$0x2], $0x20, s23, s24, $0xb8;
	[tilespmem:$0x1CB00] =	vst v63  }
0xba: {  	p2 =	por p2, p2  }
0xbb: {  	s7 =	sadd.s32 @!p2 $0x8000, s6  }
0xbc: {  	_ =	swait.ge [sflag:s28], $0x1000;
	s7 =	sand.u32 @!p2 $0xC000, s7  }
0xbd: {  	[sflag:s28] =	ssyncset.done $0x0;
	s7 =	sshrl.u32 @!p2 s7, $0x2  }
0xbe: {  	s8 =	simm.s32 @!p2 $0x80;
	[sflag:s28] =	ssyncadd.s32 $0xFFFFF000;
	s7 =	sor.u32 @!p2 $0x4F00, s7  }
0xbf: {  	[tilespmem:s7], [sflag:$0x1] =	stream.indirect.gather @!p2 [spmem:s2], $0x20, s1, s8, $0xb8;
	[tilespmem:$0x1CB00] =	vst v63  }
0xc0: {  	s9 =	sand.u32 $0xC000, s6;
	_ =	swait.ge [sflag:s30], $0x1000  }
0xc1: {  	s1 =	sshrl.u32 s9, $0x2;
	[sflag:s30] =	ssyncset.done $0x0  }
0xc2: {  	s1 =	sor.u32 $0x4F00, s1;
	[sflag:s30] =	ssyncadd.s32 $0xFFFFF000  }
0xc3: {  	[spmem:s3] =	stream.indirect.scatter.add.f32 [tilespmem:s1], [sflag:$0x2], $0x20, s0, s24, $0xb8;
	[tilespmem:$0x1CB00] =	vst v63  }
0xc4: {  	_ =	swait.ge [sflag:s28], $0x1000  }
0xc5: {  	[sflag:s28] =	ssyncset.done $0x0  }
0xc6: {  	[sflag:s28] =	ssyncadd.s32 $0xFFFFF000  }
0xc7: {  	_ =	swait.ge [sflag:s28], $0x1000  }
0xc8: {  	s23 =	stileid.u32;
	s31 =	sshrl.u32 s14, $0x3;
	[sflag:s28] =	ssyncset.done $0x0  }
0xc9: {  	s29 =	sadd.s32 $0x1, s29;
	s22 =	sshll.u32 s23, $0x6;
	[sflag:s28] =	ssyncadd.s32 $0xFFFFF000  }
0xca: {  	p2 =	sne.s32 s29, s18;
	s0 =	sor.u32 $0x1C04, s22;
	[bflag:$0x0] =	sbarrier.arrive $0xFFFF  }
0xcb: {  	[hbm:s17], [sflag:s0] =	dma.local [spmem:s31], $0x9E0  }
.Ltmp4:
0xcc: {  	_ = 	snop;
	(pc) =	sbr.rel @p2 .LBB2_1-.Ltmp4, $4  }
.Ltmp5:
0xcd: {  	_ = 	snop;
	(pc) =	sbr.rel @!p2 .LBB2_10-.Ltmp5, $4  }
0xce: {  	_ =	swait.ge [sflag:s21], $0x9E0  }
0xcf: {  	[sflag:s21] =	ssyncset.done $0x0  }
0xd0: {  	[sflag:s21] =	ssyncadd.s32 $0xFFFFF620  }
0xd1: {  	_ = 	snop  }
.LBB2_4:
.Ltmp6:
0xd2: {  	(pc) =	sbr.rel .LBB2_9-.Ltmp6, $2  }
0xd3: {  	_ =	sdelay $0x2  }
0xd4: {  	_ = 	snop  }
.LBB2_6:
.Ltmp7:
0xd5: {  	(pc) =	sbr.rel .LBB2_9-.Ltmp7, $2  }
0xd6: {  	_ =	sdelay $0x2  }
0xd7: {  	s23 =	simm.s32 $0x2880;
	s6 =	simm.s32 $0xC000;
	s0 =	simm.s32 $0x2900  }
.LBB2_10:
0xd8: {  	_ =	sfence.sel $0x180000  }
0xd9: {  	[bflag:$0x0] =	sbarrier.arrive $0xFFFF  }
0xda: {  	_ =	strace $0x9000004A  }
0xdb: {  	[bflag:$0x2] =	sbarrier.arrive $0xFFFF  }
0xdc: {  	p0 =	sne.s32 s23, $0x0;
	s0 =	rddreg [dreg:$0x3]  }
0xdd: {  	s0 =	sadd.s32 @!p0 $0x100000, s0  }
0xde: {  	[sflag:s0] =	ssyncadd.tile.s32 @!p0 $0x1;
	_ =	shalt  }
.Lfunc_end2:
_tile_overlayer_lowered:
.L_overlay_start_2:
0xdf: {  	(tag) =	ssettag $0x2  }
0xe0: {  	s0 =	rddreg [dreg:$0x0];
	s2 =	stileid.u32  }
0xe1: {  	s1 =	rddreg [dreg:$0x1];
	p0 =	sne.s32 s2, $0x0  }
0xe2: {  	s3 =	rddreg [dreg:$0x2];
	[bflag:$0x3] =	sbarrier.arrive $0xFFFF;
	s2 =	simm.s32 @!p0 $0x1C04  }
0xe3: {  	[timem:s3], [sflag:s2] =	dma.local @!p0 [hbm:s0], s1  }
0xe4: {  	s0 =	simm.s32 @!p0 $0x4  }
0xe5: {  	_ =	swait.ge @!p0 [sflag:s0], s1  }
0xe6: {  	s1 =	ssub.s32 @!p0 $0x0, s1;
	[sflag:s0] =	ssyncset.done @!p0 $0x0  }
0xe7: {  	[sflag:s0] =	ssyncadd.s32 @!p0 s1  }
0xe8: {  	[bflag:$0x3] =	sbarrier.arrive $0xFFFF  }
0xe9: {  	_ =	shalt  }

// kernel: kernel.14.cloned.1.call-start
scs
__scs_entry_jumppad:
0x0: {  	(pc) =	sbr.rel $0x88, $3  }
0x1: {  	(tag) =	ssettag $0x0;
	lr =	simm.s32 $0x1  }
0x2: {  	[smem:$0x3F99] =	sst lr;
	_ =	strace $0xD0000000  }
0x3: {  	_ = 	snop  }
0x4: {  	_ = 	snop  }
0x5: {  	_ = 	snop  }
0x6: {  	_ = 	snop  }
0x7: {  	_ = 	snop  }
__scs_overlays_trampoline_lowered:
0x8: {  	[smem:$0x3FA8] =	sst s0  }
0x9: {  	[smem:$0x3FA9] =	sst s1  }
0xa: {  	[smem:$0x3FAA] =	sst s2  }
0xb: {  	[smem:$0x3FAB] =	sst s3  }
0xc: {  	[smem:$0x3FAC] =	sst s4  }
0xd: {  	[smem:$0x3FAD] =	sst s5  }
0xe: {  	[smem:$0x3FAE] =	sst s6  }
0xf: {  	[smem:$0x3FAF] =	sst s7  }
0x10: {  	[smem:$0x3FB0] =	sst s8  }
0x11: {  	[smem:$0x3FB1] =	sst s9;
	s0 =	simm.s32 @!p0 $0x0  }
0x12: {  	s1 =	sld [smem:$0x3F97];
	s0 =	simm.s32 @p0 $0x1  }
0x13: {  	[smem:$0x3FB2] =	sst s0;
	s0 =	simm.s32 @!p1 $0x0  }
0x14: {  	s2 =	sld [smem:$0x3F96];
	s0 =	simm.s32 @p1 $0x1  }
0x15: {  	[smem:$0x3FB3] =	sst s0;
	s0 =	simm.s32 @!p2 $0x0  }
0x16: {  	s3 =	sld [smem:$0x3FDB];
	s0 =	simm.s32 @p2 $0x1  }
0x17: {  	s4 =	simm.s32 $0x1BF5;
	[smem:$0x3FB5] =	sst s0  }
0x18: {  	s0 =	sld [smem:$0x3F98];
	_ =	swait.ge [sflag:s4], $0x0  }
0x19: {  	s7 =	sld [smem:$0x3F99]  }
0x1a: {  	s8 =	sadd.s32 $0xFFFFE003, lr  }
0x1b: {  	s9 =	sadd.s32 $0xFFFFFEF7, lr;
	s5 =	simm.s32 $0xFFFFFFFF;
	p2 =	slt.u32 s8, $0xFFFFF086  }
0x1c: {  	p1 =	slt.u32 s9, $0xF7A;
	s5 =	simm.s32 @!p2 $0x0  }
0x1d: {  	s5 =	simm.s32 @p1 $0x1;
	p0 =	seq.s32 s7, s2  }
0x1e: {  	s7 =	smul.u32 @!p0 $0xF7A, s2;
	p2 =	seq.s32 @!p0 s5, $0x0  }
0x1f: {  	s9 =	smul.u32 $0xF7A, s1;
	s8 =	simm.s32 @!p0 $0x1BF5;
	p2 =	por !p2, p0  }
0x20: {  	[sflag:s8] =	ssyncset.s32 @!p0 $0xFFFFF086;
	s6 =	sadd.s32 @!p0 s3, s7;
	s7 =	simm.s32 @!p0 $0x108  }
0x21: {  	s3 =	sadd.s32 s3, s9;
	s6 =	sadd.s32 @!p0 $0x88, s6;
	s7 =	simm.s32 @p2 $0x1082  }
0x22: {  	[simem:s7], [sflag:s8] =	dma.local @!p0 [hbm:s6], $0xF7A  }
0x23: {  	s9 =	sor.u32 $0xD0000000, s2;
	s6 =	simm.s32 $0x108;
	_ =	swait.ge @!p0 [sflag:s8], $0x0  }
0x24: {  	s3 =	sadd.s32 $0x88, s3;
	s6 =	simm.s32 @!p1 $0x1082;
	[sflag:s4] =	ssyncset.s32 $0xFFFFF086  }
0x25: {  	[simem:s6], [sflag:s4] =	dma.local [hbm:s3], $0xF7A  }
0x26: {  	[smem:$0x3F99] =	sst s1;
	(tag) =	ssettag s2;
	_ =	strace s9  }
0x27: {  	s1 =	sld [smem:$0x3FA9]  }
0x28: {  	s2 =	sld [smem:$0x3FAA]  }
0x29: {  	s4 =	sld [smem:$0x3FAC]  }
0x2a: {  	p0 =	seq.s32 s5, $0x0;
	s5 =	sld [smem:$0x3FAD]  }
0x2b: {  	s6 =	sld [smem:$0x3FAE]  }
0x2c: {  	s7 =	sld [smem:$0x3FAF]  }
0x2d: {  	s3 =	simm.s32 $0x108;
	s8 =	sld [smem:$0x3FB0]  }
0x2e: {  	s3 =	simm.s32 @!p0 $0x1082;
	s9 =	sld [smem:$0x3FB1]  }
0x2f: {  	lr =	sadd.s32 s0, s3;
	s0 =	sld [smem:$0x3FA8]  }
0x30: {  	s3 =	sld [smem:$0x3FAB]  }
0x31: {  	[smem:$0x3FB4] =	sst s10  }
0x32: {  	s10 =	sld [smem:$0x3FB2];
	_ =	sdelay $0x3  }
0x33: {  	p0 =	seq.s32 s10, $0x1;
	s10 =	sld [smem:$0x3FB4];
	_ =	sdelay $0x3  }
0x34: {  	[smem:$0x3FB4] =	sst s10  }
0x35: {  	s10 =	sld [smem:$0x3FB3];
	_ =	sdelay $0x3  }
0x36: {  	p1 =	seq.s32 s10, $0x1;
	s10 =	sld [smem:$0x3FB4];
	_ =	sdelay $0x3  }
0x37: {  	[smem:$0x3FB4] =	sst s10  }
0x38: {  	s10 =	sld [smem:$0x3FB5]  }
0x39: {  	_ = 	snop;
	(pc) =	sbr.ind lr, $3  }
0x3a: {  	_ = 	snop  }
0x3b: {  	_ = 	snop  }
0x3c: {  	p2 =	seq.s32 s10, $0x1;
	s10 =	sld [smem:$0x3FB4]  }
0x3d: {  	_ =	shalt  }
0x3e: {  	_ =	shalt  }
0x3f: {  	_ =	shalt  }
0x40: {  	_ =	shalt  }
0x41: {  	_ =	shalt  }
0x42: {  	_ =	shalt  }
0x43: {  	_ =	shalt  }
0x44: {  	_ =	shalt  }
0x45: {  	_ =	shalt  }
0x46: {  	_ =	shalt  }
0x47: {  	_ =	shalt  }
0x48: {  	_ =	shalt  }
0x49: {  	_ =	shalt  }
0x4a: {  	_ =	shalt  }
0x4b: {  	_ =	shalt  }
0x4c: {  	_ =	shalt  }
0x4d: {  	_ =	shalt  }
0x4e: {  	_ =	shalt  }
0x4f: {  	_ =	shalt  }
0x50: {  	_ =	shalt  }
0x51: {  	_ =	shalt  }
0x52: {  	_ =	shalt  }
0x53: {  	_ =	shalt  }
0x54: {  	_ =	shalt  }
0x55: {  	_ =	shalt  }
0x56: {  	_ =	shalt  }
0x57: {  	_ =	shalt  }
0x58: {  	_ =	shalt  }
0x59: {  	_ =	shalt  }
0x5a: {  	_ =	shalt  }
0x5b: {  	_ =	shalt  }
0x5c: {  	_ =	shalt  }
0x5d: {  	_ =	shalt  }
0x5e: {  	_ =	shalt  }
0x5f: {  	_ =	shalt  }
0x60: {  	_ =	shalt  }
0x61: {  	_ =	shalt  }
0x62: {  	_ =	shalt  }
0x63: {  	_ =	shalt  }
0x64: {  	_ =	shalt  }
0x65: {  	_ =	shalt  }
0x66: {  	_ =	shalt  }
0x67: {  	_ =	shalt  }
0x68: {  	_ =	shalt  }
0x69: {  	_ =	shalt  }
0x6a: {  	_ =	shalt  }
0x6b: {  	_ =	shalt  }
0x6c: {  	_ =	shalt  }
0x6d: {  	_ =	shalt  }
0x6e: {  	_ =	shalt  }
0x6f: {  	_ =	shalt  }
0x70: {  	_ =	shalt  }
0x71: {  	_ =	shalt  }
0x72: {  	_ =	shalt  }
0x73: {  	_ =	shalt  }
0x74: {  	_ =	shalt  }
0x75: {  	_ =	shalt  }
0x76: {  	_ =	shalt  }
0x77: {  	_ =	shalt  }
0x78: {  	_ =	shalt  }
0x79: {  	_ =	shalt  }
0x7a: {  	_ =	shalt  }
0x7b: {  	_ =	shalt  }
0x7c: {  	_ =	shalt  }
0x7d: {  	_ =	shalt  }
0x7e: {  	_ =	shalt  }
0x7f: {  	_ =	shalt  }
0x80: {  	_ =	shalt  }
0x81: {  	_ =	shalt  }
0x82: {  	_ =	shalt  }
0x83: {  	_ =	shalt  }
0x84: {  	_ =	shalt  }
0x85: {  	_ =	shalt  }
0x86: {  	_ =	shalt  }
0x87: {  	_ =	shalt  }
.Lfunc_end0:
.L_simem_size_0:
called_computation.2_lowered:
.L_overlay_start_0:
0x88: {  	s2 =	sld [smem:$0x3FD9]  }
0x89: {  	s3 =	sld [smem:$0x3FFE];
	_ =	sdelay $0x1  }
0x8a: {  	s1 =	srdreg.scid  }
0x8b: {  	s0 =	sand.u32 $0x1, s1  }
0x8c: {  	s14 =	sshll.u32 s0, $0xA;
	s2 =	sadd.s32 s3, s2  }
0x8d: {  	s2 =	sadd.s32 s2, s14  }
0x8e: {  	[smem:$0x3FC0] =	sst s2  }
0x8f: {  	_ = 	snop  }
0x90: {  	s2 =	sld [smem:$0x3FD0];
	_ =	sdelay $0x2  }
0x91: {  	s15 =	simm.s32 $0xA;
	s4 =	simm.s32 $0x10  }
0x92: {  	[smem:s4], [sflag:s15] =	dma.local [hbm:s2], $0x1  }
0x93: {  	_ =	swait.eq [sflag:s15], $0x1  }
0x94: {  	[sflag:s15] =	ssyncset.done $0x0  }
0x95: {  	[sflag:s15] =	ssyncadd.s32 $0xFFFFFFFF  }
0x96: {  	s16 =	sld [smem:$0x11];
	(tm) =	ssettm $0x1  }
0x97: {  	s17 =	sld [smem:$0x3FFB];
	_ =	sdelay $0x3  }
0x98: {  	_ =	strace s17  }
0x99: {  	s3 =	sld [smem:$0x3FFC];
	_ =	sdelay $0x3  }
0x9a: {  	_ =	strace s3  }
0x9b: {  	s3 =	sld [smem:$0x3FFD];
	_ =	sdelay $0x3  }
0x9c: {  	_ =	strace s3  }
0x9d: {  	_ =	strace $0x8FFFFFFF  }
0x9e: {  	s18 =	sld [smem:$0x3FDB];
	_ =	sdelay $0x1  }
0x9f: {  	s19 =	simm.s32 $_scs_section_size  }
0xa0: {  	s5 =	simm.s32 $_size__tile_overlayer_lowered;
	s6 =	simm.s32 $_tile_overlayer_lowered  }
0xa1: {  	s22 =	simm.s32 $0x1BFF;
	s21 =	sshll.u32 s6, $0x1;
	s3 =	sadd.s32 s19, s18  }
0xa2: {  	s7 =	simm.s32 $0x0;
	s20 =	sshll.u32 s5, $0x1;
	s5 =	sadd.s32 s21, s3  }
0xa3: {  	[timem:s7], [sflag:s22] =	dma.local [hbm:s5], s20  }
0xa4: {  	_ =	swait.ge [sflag:s22], s20  }
0xa5: {  	s4 =	ssub.s32 $0x0, s20;
	[sflag:s22] =	ssyncset.done $0x0  }
0xa6: {  	[sflag:s22] =	ssyncadd.s32 s4;
	_ =	sdelay $0x1  }
0xa7: {  	s23 =	simm.s32 $0x1B8B  }
0xa8: {  	_ =	swait.ge [sflag:s23], $0x1  }
0xa9: {  	[sflag:s23] =	ssyncset.done $0x0  }
0xaa: {  	s25 =	simm.s32 $0x1B8E;
	s24 =	sld [smem:$0x3FFE];
	[sflag:s23] =	ssyncadd.s32 $0xFFFFFFFF  }
0xab: {  	s26 =	simm.s32 $execute0_lowered;
	[smem:$0x3FD2] =	sst s25  }
0xac: {  	s5 =	sshll.u32 s26, $0x1;
	_ =	strace $0x8000004C;
	[dreg:$0x1] =	wrdreg $0xFFFFFFFF  }
0xad: {  	s28 =	simm.s32 $_size_execute0_lowered;
	s3 =	sadd.s32 s3, s5;
	[dreg:$0x0] =	wrdreg $0x0  }
0xae: {  	s5 =	sshll.u32 s28, $0x1;
	[dreg:$0x2] =	wrdreg s3  }
0xaf: {  	[dreg:$0x3] =	wrdreg s5  }
0xb0: {  	[dreg:$0x4] =	wrdreg $0xC0  }
0xb1: {  	_ =	task [dreg:s7], $0x5FFFF  }
0xb2: {  	[dreg:$0x1] =	wrdreg $0xFFFFFFFF  }
0xb3: {  	[dreg:$0x0] =	wrdreg $0x60  }
0xb4: {  	[dreg:$0x2] =	wrdreg s24  }
0xb5: {  	[dreg:$0x3] =	wrdreg s16  }
0xb6: {  	[dreg:$0x4] =	wrdreg $0xE5800  }
0xb7: {  	[dreg:$0x5] =	wrdreg $0xBE000  }
0xb8: {  	[dreg:$0x6] =	wrdreg $0x9  }
0xb9: {  	_ =	task.clear_ibuf [dreg:s7], $0x7FFFF;
	_ =	strace $0x9000004C  }
0xba: {  	s29 =	simm.s32 $0x9;
	_ =	strace $0x8000004E  }
0xbb: {  	_ =	swait.ge [sflag:s29], $0x1  }
0xbc: {  	[sflag:s29] =	ssyncadd.s32 $0xFFFFFFFF  }
0xbd: {  	_ =	strace $0x9000004E  }
0xbe: {  	_ =	sfence  }
0xbf: {  	s30 =	sld [smem:$0x0];
	_ =	sdelay $0x2  }
0xc0: {  	s31 =	sshll.u32 s1, $0xD;
	s1 =	sshrl.u32 s1, $0x2  }
0xc1: {  	s3 =	sand.u32 $0x4000, s31;
	s1 =	sadd.s32 s1, s30  }
0xc2: {  	s0 =	sor.u32 s3, s0;
	s1 =	sshll.u32 s1, $0x11  }
0xc3: {  	s0 =	sor.u32 s1, s0  }
0xc4: {  	s0 =	sadd.s32 $0x8F2B, s0  }
0xc5: {  	[sflag:s0] =	ssyncadd.remote.s32 $0x1  }
0xc6: {  	_ =	sfence.sel $0xFFFF  }
0xc7: {  	[dreg:$0x0] =	wrdreg $0xFFFFFFFF;
	(pc) =	sbr.abs _section_cstart, $3  }
0xc8: {  	[dreg:$0x1] =	wrdreg $0xFFFFFFFF  }
0xc9: {  	_ =	task.clear_ibuf [dreg:s7], $0x2FFFF;
	_ =	strace $0x9FFFFFFF  }
0xca: {  	(tm) =	ssettm $0x7FFFFFFF  }
0xcb: {  	_ =	shalt  }
tec
execute0_lowered:
.L_overlay_start_1:
0x0: {  	(tag) =	ssettag $0x1  }
0x1: {  	s0 =	rddreg [dreg:$0x0]  }
0x2: {  	s1 =	rddreg [dreg:$0x1]  }
0x3: {  	s2 =	rddreg [dreg:$0x2]  }
0x4: {  	s3 =	rddreg [dreg:$0x3];
	s20 =	stileid.u32  }
0x5: {  	s4 =	srdreg.scid;
	s18 =	simm.s32 $0x6F00;
	s19 =	simm.s32 $0x4  }
0x6: {  	s23 =	simm.s32 $0x80;
	s24 =	simm.s32 $0x4F00;
	s25 =	simm.s32 $0x5700  }
0x7: {  	s29 =	simm.s32 $0x1;
	s6 =	smul.u32 $0x2780, s20;
	s7 =	sand.u32 $0x1, s4  }
0x8: {  	s5 =	sshll.u32 s20, $0x1;
	s4 =	simm.s32 $0x0;
	s31 =	sadd.s32 $0xC310, s0  }
0x9: {  	s5 =	sor.u32 s7, s5;
	s8 =	smul.u32 $0x27800, s7;
	[smem:$0x7FF] =	sst s4  }
0xa: {  	s26 =	ssub.s32 $0x2, s7;
	p1 =	sne.s32 s7, $0x0;
	s9 =	smul.u32 $0x2780, s5  }
0xb: {  	_ =	strace $0x8000004D;
	s14 =	sshrl.u32 s6, $0x3;
	s10 =	sshrl.u32 s26, $0x1  }
0xc: {  	p0 =	seq.s32 s5, $0x1F;
	s5 =	simm.s32 $0x33;
	[dreg:$0x7] =	wrdreg s31  }
0xd: {  	s12 =	sadd.s32 s6, s2;
	s13 =	sadd.s32 s6, s3;
	s8 =	sadd.s32 s6, s8  }
0xe: {  	s11 =	sadd.s32 s14, s0;
	s16 =	ssub.s32 s26, s10;
	s5 =	simm.s32 @!p0 $0x4F  }
0xf: {  	s14 =	sadd.s32 s1, s14;
	s22 =	sshrl.u32 @p1 s13, $0x3;
	s26 =	simm.s32 $0x0  }
0x10: {  	s9 =	sshrl.u32 s9, $0x3;
	s8 =	sshrl.u32 s8, $0x3;
	s10 =	sadd.s32 $0x16400, s11  }
0x11: {  	s11 =	sadd.s32 $0x47A00, s11;
	s16 =	smax.u32 s16, $0x1;
	s17 =	sshll.u32 s5, $0xD  }
0x12: {  	s9 =	sadd.s32 s9, s0;
	s15 =	sadd.s32 s8, s0;
	s0 =	sadd.s32 $0x15F50, s0  }
0x13: {  	s28 =	sadd.s32 $0x2A00, s9;
	s30 =	sadd.s32 $0xC640, s9;
	[dreg:$0x8] =	wrdreg s0  }
0x14: {  	s15 =	sadd.s32 $0x1B400, s15;
	s0 =	sshll.u32 @p1 s20, $0x6;
	[dreg:$0x5] =	wrdreg s28  }
0x15: {  	s20 =	simm.s32 $0x2;
	[dreg:$0x6] =	wrdreg s30;
	s21 =	sor.u32 @p1 $0x1C04, s0  }
.LBB2_1:
0x16: {  	s0 =	simm.s32 @p0 $0x0;
	s1 =	rddreg [dreg:$0x7]  }
0x17: {  	[tilespmem:s0], [sflag:$0x3] =	stream.linear.gather @p0 [hbm4b:s1+s0], $0x1980, $0x38;
	[tilespmem:$0x10D00] =	vst v63  }
0x18: {  	s6 =	rddreg [dreg:$0x8];
	s1 =	simm.s32 @p0 $0x2780  }
0x19: {  	[tilespmem:s1], [sflag:$0x3] =	stream.linear.gather @p0 [hbm4b:s6+s0], $0x1980, $0x38;
	[tilespmem:$0x10D00] =	vst v63  }
0x1a: {  	s0 =	simm.s32 @!p0 $0x0;
	s1 =	rddreg [dreg:$0x5]  }
0x1b: {  	[tilespmem:s0], [sflag:$0x3] =	stream.linear.gather @!p0 [hbm4b:s1+s0], $0x2780, $0x38;
	[tilespmem:$0x10D00] =	vst v63  }
0x1c: {  	s6 =	rddreg [dreg:$0x6];
	s1 =	simm.s32 @!p0 $0x2780  }
0x1d: {  	[tilespmem:s1], [sflag:$0x3] =	stream.linear.gather @!p0 [hbm4b:s6+s0], $0x2780, $0x38;
	[tilespmem:$0x10D00] =	vst v63  }
0x1e: {  	_ = 	snop  }
0x1f: {  	[tilespmem:s18], [sflag:$0x4] =	stream.linear.gather [hbm4b:s10+s4], $0x2780, $0x38;
	[tilespmem:$0x10D00] =	vst v63  }
0x20: {  	_ =	swait.ge [sflag:s19], $0x2780  }
0x21: {  	[sflag:s19] =	ssyncset.done $0x0  }
0x22: {  	s31 =	simm.s32 $0x9680;
	[sflag:s19] =	ssyncadd.s32 $0xFFFFD880  }
0x23: {  	[tilespmem:s31], [sflag:$0x4] =	stream.linear.gather [hbm4b:s11+s4], $0x2780, $0x38;
	[tilespmem:$0x10D00] =	vst v63  }
0x24: {  	_ =	swait.ge [sflag:s19], $0x2780  }
0x25: {  	[sflag:s19] =	ssyncset.done $0x0  }
0x26: {  	s0 =	simm.s32 $0x0;
	[sflag:s19] =	ssyncadd.s32 $0xFFFFD880  }
0x27: {  	s1 =	simm.s32 $0x40;
	v0 =	vld [tilespmem:s0+$0x9680]  }
.LBB2_2:
0x28: {  	p2 =	sne.s32 s1, $0x9DC0;
	v1 =	vld [tilespmem:s0+$0x6F00];
	_ =	sdelay $0x2  }
.Ltmp0:
0x29: {  	(pc) =	sbr.rel @p2 .LBB2_2-.Ltmp0, $4  }
0x2a: {  	_ = 	snop  }
0x2b: {  	v1 =	vmul.f32 v0, v1  }
0x2c: {  	s6 =	sshra.s32 s1, $0x2  }
0x2d: {  	s1 =	sadd.s32 $0x40, s1;
	v0 =	vld [tilespmem:s6+$0x9680];
	[tilespmem:s0+$0x6F00] =	vst v1;
	s0 =	smov.u32 s6  }
0x2e: {  	v1 =	vld [tilespmem:s0+$0x6F00];
	_ =	sdelay $0x4  }
0x2f: {  	v0 =	vmul.f32 v0, v1;
	_ =	sdelay $0x1  }
0x30: {  	[tilespmem:s0+$0x6F00] =	vst v0  }
0x31: {  	[spmem:s12] =	stream.linear.scatter [tilespmem:s18], [sflag:$0x4], $0x2780, $0x38;
	[tilespmem:$0x10D00] =	vst v63  }
0x32: {  	_ =	swait.ge [sflag:s19], $0x2780  }
0x33: {  	[sflag:s19] =	ssyncset.done $0x0  }
0x34: {  	s0 =	simm.s32 @p1 $0x4;
	[sflag:s19] =	ssyncadd.s32 $0xFFFFD880  }
0x35: {  	[spmem:s22], [sflag:s21] =	dma.local @p1 [hbm:s14], $0x4F0  }
0x36: {  	_ =	swait.ge @p1 [sflag:s0], $0x4F0  }
0x37: {  	[sflag:s0] =	ssyncset.done @p1 $0x0  }
0x38: {  	[sflag:s0] =	ssyncadd.s32 @p1 $0xFFFFFB10;
	s0 =	simm.s32 @!p1 $0x6F00  }
0x39: {  	[spmem:s13] =	stream.linear.scatter @!p1 [tilespmem:s0], [sflag:$0x4], $0x2780, $0x38;
	[tilespmem:$0x10D00] =	vst v63  }
0x3a: {  	s0 =	simm.s32 @!p1 $0x4  }
0x3b: {  	_ =	swait.ge @!p1 [sflag:s0], $0x2780  }
0x3c: {  	[sflag:s0] =	ssyncset.done @!p1 $0x0  }
0x3d: {  	[sflag:s0] =	ssyncadd.s32 @!p1 $0xFFFFD880;
	s0 =	simm.s32 @p0 $0x3  }
0x3e: {  	_ =	swait.ge @p0 [sflag:s0], $0x1980  }
0x3f: {  	[sflag:s0] =	ssyncset.done @p0 $0x0  }
0x40: {  	[sflag:s0] =	ssyncadd.s32 @p0 $0xFFFFE680  }
0x41: {  	_ =	swait.ge @p0 [sflag:s0], $0x1980  }
0x42: {  	[sflag:s0] =	ssyncset.done @p0 $0x0  }
0x43: {  	[sflag:s0] =	ssyncadd.s32 @p0 $0xFFFFE680;
	s0 =	simm.s32 @!p0 $0x3  }
0x44: {  	_ =	swait.ge @!p0 [sflag:s0], $0x2780  }
0x45: {  	[sflag:s0] =	ssyncset.done @!p0 $0x0  }
0x46: {  	[sflag:s0] =	ssyncadd.s32 @!p0 $0xFFFFD880  }
0x47: {  	_ =	swait.ge @!p0 [sflag:s0], $0x2780  }
0x48: {  	[sflag:s0] =	ssyncset.done @!p0 $0x0  }
0x49: {  	[sflag:s0] =	ssyncadd.s32 @!p0 $0xFFFFD880  }
0x4a: {  	[bflag:$0x0] =	sbarrier.arrive $0xFFFF  }
0x4b: {  	[tilespmem:s24], [sflag:$0x1] =	stream.indirect.gather [spmem:s2], $0x10, s4, s23, $0xb8;
	[tilespmem:$0x10D00] =	vst v63  }
0x4c: {  	_ = 	snop  }
0x4d: {  	[tilespmem:s25], [sflag:$0x1] =	stream.indirect.gather [spmem:s2], $0x10, s23, s23, $0xb8;
	[tilespmem:$0x10D00] =	vst v63  }
0x4e: {  	s6 =	simm.s32 $0x100;
	s1 =	simm.s32 $0x5F00  }
0x4f: {  	[tilespmem:s1], [sflag:$0x1] =	stream.indirect.gather [spmem:s2], $0x10, s6, s23, $0xb8;
	[tilespmem:$0x10D00] =	vst v63  }
0x50: {  	_ =	swait.ge [sflag:s29], $0x800  }
0x51: {  	[sflag:s29] =	ssyncset.done $0x0  }
0x52: {  	s7 =	simm.s32 $0x2780;
	[sflag:s29] =	ssyncadd.s32 $0xFFFFF800  }
0x53: {  	[spmem:s3] =	stream.indirect.scatter.add.f32 [tilespmem:s24], [sflag:$0x2], $0x10, s7, s23, $0xb8;
	[tilespmem:$0x10D00] =	vst v63  }
0x54: {  	s8 =	simm.s32 $0x180;
	s9 =	simm.s32 $0x6700;
	p4 =	sne.s32 s17, $0x6000  }
0x55: {  	[tilespmem:s9], [sflag:$0x1] =	stream.indirect.gather [spmem:s2], $0x10, s8, s23, $0xb8;
	[tilespmem:$0x10D00] =	vst v63  }
.Ltmp1:
0x56: {  	s28 =	simm.s32 $0x2800;
	(pc) =	sbr.rel @!p4 .LBB2_4-.Ltmp1, $4  }
0x57: {  	s30 =	simm.s32 $0x200;
	p2 =	sle.u32 s5, $0x4;
	_ =	swait.ge [sflag:s29], $0x800  }
0x58: {  	s31 =	simm.s32 $0x6000;
	p3 =	por $0x0, $0x0;
	[sflag:s29] =	ssyncset.done $0x0  }
0x59: {  	s6 =	simm.s32 $0x4000;
	s1 =	simm.s32 $0x2880;
	[sflag:s29] =	ssyncadd.s32 $0xFFFFF800  }
0x5a: {  	[spmem:s3] =	stream.indirect.scatter.add.f32 [tilespmem:s25], [sflag:$0x2], $0x10, s28, s23, $0xb8;
	[tilespmem:$0x10D00] =	vst v63  }
0x5b: {  	p3 =	por p2, p2;
	_ =	swait.ge [sflag:s20], $0x800  }
0x5c: {  	p2 =	sle.u32 s5, $0x5;
	p4 =	sne.s32 s17, $0x8000;
	s0 =	simm.s32 @!p3 $0x8000  }
0x5d: {  	s6 =	sand.u32 $0x6000, s6;
	s28 =	simm.s32 $0x2900;
	s0 =	sand.u32 @!p3 $0x6000, s0  }
0x5e: {  	[sflag:s20] =	ssyncset.done $0x0;
	s7 =	simm.s32 @!p3 $0x80;
	s0 =	sshrl.u32 @!p3 s0, $0x2  }
.Ltmp2:
0x5f: {  	[sflag:s20] =	ssyncadd.s32 $0xFFFFF800;
	s0 =	sadd.s32 @!p3 $0x4F00, s0;
	(pc) =	sbr.rel @!p4 .LBB2_6-.Ltmp2, $4  }
0x60: {  	[tilespmem:s0], [sflag:$0x1] =	stream.indirect.gather @!p3 [spmem:s2], $0x10, s30, s7, $0xb8;
	[tilespmem:$0x10D00] =	vst v63  }
0x61: {  	s9 =	sshrl.u32 s6, $0x2;
	s6 =	simm.s32 $0x6;
	_ =	swait.ge [sflag:s29], $0x800  }
0x62: {  	s0 =	simm.s32 $0x8000;
	s30 =	simm.s32 $0x280;
	[sflag:s29] =	ssyncset.done $0x0  }
0x63: {  	s7 =	sadd.s32 $0x4F00, s9;
	p3 =	por $0x1, $0x1;
	[sflag:s29] =	ssyncadd.s32 $0xFFFFF800  }
.LBB2_7:
0x64: {  	[spmem:s3] =	stream.indirect.scatter.add.f32 [tilespmem:s7], [sflag:$0x2], $0x10, s1, s23, $0xb8;
	[tilespmem:$0x10D00] =	vst v63  }
0x65: {  	s7 =	smov.u32 s31  }
0x66: {  	s31 =	smov.u32 s0;
	s1 =	smov.u32 s28;
	p5 =	por p2, p2  }
0x67: {  	p2 =	sge.u32 s6, s5;
	_ =	swait.ge [sflag:s20], $0x800;
	s8 =	sadd.s32 @!p5 $0x4000, s7  }
0x68: {  	s0 =	sadd.s32 $0x2000, s0;
	[sflag:s20] =	ssyncset.done $0x0;
	s8 =	sand.u32 @!p5 $0x6000, s8  }
0x69: {  	p4 =	sne.s32 s17, s0;
	[sflag:s20] =	ssyncadd.s32 $0xFFFFF800;
	s8 =	sshrl.u32 @!p5 s8, $0x2  }
.Ltmp3:
0x6a: {  	s9 =	simm.s32 @!p5 $0x80;
	s8 =	sadd.s32 @!p5 $0x4F00, s8;
	(pc) =	sbr.rel @p4 .LBB2_7-.Ltmp3, $4  }
0x6b: {  	[tilespmem:s8], [sflag:$0x1] =	stream.indirect.gather @!p5 [spmem:s2], $0x10, s30, s9, $0xb8;
	[tilespmem:$0x10D00] =	vst v63  }
0x6c: {  	s7 =	sand.u32 $0x6000, s7;
	s30 =	sadd.s32 $0x80, s30;
	_ =	swait.ge [sflag:s29], $0x800  }
0x6d: {  	s28 =	sadd.s32 $0x80, s28;
	s7 =	sshrl.u32 s7, $0x2;
	[sflag:s29] =	ssyncset.done $0x0  }
0x6e: {  	s6 =	sadd.s32 $0x1, s6;
	s7 =	sadd.s32 $0x4F00, s7;
	[sflag:s29] =	ssyncadd.s32 $0xFFFFF800  }
0x6f: {  	s0 =	smov.u32 s1;
	s6 =	smov.u32 s31;
	s1 =	smov.u32 s28  }
.LBB2_9:
0x70: {  	[spmem:s3] =	stream.indirect.scatter.add.f32 @p3 [tilespmem:s7], [sflag:$0x2], $0x10, s0, s23, $0xb8;
	[tilespmem:$0x10D00] =	vst v63  }
0x71: {  	p2 =	por p2, p2  }
0x72: {  	s0 =	sadd.s32 @!p2 $0x4000, s6  }
0x73: {  	_ =	swait.ge [sflag:s20], $0x800;
	s0 =	sand.u32 @!p2 $0x6000, s0  }
0x74: {  	[sflag:s20] =	ssyncset.done $0x0;
	s0 =	sshrl.u32 @!p2 s0, $0x2  }
0x75: {  	s7 =	simm.s32 @!p2 $0x80;
	[sflag:s20] =	ssyncadd.s32 $0xFFFFF800;
	s0 =	sadd.s32 @!p2 $0x4F00, s0  }
0x76: {  	[tilespmem:s0], [sflag:$0x1] =	stream.indirect.gather @!p2 [spmem:s2], $0x10, s30, s7, $0xb8;
	[tilespmem:$0x10D00] =	vst v63  }
0x77: {  	s28 =	sand.u32 $0x6000, s6;
	_ =	swait.ge [sflag:s29], $0x800  }
0x78: {  	s0 =	sshrl.u32 s28, $0x2;
	[sflag:s29] =	ssyncset.done $0x0  }
0x79: {  	s0 =	sadd.s32 $0x4F00, s0;
	[sflag:s29] =	ssyncadd.s32 $0xFFFFF800  }
0x7a: {  	[spmem:s3] =	stream.indirect.scatter.add.f32 [tilespmem:s0], [sflag:$0x2], $0x10, s1, s23, $0xb8;
	[tilespmem:$0x10D00] =	vst v63  }
0x7b: {  	_ =	swait.ge [sflag:s20], $0x800  }
0x7c: {  	[sflag:s20] =	ssyncset.done $0x0  }
0x7d: {  	[sflag:s20] =	ssyncadd.s32 $0xFFFFF800  }
0x7e: {  	_ =	swait.ge [sflag:s20], $0x800  }
0x7f: {  	s31 =	sshrl.u32 s13, $0x3;
	s30 =	stileid.u32;
	[sflag:s20] =	ssyncset.done $0x0  }
0x80: {  	s26 =	sadd.s32 $0x1, s26;
	s0 =	sshll.u32 s30, $0x6;
	[sflag:s20] =	ssyncadd.s32 $0xFFFFF800  }
0x81: {  	p2 =	sne.s32 s26, s16;
	s0 =	sor.u32 $0x1C04, s0;
	[bflag:$0x0] =	sbarrier.arrive $0xFFFF  }
0x82: {  	[hbm:s15], [sflag:s0] =	dma.local [spmem:s31], $0x4F0  }
.Ltmp4:
0x83: {  	_ = 	snop;
	(pc) =	sbr.rel @p2 .LBB2_1-.Ltmp4, $4  }
.Ltmp5:
0x84: {  	_ = 	snop;
	(pc) =	sbr.rel @!p2 .LBB2_10-.Ltmp5, $4  }
0x85: {  	_ =	swait.ge [sflag:s19], $0x4F0  }
0x86: {  	[sflag:s19] =	ssyncset.done $0x0  }
0x87: {  	[sflag:s19] =	ssyncadd.s32 $0xFFFFFB10  }
0x88: {  	_ = 	snop  }
.LBB2_4:
.Ltmp6:
0x89: {  	(pc) =	sbr.rel .LBB2_9-.Ltmp6, $2  }
0x8a: {  	_ =	sdelay $0x2  }
0x8b: {  	_ = 	snop  }
.LBB2_6:
.Ltmp7:
0x8c: {  	(pc) =	sbr.rel .LBB2_9-.Ltmp7, $2  }
0x8d: {  	_ =	sdelay $0x2  }
0x8e: {  	s0 =	simm.s32 $0x2880;
	s6 =	simm.s32 $0x6000;
	s1 =	simm.s32 $0x2900  }
.LBB2_10:
0x8f: {  	_ =	sfence.sel $0x180000  }
0x90: {  	[bflag:$0x0] =	sbarrier.arrive $0xFFFF  }
0x91: {  	_ =	strace $0x9000004D  }
0x92: {  	s0 =	stileid.u32;
	[bflag:$0x2] =	sbarrier.arrive $0xFFFF  }
0x93: {  	p0 =	sne.s32 s0, $0x0;
	s0 =	rddreg [dreg:$0x4]  }
0x94: {  	s0 =	sadd.s32 @!p0 $0x100000, s0  }
0x95: {  	[sflag:s0] =	ssyncadd.tile.s32 @!p0 $0x1;
	_ =	shalt  }
.Lfunc_end2:
_tile_overlayer_lowered:
.L_overlay_start_2:
0x96: {  	(tag) =	ssettag $0x2  }
0x97: {  	s0 =	rddreg [dreg:$0x0];
	s2 =	stileid.u32  }
0x98: {  	s1 =	rddreg [dreg:$0x1];
	p0 =	sne.s32 s2, $0x0  }
0x99: {  	s3 =	rddreg [dreg:$0x2];
	[bflag:$0x3] =	sbarrier.arrive $0xFFFF;
	s2 =	simm.s32 @!p0 $0x1C04  }
0x9a: {  	[timem:s3], [sflag:s2] =	dma.local @!p0 [hbm:s0], s1  }
0x9b: {  	s0 =	simm.s32 @!p0 $0x4  }
0x9c: {  	_ =	swait.ge @!p0 [sflag:s0], s1  }
0x9d: {  	s1 =	ssub.s32 @!p0 $0x0, s1;
	[sflag:s0] =	ssyncset.done @!p0 $0x0  }
0x9e: {  	[sflag:s0] =	ssyncadd.s32 @!p0 s1  }
0x9f: {  	[bflag:$0x3] =	sbarrier.arrive $0xFFFF  }
0xa0: {  	_ =	shalt  }

// kernel: kernel.8.cloned.1.call-start
scs
__scs_entry_jumppad:
0x0: {  	(pc) =	sbr.rel $0x88, $3  }
0x1: {  	(tag) =	ssettag $0x0;
	lr =	simm.s32 $0x1  }
0x2: {  	[smem:$0x3F99] =	sst lr;
	_ =	strace $0xD0000000  }
0x3: {  	_ = 	snop  }
0x4: {  	_ = 	snop  }
0x5: {  	_ = 	snop  }
0x6: {  	_ = 	snop  }
0x7: {  	_ = 	snop  }
__scs_overlays_trampoline_lowered:
0x8: {  	[smem:$0x3FA8] =	sst s0  }
0x9: {  	[smem:$0x3FA9] =	sst s1  }
0xa: {  	[smem:$0x3FAA] =	sst s2  }
0xb: {  	[smem:$0x3FAB] =	sst s3  }
0xc: {  	[smem:$0x3FAC] =	sst s4  }
0xd: {  	[smem:$0x3FAD] =	sst s5  }
0xe: {  	[smem:$0x3FAE] =	sst s6  }
0xf: {  	[smem:$0x3FAF] =	sst s7  }
0x10: {  	[smem:$0x3FB0] =	sst s8  }
0x11: {  	[smem:$0x3FB1] =	sst s9;
	s0 =	simm.s32 @!p0 $0x0  }
0x12: {  	s1 =	sld [smem:$0x3F97];
	s0 =	simm.s32 @p0 $0x1  }
0x13: {  	[smem:$0x3FB2] =	sst s0;
	s0 =	simm.s32 @!p1 $0x0  }
0x14: {  	s2 =	sld [smem:$0x3F96];
	s0 =	simm.s32 @p1 $0x1  }
0x15: {  	[smem:$0x3FB3] =	sst s0;
	s0 =	simm.s32 @!p2 $0x0  }
0x16: {  	s3 =	sld [smem:$0x3FDB];
	s0 =	simm.s32 @p2 $0x1  }
0x17: {  	s4 =	simm.s32 $0x1BF5;
	[smem:$0x3FB5] =	sst s0  }
0x18: {  	s0 =	sld [smem:$0x3F98];
	_ =	swait.ge [sflag:s4], $0x0  }
0x19: {  	s7 =	sld [smem:$0x3F99]  }
0x1a: {  	s8 =	sadd.s32 $0xFFFFE003, lr  }
0x1b: {  	s9 =	sadd.s32 $0xFFFFFEF7, lr;
	s5 =	simm.s32 $0xFFFFFFFF;
	p2 =	slt.u32 s8, $0xFFFFF086  }
0x1c: {  	p1 =	slt.u32 s9, $0xF7A;
	s5 =	simm.s32 @!p2 $0x0  }
0x1d: {  	s5 =	simm.s32 @p1 $0x1;
	p0 =	seq.s32 s7, s2  }
0x1e: {  	s7 =	smul.u32 @!p0 $0xF7A, s2;
	p2 =	seq.s32 @!p0 s5, $0x0  }
0x1f: {  	s9 =	smul.u32 $0xF7A, s1;
	s8 =	simm.s32 @!p0 $0x1BF5;
	p2 =	por !p2, p0  }
0x20: {  	[sflag:s8] =	ssyncset.s32 @!p0 $0xFFFFF086;
	s6 =	sadd.s32 @!p0 s3, s7;
	s7 =	simm.s32 @!p0 $0x108  }
0x21: {  	s3 =	sadd.s32 s3, s9;
	s6 =	sadd.s32 @!p0 $0x88, s6;
	s7 =	simm.s32 @p2 $0x1082  }
0x22: {  	[simem:s7], [sflag:s8] =	dma.local @!p0 [hbm:s6], $0xF7A  }
0x23: {  	s9 =	sor.u32 $0xD0000000, s2;
	s6 =	simm.s32 $0x108;
	_ =	swait.ge @!p0 [sflag:s8], $0x0  }
0x24: {  	s3 =	sadd.s32 $0x88, s3;
	s6 =	simm.s32 @!p1 $0x1082;
	[sflag:s4] =	ssyncset.s32 $0xFFFFF086  }
0x25: {  	[simem:s6], [sflag:s4] =	dma.local [hbm:s3], $0xF7A  }
0x26: {  	[smem:$0x3F99] =	sst s1;
	(tag) =	ssettag s2;
	_ =	strace s9  }
0x27: {  	s1 =	sld [smem:$0x3FA9]  }
0x28: {  	s2 =	sld [smem:$0x3FAA]  }
0x29: {  	s4 =	sld [smem:$0x3FAC]  }
0x2a: {  	p0 =	seq.s32 s5, $0x0;
	s5 =	sld [smem:$0x3FAD]  }
0x2b: {  	s6 =	sld [smem:$0x3FAE]  }
0x2c: {  	s7 =	sld [smem:$0x3FAF]  }
0x2d: {  	s3 =	simm.s32 $0x108;
	s8 =	sld [smem:$0x3FB0]  }
0x2e: {  	s3 =	simm.s32 @!p0 $0x1082;
	s9 =	sld [smem:$0x3FB1]  }
0x2f: {  	lr =	sadd.s32 s0, s3;
	s0 =	sld [smem:$0x3FA8]  }
0x30: {  	s3 =	sld [smem:$0x3FAB]  }
0x31: {  	[smem:$0x3FB4] =	sst s10  }
0x32: {  	s10 =	sld [smem:$0x3FB2];
	_ =	sdelay $0x3  }
0x33: {  	p0 =	seq.s32 s10, $0x1;
	s10 =	sld [smem:$0x3FB4];
	_ =	sdelay $0x3  }
0x34: {  	[smem:$0x3FB4] =	sst s10  }
0x35: {  	s10 =	sld [smem:$0x3FB3];
	_ =	sdelay $0x3  }
0x36: {  	p1 =	seq.s32 s10, $0x1;
	s10 =	sld [smem:$0x3FB4];
	_ =	sdelay $0x3  }
0x37: {  	[smem:$0x3FB4] =	sst s10  }
0x38: {  	s10 =	sld [smem:$0x3FB5]  }
0x39: {  	_ = 	snop;
	(pc) =	sbr.ind lr, $3  }
0x3a: {  	_ = 	snop  }
0x3b: {  	_ = 	snop  }
0x3c: {  	p2 =	seq.s32 s10, $0x1;
	s10 =	sld [smem:$0x3FB4]  }
0x3d: {  	_ =	shalt  }
0x3e: {  	_ =	shalt  }
0x3f: {  	_ =	shalt  }
0x40: {  	_ =	shalt  }
0x41: {  	_ =	shalt  }
0x42: {  	_ =	shalt  }
0x43: {  	_ =	shalt  }
0x44: {  	_ =	shalt  }
0x45: {  	_ =	shalt  }
0x46: {  	_ =	shalt  }
0x47: {  	_ =	shalt  }
0x48: {  	_ =	shalt  }
0x49: {  	_ =	shalt  }
0x4a: {  	_ =	shalt  }
0x4b: {  	_ =	shalt  }
0x4c: {  	_ =	shalt  }
0x4d: {  	_ =	shalt  }
0x4e: {  	_ =	shalt  }
0x4f: {  	_ =	shalt  }
0x50: {  	_ =	shalt  }
0x51: {  	_ =	shalt  }
0x52: {  	_ =	shalt  }
0x53: {  	_ =	shalt  }
0x54: {  	_ =	shalt  }
0x55: {  	_ =	shalt  }
0x56: {  	_ =	shalt  }
0x57: {  	_ =	shalt  }
0x58: {  	_ =	shalt  }
0x59: {  	_ =	shalt  }
0x5a: {  	_ =	shalt  }
0x5b: {  	_ =	shalt  }
0x5c: {  	_ =	shalt  }
0x5d: {  	_ =	shalt  }
0x5e: {  	_ =	shalt  }
0x5f: {  	_ =	shalt  }
0x60: {  	_ =	shalt  }
0x61: {  	_ =	shalt  }
0x62: {  	_ =	shalt  }
0x63: {  	_ =	shalt  }
0x64: {  	_ =	shalt  }
0x65: {  	_ =	shalt  }
0x66: {  	_ =	shalt  }
0x67: {  	_ =	shalt  }
0x68: {  	_ =	shalt  }
0x69: {  	_ =	shalt  }
0x6a: {  	_ =	shalt  }
0x6b: {  	_ =	shalt  }
0x6c: {  	_ =	shalt  }
0x6d: {  	_ =	shalt  }
0x6e: {  	_ =	shalt  }
0x6f: {  	_ =	shalt  }
0x70: {  	_ =	shalt  }
0x71: {  	_ =	shalt  }
0x72: {  	_ =	shalt  }
0x73: {  	_ =	shalt  }
0x74: {  	_ =	shalt  }
0x75: {  	_ =	shalt  }
0x76: {  	_ =	shalt  }
0x77: {  	_ =	shalt  }
0x78: {  	_ =	shalt  }
0x79: {  	_ =	shalt  }
0x7a: {  	_ =	shalt  }
0x7b: {  	_ =	shalt  }
0x7c: {  	_ =	shalt  }
0x7d: {  	_ =	shalt  }
0x7e: {  	_ =	shalt  }
0x7f: {  	_ =	shalt  }
0x80: {  	_ =	shalt  }
0x81: {  	_ =	shalt  }
0x82: {  	_ =	shalt  }
0x83: {  	_ =	shalt  }
0x84: {  	_ =	shalt  }
0x85: {  	_ =	shalt  }
0x86: {  	_ =	shalt  }
0x87: {  	_ =	shalt  }
.Lfunc_end0:
.L_simem_size_0:
called_computation_lowered:
.L_overlay_start_0:
0x88: {  	s2 =	sld [smem:$0x3FD9]  }
0x89: {  	s3 =	sld [smem:$0x3FFE];
	_ =	sdelay $0x1  }
0x8a: {  	s1 =	srdreg.scid  }
0x8b: {  	s0 =	sand.u32 $0x1, s1  }
0x8c: {  	s14 =	sshll.u32 s0, $0xA;
	s2 =	sadd.s32 s3, s2  }
0x8d: {  	s2 =	sadd.s32 s2, s14  }
0x8e: {  	[smem:$0x3FC0] =	sst s2  }
0x8f: {  	_ = 	snop  }
0x90: {  	s2 =	sld [smem:$0x3FD0];
	_ =	sdelay $0x2  }
0x91: {  	s15 =	simm.s32 $0xA;
	s4 =	simm.s32 $0x10  }
0x92: {  	[smem:s4], [sflag:s15] =	dma.local [hbm:s2], $0x1  }
0x93: {  	_ =	swait.eq [sflag:s15], $0x1  }
0x94: {  	[sflag:s15] =	ssyncset.done $0x0  }
0x95: {  	s16 =	sld [smem:$0x10];
	[sflag:s15] =	ssyncadd.s32 $0xFFFFFFFF  }
0x96: {  	s17 =	sld [smem:$0x11];
	(tm) =	ssettm $0x1  }
0x97: {  	s18 =	sld [smem:$0x3FFB];
	_ =	sdelay $0x3  }
0x98: {  	_ =	strace s18  }
0x99: {  	s4 =	sld [smem:$0x3FFC];
	_ =	sdelay $0x3  }
0x9a: {  	_ =	strace s4  }
0x9b: {  	s4 =	sld [smem:$0x3FFD];
	_ =	sdelay $0x3  }
0x9c: {  	_ =	strace s4  }
0x9d: {  	_ =	strace $0x8FFFFFFF  }
0x9e: {  	s19 =	sld [smem:$0x3FDB];
	_ =	sdelay $0x1  }
0x9f: {  	s5 =	simm.s32 $_scs_section_size  }
0xa0: {  	s6 =	simm.s32 $_size__tile_overlayer_lowered;
	s7 =	simm.s32 $_tile_overlayer_lowered  }
0xa1: {  	s22 =	simm.s32 $0x1BFF;
	s21 =	sshll.u32 s7, $0x1;
	s4 =	sadd.s32 s5, s19  }
0xa2: {  	s8 =	simm.s32 $0x0;
	s20 =	sshll.u32 s6, $0x1;
	s6 =	sadd.s32 s21, s4  }
0xa3: {  	[timem:s8], [sflag:s22] =	dma.local [hbm:s6], s20  }
0xa4: {  	_ =	swait.ge [sflag:s22], s20  }
0xa5: {  	s5 =	ssub.s32 $0x0, s20;
	[sflag:s22] =	ssyncset.done $0x0  }
0xa6: {  	[sflag:s22] =	ssyncadd.s32 s5;
	_ =	sdelay $0x1  }
0xa7: {  	s23 =	simm.s32 $0x1B8B  }
0xa8: {  	_ =	swait.ge [sflag:s23], $0x1  }
0xa9: {  	[sflag:s23] =	ssyncset.done $0x0  }
0xaa: {  	s25 =	simm.s32 $0x1B8E;
	s24 =	sld [smem:$0x3FFE];
	[sflag:s23] =	ssyncadd.s32 $0xFFFFFFFF  }
0xab: {  	s26 =	simm.s32 $execute0_lowered;
	[smem:$0x3FD2] =	sst s25  }
0xac: {  	s6 =	sshll.u32 s26, $0x1;
	_ =	strace $0x80000046;
	[dreg:$0x1] =	wrdreg $0xFFFFFFFF  }
0xad: {  	s28 =	simm.s32 $_size_execute0_lowered;
	s4 =	sadd.s32 s4, s6;
	[dreg:$0x0] =	wrdreg $0x0  }
0xae: {  	s6 =	sshll.u32 s28, $0x1;
	[dreg:$0x2] =	wrdreg s4  }
0xaf: {  	[dreg:$0x3] =	wrdreg s6  }
0xb0: {  	[dreg:$0x4] =	wrdreg $0xC0  }
0xb1: {  	_ =	task [dreg:s8], $0x5FFFF  }
0xb2: {  	[dreg:$0x1] =	wrdreg $0xFFFFFFFF  }
0xb3: {  	[dreg:$0x0] =	wrdreg $0x60  }
0xb4: {  	[dreg:$0x2] =	wrdreg s17  }
0xb5: {  	[dreg:$0x3] =	wrdreg s16  }
0xb6: {  	[dreg:$0x4] =	wrdreg s24  }
0xb7: {  	[dreg:$0x5] =	wrdreg $0x2F800  }
0xb8: {  	[dreg:$0x6] =	wrdreg $0x9  }
0xb9: {  	_ =	task.clear_ibuf [dreg:s8], $0x7FFFF;
	_ =	strace $0x90000046  }
0xba: {  	s29 =	simm.s32 $0x9;
	_ =	strace $0x80000048  }
0xbb: {  	_ =	swait.ge [sflag:s29], $0x1  }
0xbc: {  	[sflag:s29] =	ssyncadd.s32 $0xFFFFFFFF  }
0xbd: {  	_ =	strace $0x90000048  }
0xbe: {  	_ =	sfence  }
0xbf: {  	s30 =	sld [smem:$0x0];
	_ =	sdelay $0x2  }
0xc0: {  	s31 =	sshll.u32 s1, $0xD;
	s1 =	sshrl.u32 s1, $0x2  }
0xc1: {  	s3 =	sand.u32 $0x4000, s31;
	s1 =	sadd.s32 s1, s30  }
0xc2: {  	s0 =	sor.u32 s3, s0;
	s1 =	sshll.u32 s1, $0x11  }
0xc3: {  	s0 =	sor.u32 s1, s0  }
0xc4: {  	s0 =	sadd.s32 $0x8F2B, s0  }
0xc5: {  	[sflag:s0] =	ssyncadd.remote.s32 $0x1  }
0xc6: {  	_ =	sfence.sel $0xFFFF  }
0xc7: {  	[dreg:$0x0] =	wrdreg $0xFFFFFFFF;
	(pc) =	sbr.abs _section_cstart, $3  }
0xc8: {  	[dreg:$0x1] =	wrdreg $0xFFFFFFFF  }
0xc9: {  	_ =	task.clear_ibuf [dreg:s8], $0x2FFFF;
	_ =	strace $0x9FFFFFFF  }
0xca: {  	(tm) =	ssettm $0x7FFFFFFF  }
0xcb: {  	_ =	shalt  }
tec
execute0_lowered:
.L_overlay_start_1:
0x0: {  	(tag) =	ssettag $0x1  }
0x1: {  	s8 =	rddreg [dreg:$0x0]  }
0x2: {  	s2 =	rddreg [dreg:$0x1]  }
0x3: {  	s7 =	rddreg [dreg:$0x2]  }
0x4: {  	s3 =	rddreg [dreg:$0x3];
	s4 =	srdreg.scid  }
0x5: {  	s1 =	stileid.u32;
	s0 =	rddreg [dreg:$0x4];
	s15 =	simm.s32 $0x80  }
0x6: {  	s16 =	simm.s32 $0x100;
	s17 =	simm.s32 $0x180;
	s18 =	simm.s32 $0x1  }
0x7: {  	s19 =	simm.s32 $0x0;
	s5 =	sand.u32 $0x1, s4;
	s9 =	smul.u32 $0x2780, s1  }
0x8: {  	s4 =	simm.s32 $0x0;
	s10 =	sshll.u32 s1, $0x1;
	s31 =	sshll.u32 s1, $0x6  }
0x9: {  	s6 =	smul.u32 $0x27800, s5;
	[smem:$0x7FF] =	sst s4;
	s10 =	sor.u32 s5, s10  }
0xa: {  	s5 =	ssub.s32 $0x2, s5;
	s11 =	smul.u32 $0x2780, s10;
	_ =	strace $0x80000047  }
0xb: {  	s12 =	sshrl.u32 s5, $0x1;
	p0 =	seq.s32 s10, $0x1F;
	s30 =	sshrl.u32 s9, $0x3  }
0xc: {  	s14 =	sadd.s32 s9, s3;
	s6 =	sadd.s32 s9, s6;
	s12 =	ssub.s32 s5, s12  }
0xd: {  	s5 =	simm.s32 $0x2F;
	s8 =	sadd.s32 s8, s30;
	s14 =	sshrl.u32 s14, $0x3  }
0xe: {  	s6 =	sshrl.u32 s6, $0x3;
	s29 =	sshrl.u32 s11, $0x3;
	s5 =	simm.s32 @!p0 $0x4B  }
0xf: {  	s10 =	smax.u32 s12, $0x1;
	s11 =	simm.s32 $0x2780;
	s12 =	simm.s32 $0x3  }
0x10: {  	s13 =	sadd.s32 s6, s7;
	s6 =	sadd.s32 s7, s29;
	s7 =	sadd.s32 $0x15F50, s7  }
0x11: {  	s6 =	sadd.s32 $0xC640, s6;
	s9 =	sadd.s32 $0x16400, s13;
	s13 =	sor.u32 $0x1C03, s31  }
.LBB2_1:
0x12: {  	s20 =	simm.s32 @p0 $0x0  }
0x13: {  	[tilespmem:s20], [sflag:$0x2] =	stream.linear.gather @p0 [hbm4b:s7+s20], $0x1980, $0x38;
	[tilespmem:$0x5700] =	vst v63  }
0x14: {  	s20 =	simm.s32 @!p0 $0x0  }
0x15: {  	[tilespmem:s20], [sflag:$0x2] =	stream.linear.gather @!p0 [hbm4b:s6+s20], $0x2780, $0x38;
	[tilespmem:$0x5700] =	vst v63  }
0x16: {  	_ = 	snop  }
0x17: {  	[tilespmem:s11], [sflag:$0x3] =	stream.linear.gather [hbm4b:s2+s4], $0x800, $0x38;
	[tilespmem:$0x5700] =	vst v63  }
0x18: {  	_ =	swait.ge [sflag:s12], $0x800  }
0x19: {  	[sflag:s12] =	ssyncset.done $0x0  }
0x1a: {  	[sflag:s12] =	ssyncadd.s32 $0xFFFFF800  }
0x1b: {  	[spmem:s14], [sflag:s13] =	dma.local [hbm:s8], $0x4F0  }
0x1c: {  	_ =	swait.ge [sflag:s12], $0x4F0  }
0x1d: {  	[sflag:s12] =	ssyncset.done $0x0  }
0x1e: {  	s20 =	simm.s32 @p0 $0x2;
	[sflag:s12] =	ssyncadd.s32 $0xFFFFFB10  }
0x1f: {  	_ =	swait.ge @p0 [sflag:s20], $0x1980  }
0x20: {  	[sflag:s20] =	ssyncset.done @p0 $0x0  }
0x21: {  	[sflag:s20] =	ssyncadd.s32 @p0 $0xFFFFE680;
	s20 =	simm.s32 @!p0 $0x2  }
0x22: {  	_ =	swait.ge @!p0 [sflag:s20], $0x2780  }
0x23: {  	[sflag:s20] =	ssyncset.done @!p0 $0x0  }
0x24: {  	[sflag:s20] =	ssyncadd.s32 @!p0 $0xFFFFD880  }
0x25: {  	[bflag:$0x0] =	sbarrier.arrive $0xFFFF  }
0x26: {  	[spmem:s3] =	stream.indirect.scatter.add.f32 [tilespmem:s11], [sflag:$0x1], $0x10, s4, s15, $0xb8;
	[tilespmem:$0x5700] =	vst v63  }
0x27: {  	_ = 	snop  }
0x28: {  	[spmem:s3] =	stream.indirect.scatter.add.f32 [tilespmem:s11], [sflag:$0x1], $0x10, s15, s15, $0xb8;
	[tilespmem:$0x5700] =	vst v63  }
0x29: {  	_ = 	snop  }
0x2a: {  	[spmem:s3] =	stream.indirect.scatter.add.f32 [tilespmem:s11], [sflag:$0x1], $0x10, s16, s15, $0xb8;
	[tilespmem:$0x5700] =	vst v63  }
0x2b: {  	p1 =	sne.s32 s5, $0x1  }
0x2c: {  	[spmem:s3] =	stream.indirect.scatter.add.f32 [tilespmem:s11], [sflag:$0x1], $0x10, s17, s15, $0xb8;
	[tilespmem:$0x5700] =	vst v63  }
.Ltmp0:
0x2d: {  	_ = 	snop;
	(pc) =	sbr.rel @!p1 .LBB2_3-.Ltmp0, $4  }
0x2e: {  	_ =	swait.ge [sflag:s18], $0x800  }
0x2f: {  	[sflag:s18] =	ssyncset.done $0x0  }
0x30: {  	s21 =	sadd.s32 $0xFFFFFFFF, s5;
	s20 =	simm.s32 $0x200;
	[sflag:s18] =	ssyncadd.s32 $0xFFFFF800  }
0x31: {  	[spmem:s3] =	stream.indirect.scatter.add.f32 [tilespmem:s11], [sflag:$0x1], $0x10, s20, s15, $0xb8;
	[tilespmem:$0x5700] =	vst v63  }
.LBB2_2:
0x32: {  	_ =	swait.ge [sflag:s18], $0x800;
	p1 =	sne.s32 s21, $0x1  }
.Ltmp1:
0x33: {  	(pc) =	sbr.rel @p1 .LBB2_2-.Ltmp1, $4  }
0x34: {  	_ = 	snop  }
0x35: {  	s20 =	sadd.s32 $0x80, s20;
	[sflag:s18] =	ssyncset.done $0x0  }
0x36: {  	s21 =	sadd.s32 $0xFFFFFFFF, s21;
	[sflag:s18] =	ssyncadd.s32 $0xFFFFF800  }
0x37: {  	[spmem:s3] =	stream.indirect.scatter.add.f32 [tilespmem:s11], [sflag:$0x1], $0x10, s20, s15, $0xb8;
	[tilespmem:$0x5700] =	vst v63  }
.LBB2_3:
0x38: {  	_ =	swait.ge [sflag:s18], $0x800  }
0x39: {  	[sflag:s18] =	ssyncset.done $0x0  }
0x3a: {  	[sflag:s18] =	ssyncadd.s32 $0xFFFFF800  }
0x3b: {  	_ =	swait.ge [sflag:s18], $0x800  }
0x3c: {  	[sflag:s18] =	ssyncset.done $0x0  }
0x3d: {  	[sflag:s18] =	ssyncadd.s32 $0xFFFFF800  }
0x3e: {  	_ =	swait.ge [sflag:s18], $0x800  }
0x3f: {  	[sflag:s18] =	ssyncset.done $0x0  }
0x40: {  	[sflag:s18] =	ssyncadd.s32 $0xFFFFF800  }
0x41: {  	_ =	swait.ge [sflag:s18], $0x800  }
0x42: {  	s19 =	sadd.s32 $0x1, s19;
	[sflag:s18] =	ssyncset.done $0x0  }
0x43: {  	p1 =	sne.s32 s19, s10;
	[sflag:s18] =	ssyncadd.s32 $0xFFFFF800  }
.Ltmp2:
0x44: {  	[bflag:$0x0] =	sbarrier.arrive $0xFFFF;
	(pc) =	sbr.rel @p1 .LBB2_1-.Ltmp2, $4  }
0x45: {  	[hbm:s9], [sflag:s13] =	dma.local [spmem:s14], $0x4F0  }
0x46: {  	_ =	swait.ge [sflag:s12], $0x4F0  }
0x47: {  	[sflag:s12] =	ssyncset.done $0x0  }
0x48: {  	[sflag:s12] =	ssyncadd.s32 $0xFFFFFB10  }
0x49: {  	_ =	sfence.sel $0x180000  }
0x4a: {  	[bflag:$0x0] =	sbarrier.arrive $0xFFFF  }
0x4b: {  	p0 =	sne.s32 s1, $0x0;
	_ =	strace $0x90000047  }
0x4c: {  	s0 =	sadd.s32 @!p0 $0x100000, s0;
	[bflag:$0x2] =	sbarrier.arrive $0xFFFF  }
0x4d: {  	[sflag:s0] =	ssyncadd.tile.s32 @!p0 $0x1;
	_ =	shalt  }
.Lfunc_end2:
_tile_overlayer_lowered:
.L_overlay_start_2:
0x4e: {  	(tag) =	ssettag $0x2  }
0x4f: {  	s0 =	rddreg [dreg:$0x0];
	s2 =	stileid.u32  }
0x50: {  	s1 =	rddreg [dreg:$0x1];
	p0 =	sne.s32 s2, $0x0  }
0x51: {  	s3 =	rddreg [dreg:$0x2];
	[bflag:$0x3] =	sbarrier.arrive $0xFFFF;
	s2 =	simm.s32 @!p0 $0x1C03  }
0x52: {  	[timem:s3], [sflag:s2] =	dma.local @!p0 [hbm:s0], s1  }
0x53: {  	s0 =	simm.s32 @!p0 $0x3  }
0x54: {  	_ =	swait.ge @!p0 [sflag:s0], s1  }
0x55: {  	s1 =	ssub.s32 @!p0 $0x0, s1;
	[sflag:s0] =	ssyncset.done @!p0 $0x0  }
0x56: {  	[sflag:s0] =	ssyncadd.s32 @!p0 s1  }
0x57: {  	[bflag:$0x3] =	sbarrier.arrive $0xFFFF  }
0x58: {  	_ =	shalt  }

</sc_bundles>
